<compile_context>
chip_gen: v7x
topology: tpu7x:2x2x1
jax: 0.10.2.dev20260603
libtpu: 0.0.44.dev20260713+nightly
codegen_flags: <defaults>
</compile_context>

<pallas_src>
import functools

import jax
import jax.numpy as jnp
from jax import lax
from jax.experimental import pallas as pl
from jax.experimental.pallas import tpu as pltpu
from jax.experimental.pallas import tpu_sc as plsc

_L = 200
_B = 4096
_D = 64
_TB = 128
_NG = 4


def _build_kernel(V):
    info = plsc.get_sparse_core_info()
    NC, NS = info.num_cores, info.num_subcores
    NW = NC * NS
    NTC = _B // _TB
    UNITS = _L * NTC
    per_w = UNITS // NW
    assert UNITS % NW == 0 and per_w % _NG == 0

    mesh = plsc.VectorSubcoreMesh(core_axis_name="c", subcore_axis_name="s")

    @functools.partial(
        pl.kernel,
        mesh=mesh,
        out_type=jax.ShapeDtypeStruct((_L, _D // 8, NTC, 8, _TB), jnp.float32),
        compiler_params=pltpu.CompilerParams(
            use_tc_tiling_on_sc=False, needs_layout_passes=False),
        scratch_types=(
            [pltpu.VMEM((_TB,), jnp.int32) for _ in range(_NG)]
            + [pltpu.VMEM((_TB, _D), jnp.float32) for _ in range(_NG)]
            + [pltpu.VMEM((_D // 8, 8, _TB + 1), jnp.float32) for _ in range(4)]
            + [pltpu.VMEM((_L * _D,), jnp.float32)]
            + [pltpu.SemaphoreType.DMA for _ in range(2 * _NG + 4)]
        ),
    )
    def k(idx_hbm, tab_hbm, pos_hbm, out_hbm, *scr):
        idx_bufs = scr[:_NG]
        rows_bufs = scr[_NG:2 * _NG]
        tr_bufs = scr[2 * _NG:2 * _NG + 4]
        pos_v = scr[2 * _NG + 4]
        isems = scr[2 * _NG + 5:3 * _NG + 5]
        gsems = scr[3 * _NG + 5:4 * _NG + 5]
        ssems = scr[4 * _NG + 5:]

        wid = lax.axis_index("s") * NC + lax.axis_index("c")
        u_base = wid * per_w

        pltpu.sync_copy(pos_hbm, pos_v)

        iota16 = lax.iota(jnp.int32, 16)
        tvecs = [(iota16 + 16 * t) // 8 for t in range(_D // 16)]
        svecs = [(iota16 + 16 * t) % 8 for t in range(_D // 16)]

        def unit_lc(u):
            U = u_base + u
            return U // NTC, U % NTC

        def start_idx(u, b):
            l, tc = unit_lc(u)
            return pltpu.async_copy(
                idx_hbm.at[pl.ds(l * _B + tc * _TB, _TB)], idx_bufs[b],
                isems[b])

        def wait_idx(u, b):
            l, tc = unit_lc(u)
            pltpu.make_async_copy(
                idx_hbm.at[pl.ds(l * _B + tc * _TB, _TB)], idx_bufs[b],
                isems[b]).wait()

        def start_gather(b):
            return pltpu.async_copy(
                tab_hbm.at[idx_bufs[b]], rows_bufs[b], gsems[b])

        def wait_gather(b):
            pltpu.make_async_copy(
                tab_hbm.at[idx_bufs[b]], rows_bufs[b], gsems[b]).wait()

        def do_transpose_add(l, rows, trn):
            pos_base = l * _D
            pvs = [pos_v[pl.ds(pos_base + 16 * t, 16)] for t in range(_D // 16)]

            def body(q, _):
                for j in range(4):
                    r = q * 4 + j
                    rvec = jnp.full((16,), r, jnp.int32)
                    for t in range(_D // 16):
                        v = rows[r, pl.ds(16 * t, 16)] + pvs[t]
                        plsc.store_scatter(trn, [tvecs[t], svecs[t], rvec], v)
                return 0

            lax.fori_loop(0, _TB // 4, body, 0)

        def start_scatter(u, tb):
            l, tc = unit_lc(u)
            pltpu.async_copy(
                tr_bufs[tb].at[:, :, pl.ds(0, _TB)],
                out_hbm.at[l, :, tc], ssems[tb])

        def wait_scatter(u, tb):
            l, tc = unit_lc(u)
            pltpu.make_async_copy(
                tr_bufs[tb].at[:, :, pl.ds(0, _TB)],
                out_hbm.at[l, :, tc], ssems[tb]).wait()

        for b in range(_NG):
            start_idx(b, b)
        for b in range(_NG - 1):
            wait_idx(b, b)
            start_gather(b)

        def group(p, _):
            for b in range(_NG):
                u = _NG * p + b
                bg = (b + _NG - 1) % _NG
                tb = b

                @pl.when(u + _NG - 1 < per_w)
                def _():
                    wait_idx(u + _NG - 1, bg)
                    start_gather(bg)

                wait_gather(b)

                @pl.when(u + _NG < per_w)
                def _():
                    start_idx(u + _NG, b)

                @pl.when(u >= _NG)
                def _():
                    wait_scatter(u - _NG, tb)

                l, _tc = unit_lc(u)
                do_transpose_add(l, rows_bufs[b], tr_bufs[tb])
                start_scatter(u, tb)
            return 0

        lax.fori_loop(0, per_w // _NG, group, 0)
        for b in range(_NG):
            wait_scatter(per_w - _NG + b, b)

    return k


def kernel(inputs, token_table, pos_table):
    B, L = inputs.shape
    V, D = token_table.shape
    idx_t = jnp.transpose(inputs).reshape(L * B).astype(jnp.int32)
    pos_flat = pos_table.reshape(L * D)
    k = _build_kernel(V)
    out5 = k(idx_t, token_table, pos_flat)
    return out5.transpose(2, 4, 0, 1, 3).reshape(B, L, D)

# --- scband reference (transcript-rebuilt; emitter-appended) ---
"""Pipeline reference for scband-positional-embedding-41850161332322 (READ-ONLY COPY).

The authoritative reference and input builder live on the scoring server;
editing this copy changes nothing except your own understanding.
"""

import jax, jax.numpy as jnp
import numpy as np

SEQ_LEN = 200
VOCAB = 100000
DIM = 64
BATCH = 4096


def setup_inputs(seed: int = 0) -> dict:
    key = jax.random.key(seed)
    k1, k2, k3 = jax.random.split(key, 3)
    inputs = jax.random.randint(k1, (BATCH, SEQ_LEN), 0, VOCAB, dtype=jnp.int64 if jax.config.read('jax_enable_x64') else jnp.int32)
    token_table = jax.random.normal(k2, (VOCAB, DIM), dtype=jnp.float32) * 0.02
    pos_table = jax.random.normal(k3, (SEQ_LEN, DIM), dtype=jnp.float32) * 0.02
    return {"inputs": inputs, "token_table": token_table, "pos_table": pos_table}


def reference(inputs, token_table, pos_table):
    # token embedding lookup (gather)
    embedded_tokens = jnp.take(token_table, inputs, axis=0)  # [B, L, D]
    # positional embedding lookup
    length = inputs.shape[-1]
    positions = jnp.arange(0, length)
    embedded_positions = jnp.take(pos_table, positions, axis=0)  # [L, D]
    return embedded_tokens + embedded_positions[None, :, :]

if __name__ == "__main__":
    import jax
    _d = setup_inputs()
    print(jax.jit(kernel)(*tuple(_d.values())))

</pallas_src>

<mosaic_0001>
#map = affine_map<(d0, d1) -> (0)>
#map1 = affine_map<(d0, d1) -> (0, 0)>
#map2 = affine_map<(d0, d1) -> (0, 0, 0, 0, 0)>
module attributes {stable_mosaic.version = 14 : i64} {
  func.func @k(%arg0: i32, %arg1: i32, %arg2: memref<819200xi32, #tpu.memory_space<hbm>>, %arg3: memref<100000x64xf32, #tpu.memory_space<hbm>>, %arg4: memref<12800xf32, #tpu.memory_space<hbm>>, %arg5: memref<200x8x32x8x128xf32, #tpu.memory_space<hbm>>, %arg6: memref<128xi32, #tpu.memory_space<vmem>>, %arg7: memref<128xi32, #tpu.memory_space<vmem>>, %arg8: memref<128xi32, #tpu.memory_space<vmem>>, %arg9: memref<128xi32, #tpu.memory_space<vmem>>, %arg10: memref<128x64xf32, #tpu.memory_space<vmem>>, %arg11: memref<128x64xf32, #tpu.memory_space<vmem>>, %arg12: memref<128x64xf32, #tpu.memory_space<vmem>>, %arg13: memref<128x64xf32, #tpu.memory_space<vmem>>, %arg14: memref<8x8x129xf32, #tpu.memory_space<vmem>>, %arg15: memref<8x8x129xf32, #tpu.memory_space<vmem>>, %arg16: memref<8x8x129xf32, #tpu.memory_space<vmem>>, %arg17: memref<8x8x129xf32, #tpu.memory_space<vmem>>, %arg18: memref<12800xf32, #tpu.memory_space<vmem>>, %arg19: memref<!tpu.dma_semaphore, #tpu.memory_space<semaphore_mem>>, %arg20: memref<!tpu.dma_semaphore, #tpu.memory_space<semaphore_mem>>, %arg21: memref<!tpu.dma_semaphore, #tpu.memory_space<semaphore_mem>>, %arg22: memref<!tpu.dma_semaphore, #tpu.memory_space<semaphore_mem>>, %arg23: memref<!tpu.dma_semaphore, #tpu.memory_space<semaphore_mem>>, %arg24: memref<!tpu.dma_semaphore, #tpu.memory_space<semaphore_mem>>, %arg25: memref<!tpu.dma_semaphore, #tpu.memory_space<semaphore_mem>>, %arg26: memref<!tpu.dma_semaphore, #tpu.memory_space<semaphore_mem>>, %arg27: memref<!tpu.dma_semaphore, #tpu.memory_space<semaphore_mem>>, %arg28: memref<!tpu.dma_semaphore, #tpu.memory_space<semaphore_mem>>, %arg29: memref<!tpu.dma_semaphore, #tpu.memory_space<semaphore_mem>>, %arg30: memref<!tpu.dma_semaphore, #tpu.memory_space<semaphore_mem>>) attributes {dimension_semantics = [#tpu.dimension_semantics<core_parallel>, #tpu.dimension_semantics<subcore_parallel>], iteration_bounds = array<i64: 2, 16>, scalar_prefetch = 0 : i64, scratch_operands = 25 : i64, tpu.core_type = #tpu.core_type<sc_vector_subcore>, window_params = [{transform_indices = #map}, {transform_indices = #map1}, {transform_indices = #map}, {transform_indices = #map2}]} {
    %mul3A = arith.constant 2 : i32
    %mul3A_0 = arith.muli %arg1, %mul3A : i32
    %add3A = arith.addi %mul3A_0, %arg0 : i32
    %mul3A_1 = arith.constant 200 : i32
    %mul3A_2 = arith.muli %add3A, %mul3A_1 : i32
    "tpu.region"() ({
      %run_scoped3A = tpu.sem_alloc : memref<!tpu.dma_semaphore, #tpu.memory_space<semaphore_mem>>
      tpu.enqueue_dma source(%arg4 : memref<12800xf32, #tpu.memory_space<hbm>>) target(%arg18 : memref<12800xf32, #tpu.memory_space<vmem>>) target_semaphore(%run_scoped3A : memref<!tpu.dma_semaphore, #tpu.memory_space<semaphore_mem>>)
      tpu.wait_dma2 semaphore(%run_scoped3A : memref<!tpu.dma_semaphore, #tpu.memory_space<semaphore_mem>>) src(%arg4 : memref<12800xf32, #tpu.memory_space<hbm>>) dst(%arg18 : memref<12800xf32, #tpu.memory_space<vmem>>)
      tpu.yield
    }) : () -> ()
    %iota3A = tpu.iota {dimensions = array<i32: 0>} : vector<16xi32>
    %add3A_3 = arith.constant 0 : i32
    %add3A_4 = vector.broadcast %add3A_3 : i32 to vector<16xi32>
    %add3A_5 = arith.addi %iota3A, %add3A_4 : vector<16xi32>
    %jit3A = arith.constant 8 : i32
    %div3A = vector.broadcast %jit3A : i32 to vector<16xi32>
    %div3A_6 = arith.divsi %add3A_5, %div3A : vector<16xi32>
    %sign3A = arith.constant 0 : i32
    %sign3A_7 = vector.broadcast %sign3A : i32 to vector<16xi32>
    %sign3A_8 = arith.cmpi sgt, %add3A_5, %sign3A_7 : vector<16xi32>
    %sign3A_9 = arith.extui %sign3A_8 : vector<16xi1> to vector<16xi32>
    %sign3A_10 = arith.constant 0 : i32
    %sign3A_11 = vector.broadcast %sign3A_10 : i32 to vector<16xi32>
    %sign3A_12 = arith.cmpi slt, %add3A_5, %sign3A_11 : vector<16xi32>
    %sign3A_13 = arith.extui %sign3A_12 : vector<16xi1> to vector<16xi32>
    %sign3A_14 = arith.subi %sign3A_9, %sign3A_13 : vector<16xi32>
    %sign3A_15 = arith.constant 0 : i32
    %sign3A_16 = arith.cmpi sgt, %jit3A, %sign3A_15 : i32
    %sign3A_17 = arith.extui %sign3A_16 : i1 to i32
    %sign3A_18 = arith.constant 0 : i32
    %sign3A_19 = arith.cmpi slt, %jit3A, %sign3A_18 : i32
    %sign3A_20 = arith.extui %sign3A_19 : i1 to i32
    %sign3A_21 = arith.subi %sign3A_17, %sign3A_20 : i32
    %ne3A = vector.broadcast %sign3A_21 : i32 to vector<16xi32>
    %ne3A_22 = arith.cmpi ne, %sign3A_14, %ne3A : vector<16xi32>
    %rem3A = vector.broadcast %jit3A : i32 to vector<16xi32>
    %rem3A_23 = arith.remsi %add3A_5, %rem3A : vector<16xi32>
    %ne3A_24 = arith.constant 0 : i32
    %ne3A_25 = vector.broadcast %ne3A_24 : i32 to vector<16xi32>
    %ne3A_26 = arith.cmpi ne, %rem3A_23, %ne3A_25 : vector<16xi32>
    %and3A = arith.andi %ne3A_22, %ne3A_26 : vector<16xi1>
    %sub3A = arith.constant 1 : i32
    %sub3A_27 = vector.broadcast %sub3A : i32 to vector<16xi32>
    %sub3A_28 = arith.subi %div3A_6, %sub3A_27 : vector<16xi32>
    %select_n3A = arith.select %and3A, %sub3A_28, %div3A_6 : vector<16xi1>, vector<16xi32>
    %add3A_29 = arith.constant 16 : i32
    %add3A_30 = vector.broadcast %add3A_29 : i32 to vector<16xi32>
    %add3A_31 = arith.addi %iota3A, %add3A_30 : vector<16xi32>
    %jit3A_32 = arith.constant 8 : i32
    %div3A_33 = vector.broadcast %jit3A_32 : i32 to vector<16xi32>
    %div3A_34 = arith.divsi %add3A_31, %div3A_33 : vector<16xi32>
    %sign3A_35 = arith.constant 0 : i32
    %sign3A_36 = vector.broadcast %sign3A_35 : i32 to vector<16xi32>
    %sign3A_37 = arith.cmpi sgt, %add3A_31, %sign3A_36 : vector<16xi32>
    %sign3A_38 = arith.extui %sign3A_37 : vector<16xi1> to vector<16xi32>
    %sign3A_39 = arith.constant 0 : i32
    %sign3A_40 = vector.broadcast %sign3A_39 : i32 to vector<16xi32>
    %sign3A_41 = arith.cmpi slt, %add3A_31, %sign3A_40 : vector<16xi32>
    %sign3A_42 = arith.extui %sign3A_41 : vector<16xi1> to vector<16xi32>
    %sign3A_43 = arith.subi %sign3A_38, %sign3A_42 : vector<16xi32>
    %sign3A_44 = arith.constant 0 : i32
    %sign3A_45 = arith.cmpi sgt, %jit3A_32, %sign3A_44 : i32
    %sign3A_46 = arith.extui %sign3A_45 : i1 to i32
    %sign3A_47 = arith.constant 0 : i32
    %sign3A_48 = arith.cmpi slt, %jit3A_32, %sign3A_47 : i32
    %sign3A_49 = arith.extui %sign3A_48 : i1 to i32
    %sign3A_50 = arith.subi %sign3A_46, %sign3A_49 : i32
    %ne3A_51 = vector.broadcast %sign3A_50 : i32 to vector<16xi32>
    %ne3A_52 = arith.cmpi ne, %sign3A_43, %ne3A_51 : vector<16xi32>
    %rem3A_53 = vector.broadcast %jit3A_32 : i32 to vector<16xi32>
    %rem3A_54 = arith.remsi %add3A_31, %rem3A_53 : vector<16xi32>
    %ne3A_55 = arith.constant 0 : i32
    %ne3A_56 = vector.broadcast %ne3A_55 : i32 to vector<16xi32>
    %ne3A_57 = arith.cmpi ne, %rem3A_54, %ne3A_56 : vector<16xi32>
    %and3A_58 = arith.andi %ne3A_52, %ne3A_57 : vector<16xi1>
    %sub3A_59 = arith.constant 1 : i32
    %sub3A_60 = vector.broadcast %sub3A_59 : i32 to vector<16xi32>
    %sub3A_61 = arith.subi %div3A_34, %sub3A_60 : vector<16xi32>
    %select_n3A_62 = arith.select %and3A_58, %sub3A_61, %div3A_34 : vector<16xi1>, vector<16xi32>
    %add3A_63 = arith.constant 32 : i32
    %add3A_64 = vector.broadcast %add3A_63 : i32 to vector<16xi32>
    %add3A_65 = arith.addi %iota3A, %add3A_64 : vector<16xi32>
    %jit3A_66 = arith.constant 8 : i32
    %div3A_67 = vector.broadcast %jit3A_66 : i32 to vector<16xi32>
    %div3A_68 = arith.divsi %add3A_65, %div3A_67 : vector<16xi32>
    %sign3A_69 = arith.constant 0 : i32
    %sign3A_70 = vector.broadcast %sign3A_69 : i32 to vector<16xi32>
    %sign3A_71 = arith.cmpi sgt, %add3A_65, %sign3A_70 : vector<16xi32>
    %sign3A_72 = arith.extui %sign3A_71 : vector<16xi1> to vector<16xi32>
    %sign3A_73 = arith.constant 0 : i32
    %sign3A_74 = vector.broadcast %sign3A_73 : i32 to vector<16xi32>
    %sign3A_75 = arith.cmpi slt, %add3A_65, %sign3A_74 : vector<16xi32>
    %sign3A_76 = arith.extui %sign3A_75 : vector<16xi1> to vector<16xi32>
    %sign3A_77 = arith.subi %sign3A_72, %sign3A_76 : vector<16xi32>
    %sign3A_78 = arith.constant 0 : i32
    %sign3A_79 = arith.cmpi sgt, %jit3A_66, %sign3A_78 : i32
    %sign3A_80 = arith.extui %sign3A_79 : i1 to i32
    %sign3A_81 = arith.constant 0 : i32
    %sign3A_82 = arith.cmpi slt, %jit3A_66, %sign3A_81 : i32
    %sign3A_83 = arith.extui %sign3A_82 : i1 to i32
    %sign3A_84 = arith.subi %sign3A_80, %sign3A_83 : i32
    %ne3A_85 = vector.broadcast %sign3A_84 : i32 to vector<16xi32>
    %ne3A_86 = arith.cmpi ne, %sign3A_77, %ne3A_85 : vector<16xi32>
    %rem3A_87 = vector.broadcast %jit3A_66 : i32 to vector<16xi32>
    %rem3A_88 = arith.remsi %add3A_65, %rem3A_87 : vector<16xi32>
    %ne3A_89 = arith.constant 0 : i32
    %ne3A_90 = vector.broadcast %ne3A_89 : i32 to vector<16xi32>
    %ne3A_91 = arith.cmpi ne, %rem3A_88, %ne3A_90 : vector<16xi32>
    %and3A_92 = arith.andi %ne3A_86, %ne3A_91 : vector<16xi1>
    %sub3A_93 = arith.constant 1 : i32
    %sub3A_94 = vector.broadcast %sub3A_93 : i32 to vector<16xi32>
    %sub3A_95 = arith.subi %div3A_68, %sub3A_94 : vector<16xi32>
    %select_n3A_96 = arith.select %and3A_92, %sub3A_95, %div3A_68 : vector<16xi1>, vector<16xi32>
    %add3A_97 = arith.constant 48 : i32
    %add3A_98 = vector.broadcast %add3A_97 : i32 to vector<16xi32>
    %add3A_99 = arith.addi %iota3A, %add3A_98 : vector<16xi32>
    %jit3A_100 = arith.constant 8 : i32
    %div3A_101 = vector.broadcast %jit3A_100 : i32 to vector<16xi32>
    %div3A_102 = arith.divsi %add3A_99, %div3A_101 : vector<16xi32>
    %sign3A_103 = arith.constant 0 : i32
    %sign3A_104 = vector.broadcast %sign3A_103 : i32 to vector<16xi32>
    %sign3A_105 = arith.cmpi sgt, %add3A_99, %sign3A_104 : vector<16xi32>
    %sign3A_106 = arith.extui %sign3A_105 : vector<16xi1> to vector<16xi32>
    %sign3A_107 = arith.constant 0 : i32
    %sign3A_108 = vector.broadcast %sign3A_107 : i32 to vector<16xi32>
    %sign3A_109 = arith.cmpi slt, %add3A_99, %sign3A_108 : vector<16xi32>
    %sign3A_110 = arith.extui %sign3A_109 : vector<16xi1> to vector<16xi32>
    %sign3A_111 = arith.subi %sign3A_106, %sign3A_110 : vector<16xi32>
    %sign3A_112 = arith.constant 0 : i32
    %sign3A_113 = arith.cmpi sgt, %jit3A_100, %sign3A_112 : i32
    %sign3A_114 = arith.extui %sign3A_113 : i1 to i32
    %sign3A_115 = arith.constant 0 : i32
    %sign3A_116 = arith.cmpi slt, %jit3A_100, %sign3A_115 : i32
    %sign3A_117 = arith.extui %sign3A_116 : i1 to i32
    %sign3A_118 = arith.subi %sign3A_114, %sign3A_117 : i32
    %ne3A_119 = vector.broadcast %sign3A_118 : i32 to vector<16xi32>
    %ne3A_120 = arith.cmpi ne, %sign3A_111, %ne3A_119 : vector<16xi32>
    %rem3A_121 = vector.broadcast %jit3A_100 : i32 to vector<16xi32>
    %rem3A_122 = arith.remsi %add3A_99, %rem3A_121 : vector<16xi32>
    %ne3A_123 = arith.constant 0 : i32
    %ne3A_124 = vector.broadcast %ne3A_123 : i32 to vector<16xi32>
    %ne3A_125 = arith.cmpi ne, %rem3A_122, %ne3A_124 : vector<16xi32>
    %and3A_126 = arith.andi %ne3A_120, %ne3A_125 : vector<16xi1>
    %sub3A_127 = arith.constant 1 : i32
    %sub3A_128 = vector.broadcast %sub3A_127 : i32 to vector<16xi32>
    %sub3A_129 = arith.subi %div3A_102, %sub3A_128 : vector<16xi32>
    %select_n3A_130 = arith.select %and3A_126, %sub3A_129, %div3A_102 : vector<16xi1>, vector<16xi32>
    %add3A_131 = arith.constant 0 : i32
    %add3A_132 = vector.broadcast %add3A_131 : i32 to vector<16xi32>
    %add3A_133 = arith.addi %iota3A, %add3A_132 : vector<16xi32>
    %jit3A_134 = arith.constant 8 : i32
    %eq3A = arith.constant 0 : i32
    %eq3A_135 = arith.cmpi eq, %jit3A_134, %eq3A : i32
    %jit3A_136 = arith.constant 1 : i32
    %select_n3A_137 = arith.select %eq3A_135, %jit3A_136, %jit3A_134 : i32
    %rem3A_138 = vector.broadcast %select_n3A_137 : i32 to vector<16xi32>
    %rem3A_139 = arith.remsi %add3A_133, %rem3A_138 : vector<16xi32>
    %ne3A_140 = arith.constant 0 : i32
    %ne3A_141 = vector.broadcast %ne3A_140 : i32 to vector<16xi32>
    %ne3A_142 = arith.cmpi ne, %rem3A_139, %ne3A_141 : vector<16xi32>
    %lt3A = arith.constant 0 : i32
    %lt3A_143 = vector.broadcast %lt3A : i32 to vector<16xi32>
    %lt3A_144 = arith.cmpi slt, %rem3A_139, %lt3A_143 : vector<16xi32>
    %lt3A_145 = arith.constant 0 : i32
    %lt3A_146 = arith.cmpi slt, %select_n3A_137, %lt3A_145 : i32
    %ne3A_147 = vector.broadcast %lt3A_146 : i1 to vector<16xi1>
    %ne3A_148 = vector.broadcast %ne3A_147 : vector<16xi1> to vector<16xi1>
    %ne3A_149 = arith.xori %lt3A_144, %ne3A_148 : vector<16xi1>
    %and3A_150 = arith.andi %ne3A_149, %ne3A_142 : vector<16xi1>
    %add3A_151 = vector.broadcast %select_n3A_137 : i32 to vector<16xi32>
    %add3A_152 = arith.addi %rem3A_139, %add3A_151 : vector<16xi32>
    %select_n3A_153 = arith.select %and3A_150, %add3A_152, %rem3A_139 : vector<16xi1>, vector<16xi32>
    %add3A_154 = arith.constant 16 : i32
    %add3A_155 = vector.broadcast %add3A_154 : i32 to vector<16xi32>
    %add3A_156 = arith.addi %iota3A, %add3A_155 : vector<16xi32>
    %jit3A_157 = arith.constant 8 : i32
    %eq3A_158 = arith.constant 0 : i32
    %eq3A_159 = arith.cmpi eq, %jit3A_157, %eq3A_158 : i32
    %jit3A_160 = arith.constant 1 : i32
    %select_n3A_161 = arith.select %eq3A_159, %jit3A_160, %jit3A_157 : i32
    %rem3A_162 = vector.broadcast %select_n3A_161 : i32 to vector<16xi32>
    %rem3A_163 = arith.remsi %add3A_156, %rem3A_162 : vector<16xi32>
    %ne3A_164 = arith.constant 0 : i32
    %ne3A_165 = vector.broadcast %ne3A_164 : i32 to vector<16xi32>
    %ne3A_166 = arith.cmpi ne, %rem3A_163, %ne3A_165 : vector<16xi32>
    %lt3A_167 = arith.constant 0 : i32
    %lt3A_168 = vector.broadcast %lt3A_167 : i32 to vector<16xi32>
    %lt3A_169 = arith.cmpi slt, %rem3A_163, %lt3A_168 : vector<16xi32>
    %lt3A_170 = arith.constant 0 : i32
    %lt3A_171 = arith.cmpi slt, %select_n3A_161, %lt3A_170 : i32
    %ne3A_172 = vector.broadcast %lt3A_171 : i1 to vector<16xi1>
    %ne3A_173 = vector.broadcast %ne3A_172 : vector<16xi1> to vector<16xi1>
    %ne3A_174 = arith.xori %lt3A_169, %ne3A_173 : vector<16xi1>
    %and3A_175 = arith.andi %ne3A_174, %ne3A_166 : vector<16xi1>
    %add3A_176 = vector.broadcast %select_n3A_161 : i32 to vector<16xi32>
    %add3A_177 = arith.addi %rem3A_163, %add3A_176 : vector<16xi32>
    %select_n3A_178 = arith.select %and3A_175, %add3A_177, %rem3A_163 : vector<16xi1>, vector<16xi32>
    %add3A_179 = arith.constant 32 : i32
    %add3A_180 = vector.broadcast %add3A_179 : i32 to vector<16xi32>
    %add3A_181 = arith.addi %iota3A, %add3A_180 : vector<16xi32>
    %jit3A_182 = arith.constant 8 : i32
    %eq3A_183 = arith.constant 0 : i32
    %eq3A_184 = arith.cmpi eq, %jit3A_182, %eq3A_183 : i32
    %jit3A_185 = arith.constant 1 : i32
    %select_n3A_186 = arith.select %eq3A_184, %jit3A_185, %jit3A_182 : i32
    %rem3A_187 = vector.broadcast %select_n3A_186 : i32 to vector<16xi32>
    %rem3A_188 = arith.remsi %add3A_181, %rem3A_187 : vector<16xi32>
    %ne3A_189 = arith.constant 0 : i32
    %ne3A_190 = vector.broadcast %ne3A_189 : i32 to vector<16xi32>
    %ne3A_191 = arith.cmpi ne, %rem3A_188, %ne3A_190 : vector<16xi32>
    %lt3A_192 = arith.constant 0 : i32
    %lt3A_193 = vector.broadcast %lt3A_192 : i32 to vector<16xi32>
    %lt3A_194 = arith.cmpi slt, %rem3A_188, %lt3A_193 : vector<16xi32>
    %lt3A_195 = arith.constant 0 : i32
    %lt3A_196 = arith.cmpi slt, %select_n3A_186, %lt3A_195 : i32
    %ne3A_197 = vector.broadcast %lt3A_196 : i1 to vector<16xi1>
    %ne3A_198 = vector.broadcast %ne3A_197 : vector<16xi1> to vector<16xi1>
    %ne3A_199 = arith.xori %lt3A_194, %ne3A_198 : vector<16xi1>
    %and3A_200 = arith.andi %ne3A_199, %ne3A_191 : vector<16xi1>
    %add3A_201 = vector.broadcast %select_n3A_186 : i32 to vector<16xi32>
    %add3A_202 = arith.addi %rem3A_188, %add3A_201 : vector<16xi32>
    %select_n3A_203 = arith.select %and3A_200, %add3A_202, %rem3A_188 : vector<16xi1>, vector<16xi32>
    %add3A_204 = arith.constant 48 : i32
    %add3A_205 = vector.broadcast %add3A_204 : i32 to vector<16xi32>
    %add3A_206 = arith.addi %iota3A, %add3A_205 : vector<16xi32>
    %jit3A_207 = arith.constant 8 : i32
    %eq3A_208 = arith.constant 0 : i32
    %eq3A_209 = arith.cmpi eq, %jit3A_207, %eq3A_208 : i32
    %jit3A_210 = arith.constant 1 : i32
    %select_n3A_211 = arith.select %eq3A_209, %jit3A_210, %jit3A_207 : i32
    %rem3A_212 = vector.broadcast %select_n3A_211 : i32 to vector<16xi32>
    %rem3A_213 = arith.remsi %add3A_206, %rem3A_212 : vector<16xi32>
    %ne3A_214 = arith.constant 0 : i32
    %ne3A_215 = vector.broadcast %ne3A_214 : i32 to vector<16xi32>
    %ne3A_216 = arith.cmpi ne, %rem3A_213, %ne3A_215 : vector<16xi32>
    %lt3A_217 = arith.constant 0 : i32
    %lt3A_218 = vector.broadcast %lt3A_217 : i32 to vector<16xi32>
    %lt3A_219 = arith.cmpi slt, %rem3A_213, %lt3A_218 : vector<16xi32>
    %lt3A_220 = arith.constant 0 : i32
    %lt3A_221 = arith.cmpi slt, %select_n3A_211, %lt3A_220 : i32
    %ne3A_222 = vector.broadcast %lt3A_221 : i1 to vector<16xi1>
    %ne3A_223 = vector.broadcast %ne3A_222 : vector<16xi1> to vector<16xi1>
    %ne3A_224 = arith.xori %lt3A_219, %ne3A_223 : vector<16xi1>
    %and3A_225 = arith.andi %ne3A_224, %ne3A_216 : vector<16xi1>
    %add3A_226 = vector.broadcast %select_n3A_211 : i32 to vector<16xi32>
    %add3A_227 = arith.addi %rem3A_213, %add3A_226 : vector<16xi32>
    %select_n3A_228 = arith.select %and3A_225, %add3A_227, %rem3A_213 : vector<16xi1>, vector<16xi32>
    %add3A_229 = arith.constant 0 : i32
    %add3A_230 = arith.addi %mul3A_2, %add3A_229 : i32
    %jit3A_231 = arith.constant 32 : i32
    %div3A_232 = arith.divsi %add3A_230, %jit3A_231 : i32
    %sign3A_233 = arith.constant 0 : i32
    %sign3A_234 = arith.cmpi sgt, %add3A_230, %sign3A_233 : i32
    %sign3A_235 = arith.extui %sign3A_234 : i1 to i32
    %sign3A_236 = arith.constant 0 : i32
    %sign3A_237 = arith.cmpi slt, %add3A_230, %sign3A_236 : i32
    %sign3A_238 = arith.extui %sign3A_237 : i1 to i32
    %sign3A_239 = arith.subi %sign3A_235, %sign3A_238 : i32
    %sign3A_240 = arith.constant 0 : i32
    %sign3A_241 = arith.cmpi sgt, %jit3A_231, %sign3A_240 : i32
    %sign3A_242 = arith.extui %sign3A_241 : i1 to i32
    %sign3A_243 = arith.constant 0 : i32
    %sign3A_244 = arith.cmpi slt, %jit3A_231, %sign3A_243 : i32
    %sign3A_245 = arith.extui %sign3A_244 : i1 to i32
    %sign3A_246 = arith.subi %sign3A_242, %sign3A_245 : i32
    %ne3A_247 = arith.cmpi ne, %sign3A_239, %sign3A_246 : i32
    %rem3A_248 = arith.remsi %add3A_230, %jit3A_231 : i32
    %ne3A_249 = arith.constant 0 : i32
    %ne3A_250 = arith.cmpi ne, %rem3A_248, %ne3A_249 : i32
    %and3A_251 = arith.andi %ne3A_247, %ne3A_250 : i1
    %sub3A_252 = arith.constant 1 : i32
    %sub3A_253 = arith.subi %div3A_232, %sub3A_252 : i32
    %select_n3A_254 = arith.select %and3A_251, %sub3A_253, %div3A_232 : i32
    %jit3A_255 = arith.constant 32 : i32
    %eq3A_256 = arith.constant 0 : i32
    %eq3A_257 = arith.cmpi eq, %jit3A_255, %eq3A_256 : i32
    %jit3A_258 = arith.constant 1 : i32
    %select_n3A_259 = arith.select %eq3A_257, %jit3A_258, %jit3A_255 : i32
    %rem3A_260 = arith.remsi %add3A_230, %select_n3A_259 : i32
    %ne3A_261 = arith.constant 0 : i32
    %ne3A_262 = arith.cmpi ne, %rem3A_260, %ne3A_261 : i32
    %lt3A_263 = arith.constant 0 : i32
    %lt3A_264 = arith.cmpi slt, %rem3A_260, %lt3A_263 : i32
    %lt3A_265 = arith.constant 0 : i32
    %lt3A_266 = arith.cmpi slt, %select_n3A_259, %lt3A_265 : i32
    %ne3A_267 = arith.xori %lt3A_264, %lt3A_266 : i1
    %and3A_268 = arith.andi %ne3A_267, %ne3A_262 : i1
    %add3A_269 = arith.addi %rem3A_260, %select_n3A_259 : i32
    %select_n3A_270 = arith.select %and3A_268, %add3A_269, %rem3A_260 : i32
    %mul3A_271 = arith.constant 4096 : i32
    %mul3A_272 = arith.muli %select_n3A_254, %mul3A_271 : i32
    %mul3A_273 = arith.constant 128 : i32
    %mul3A_274 = arith.muli %select_n3A_270, %mul3A_273 : i32
    %add3A_275 = arith.addi %mul3A_272, %mul3A_274 : i32
    %dma_start3A = tpu.memref_slice %arg2[%add3A_275] : memref<819200xi32, #tpu.memory_space<hbm>> -> memref<128xi32, #tpu.memory_space<hbm>>
    %dma_start3A_276 = tpu.memref_slice %arg2[%add3A_275] : memref<819200xi32, #tpu.memory_space<hbm>> -> memref<128xi32, #tpu.memory_space<hbm>>
    tpu.enqueue_dma source(%dma_start3A_276 : memref<128xi32, #tpu.memory_space<hbm>>) target(%arg6 : memref<128xi32, #tpu.memory_space<vmem>>) target_semaphore(%arg19 : memref<!tpu.dma_semaphore, #tpu.memory_space<semaphore_mem>>)
    %add3A_277 = arith.constant 1 : i32
    %add3A_278 = arith.addi %mul3A_2, %add3A_277 : i32
    %jit3A_279 = arith.constant 32 : i32
    %div3A_280 = arith.divsi %add3A_278, %jit3A_279 : i32
    %sign3A_281 = arith.constant 0 : i32
    %sign3A_282 = arith.cmpi sgt, %add3A_278, %sign3A_281 : i32
    %sign3A_283 = arith.extui %sign3A_282 : i1 to i32
    %sign3A_284 = arith.constant 0 : i32
    %sign3A_285 = arith.cmpi slt, %add3A_278, %sign3A_284 : i32
    %sign3A_286 = arith.extui %sign3A_285 : i1 to i32
    %sign3A_287 = arith.subi %sign3A_283, %sign3A_286 : i32
    %sign3A_288 = arith.constant 0 : i32
    %sign3A_289 = arith.cmpi sgt, %jit3A_279, %sign3A_288 : i32
    %sign3A_290 = arith.extui %sign3A_289 : i1 to i32
    %sign3A_291 = arith.constant 0 : i32
    %sign3A_292 = arith.cmpi slt, %jit3A_279, %sign3A_291 : i32
    %sign3A_293 = arith.extui %sign3A_292 : i1 to i32
    %sign3A_294 = arith.subi %sign3A_290, %sign3A_293 : i32
    %ne3A_295 = arith.cmpi ne, %sign3A_287, %sign3A_294 : i32
    %rem3A_296 = arith.remsi %add3A_278, %jit3A_279 : i32
    %ne3A_297 = arith.constant 0 : i32
    %ne3A_298 = arith.cmpi ne, %rem3A_296, %ne3A_297 : i32
    %and3A_299 = arith.andi %ne3A_295, %ne3A_298 : i1
    %sub3A_300 = arith.constant 1 : i32
    %sub3A_301 = arith.subi %div3A_280, %sub3A_300 : i32
    %select_n3A_302 = arith.select %and3A_299, %sub3A_301, %div3A_280 : i32
    %jit3A_303 = arith.constant 32 : i32
    %eq3A_304 = arith.constant 0 : i32
    %eq3A_305 = arith.cmpi eq, %jit3A_303, %eq3A_304 : i32
    %jit3A_306 = arith.constant 1 : i32
    %select_n3A_307 = arith.select %eq3A_305, %jit3A_306, %jit3A_303 : i32
    %rem3A_308 = arith.remsi %add3A_278, %select_n3A_307 : i32
    %ne3A_309 = arith.constant 0 : i32
    %ne3A_310 = arith.cmpi ne, %rem3A_308, %ne3A_309 : i32
    %lt3A_311 = arith.constant 0 : i32
    %lt3A_312 = arith.cmpi slt, %rem3A_308, %lt3A_311 : i32
    %lt3A_313 = arith.constant 0 : i32
    %lt3A_314 = arith.cmpi slt, %select_n3A_307, %lt3A_313 : i32
    %ne3A_315 = arith.xori %lt3A_312, %lt3A_314 : i1
    %and3A_316 = arith.andi %ne3A_315, %ne3A_310 : i1
    %add3A_317 = arith.addi %rem3A_308, %select_n3A_307 : i32
    %select_n3A_318 = arith.select %and3A_316, %add3A_317, %rem3A_308 : i32
    %mul3A_319 = arith.constant 4096 : i32
    %mul3A_320 = arith.muli %select_n3A_302, %mul3A_319 : i32
    %mul3A_321 = arith.constant 128 : i32
    %mul3A_322 = arith.muli %select_n3A_318, %mul3A_321 : i32
    %add3A_323 = arith.addi %mul3A_320, %mul3A_322 : i32
    %dma_start3A_324 = tpu.memref_slice %arg2[%add3A_323] : memref<819200xi32, #tpu.memory_space<hbm>> -> memref<128xi32, #tpu.memory_space<hbm>>
    %dma_start3A_325 = tpu.memref_slice %arg2[%add3A_323] : memref<819200xi32, #tpu.memory_space<hbm>> -> memref<128xi32, #tpu.memory_space<hbm>>
    tpu.enqueue_dma source(%dma_start3A_325 : memref<128xi32, #tpu.memory_space<hbm>>) target(%arg7 : memref<128xi32, #tpu.memory_space<vmem>>) target_semaphore(%arg20 : memref<!tpu.dma_semaphore, #tpu.memory_space<semaphore_mem>>)
    %add3A_326 = arith.constant 2 : i32
    %add3A_327 = arith.addi %mul3A_2, %add3A_326 : i32
    %jit3A_328 = arith.constant 32 : i32
    %div3A_329 = arith.divsi %add3A_327, %jit3A_328 : i32
    %sign3A_330 = arith.constant 0 : i32
    %sign3A_331 = arith.cmpi sgt, %add3A_327, %sign3A_330 : i32
    %sign3A_332 = arith.extui %sign3A_331 : i1 to i32
    %sign3A_333 = arith.constant 0 : i32
    %sign3A_334 = arith.cmpi slt, %add3A_327, %sign3A_333 : i32
    %sign3A_335 = arith.extui %sign3A_334 : i1 to i32
    %sign3A_336 = arith.subi %sign3A_332, %sign3A_335 : i32
    %sign3A_337 = arith.constant 0 : i32
    %sign3A_338 = arith.cmpi sgt, %jit3A_328, %sign3A_337 : i32
    %sign3A_339 = arith.extui %sign3A_338 : i1 to i32
    %sign3A_340 = arith.constant 0 : i32
    %sign3A_341 = arith.cmpi slt, %jit3A_328, %sign3A_340 : i32
    %sign3A_342 = arith.extui %sign3A_341 : i1 to i32
    %sign3A_343 = arith.subi %sign3A_339, %sign3A_342 : i32
    %ne3A_344 = arith.cmpi ne, %sign3A_336, %sign3A_343 : i32
    %rem3A_345 = arith.remsi %add3A_327, %jit3A_328 : i32
    %ne3A_346 = arith.constant 0 : i32
    %ne3A_347 = arith.cmpi ne, %rem3A_345, %ne3A_346 : i32
    %and3A_348 = arith.andi %ne3A_344, %ne3A_347 : i1
    %sub3A_349 = arith.constant 1 : i32
    %sub3A_350 = arith.subi %div3A_329, %sub3A_349 : i32
    %select_n3A_351 = arith.select %and3A_348, %sub3A_350, %div3A_329 : i32
    %jit3A_352 = arith.constant 32 : i32
    %eq3A_353 = arith.constant 0 : i32
    %eq3A_354 = arith.cmpi eq, %jit3A_352, %eq3A_353 : i32
    %jit3A_355 = arith.constant 1 : i32
    %select_n3A_356 = arith.select %eq3A_354, %jit3A_355, %jit3A_352 : i32
    %rem3A_357 = arith.remsi %add3A_327, %select_n3A_356 : i32
    %ne3A_358 = arith.constant 0 : i32
    %ne3A_359 = arith.cmpi ne, %rem3A_357, %ne3A_358 : i32
    %lt3A_360 = arith.constant 0 : i32
    %lt3A_361 = arith.cmpi slt, %rem3A_357, %lt3A_360 : i32
    %lt3A_362 = arith.constant 0 : i32
    %lt3A_363 = arith.cmpi slt, %select_n3A_356, %lt3A_362 : i32
    %ne3A_364 = arith.xori %lt3A_361, %lt3A_363 : i1
    %and3A_365 = arith.andi %ne3A_364, %ne3A_359 : i1
    %add3A_366 = arith.addi %rem3A_357, %select_n3A_356 : i32
    %select_n3A_367 = arith.select %and3A_365, %add3A_366, %rem3A_357 : i32
    %mul3A_368 = arith.constant 4096 : i32
    %mul3A_369 = arith.muli %select_n3A_351, %mul3A_368 : i32
    %mul3A_370 = arith.constant 128 : i32
    %mul3A_371 = arith.muli %select_n3A_367, %mul3A_370 : i32
    %add3A_372 = arith.addi %mul3A_369, %mul3A_371 : i32
    %dma_start3A_373 = tpu.memref_slice %arg2[%add3A_372] : memref<819200xi32, #tpu.memory_space<hbm>> -> memref<128xi32, #tpu.memory_space<hbm>>
    %dma_start3A_374 = tpu.memref_slice %arg2[%add3A_372] : memref<819200xi32, #tpu.memory_space<hbm>> -> memref<128xi32, #tpu.memory_space<hbm>>
    tpu.enqueue_dma source(%dma_start3A_374 : memref<128xi32, #tpu.memory_space<hbm>>) target(%arg8 : memref<128xi32, #tpu.memory_space<vmem>>) target_semaphore(%arg21 : memref<!tpu.dma_semaphore, #tpu.memory_space<semaphore_mem>>)
    %add3A_375 = arith.constant 3 : i32
    %add3A_376 = arith.addi %mul3A_2, %add3A_375 : i32
    %jit3A_377 = arith.constant 32 : i32
    %div3A_378 = arith.divsi %add3A_376, %jit3A_377 : i32
    %sign3A_379 = arith.constant 0 : i32
    %sign3A_380 = arith.cmpi sgt, %add3A_376, %sign3A_379 : i32
    %sign3A_381 = arith.extui %sign3A_380 : i1 to i32
    %sign3A_382 = arith.constant 0 : i32
    %sign3A_383 = arith.cmpi slt, %add3A_376, %sign3A_382 : i32
    %sign3A_384 = arith.extui %sign3A_383 : i1 to i32
    %sign3A_385 = arith.subi %sign3A_381, %sign3A_384 : i32
    %sign3A_386 = arith.constant 0 : i32
    %sign3A_387 = arith.cmpi sgt, %jit3A_377, %sign3A_386 : i32
    %sign3A_388 = arith.extui %sign3A_387 : i1 to i32
    %sign3A_389 = arith.constant 0 : i32
    %sign3A_390 = arith.cmpi slt, %jit3A_377, %sign3A_389 : i32
    %sign3A_391 = arith.extui %sign3A_390 : i1 to i32
    %sign3A_392 = arith.subi %sign3A_388, %sign3A_391 : i32
    %ne3A_393 = arith.cmpi ne, %sign3A_385, %sign3A_392 : i32
    %rem3A_394 = arith.remsi %add3A_376, %jit3A_377 : i32
    %ne3A_395 = arith.constant 0 : i32
    %ne3A_396 = arith.cmpi ne, %rem3A_394, %ne3A_395 : i32
    %and3A_397 = arith.andi %ne3A_393, %ne3A_396 : i1
    %sub3A_398 = arith.constant 1 : i32
    %sub3A_399 = arith.subi %div3A_378, %sub3A_398 : i32
    %select_n3A_400 = arith.select %and3A_397, %sub3A_399, %div3A_378 : i32
    %jit3A_401 = arith.constant 32 : i32
    %eq3A_402 = arith.constant 0 : i32
    %eq3A_403 = arith.cmpi eq, %jit3A_401, %eq3A_402 : i32
    %jit3A_404 = arith.constant 1 : i32
    %select_n3A_405 = arith.select %eq3A_403, %jit3A_404, %jit3A_401 : i32
    %rem3A_406 = arith.remsi %add3A_376, %select_n3A_405 : i32
    %ne3A_407 = arith.constant 0 : i32
    %ne3A_408 = arith.cmpi ne, %rem3A_406, %ne3A_407 : i32
    %lt3A_409 = arith.constant 0 : i32
    %lt3A_410 = arith.cmpi slt, %rem3A_406, %lt3A_409 : i32
    %lt3A_411 = arith.constant 0 : i32
    %lt3A_412 = arith.cmpi slt, %select_n3A_405, %lt3A_411 : i32
    %ne3A_413 = arith.xori %lt3A_410, %lt3A_412 : i1
    %and3A_414 = arith.andi %ne3A_413, %ne3A_408 : i1
    %add3A_415 = arith.addi %rem3A_406, %select_n3A_405 : i32
    %select_n3A_416 = arith.select %and3A_414, %add3A_415, %rem3A_406 : i32
    %mul3A_417 = arith.constant 4096 : i32
    %mul3A_418 = arith.muli %select_n3A_400, %mul3A_417 : i32
    %mul3A_419 = arith.constant 128 : i32
    %mul3A_420 = arith.muli %select_n3A_416, %mul3A_419 : i32
    %add3A_421 = arith.addi %mul3A_418, %mul3A_420 : i32
    %dma_start3A_422 = tpu.memref_slice %arg2[%add3A_421] : memref<819200xi32, #tpu.memory_space<hbm>> -> memref<128xi32, #tpu.memory_space<hbm>>
    %dma_start3A_423 = tpu.memref_slice %arg2[%add3A_421] : memref<819200xi32, #tpu.memory_space<hbm>> -> memref<128xi32, #tpu.memory_space<hbm>>
    tpu.enqueue_dma source(%dma_start3A_423 : memref<128xi32, #tpu.memory_space<hbm>>) target(%arg9 : memref<128xi32, #tpu.memory_space<vmem>>) target_semaphore(%arg22 : memref<!tpu.dma_semaphore, #tpu.memory_space<semaphore_mem>>)
    %add3A_424 = arith.constant 0 : i32
    %add3A_425 = arith.addi %mul3A_2, %add3A_424 : i32
    %jit3A_426 = arith.constant 32 : i32
    %div3A_427 = arith.divsi %add3A_425, %jit3A_426 : i32
    %sign3A_428 = arith.constant 0 : i32
    %sign3A_429 = arith.cmpi sgt, %add3A_425, %sign3A_428 : i32
    %sign3A_430 = arith.extui %sign3A_429 : i1 to i32
    %sign3A_431 = arith.constant 0 : i32
    %sign3A_432 = arith.cmpi slt, %add3A_425, %sign3A_431 : i32
    %sign3A_433 = arith.extui %sign3A_432 : i1 to i32
    %sign3A_434 = arith.subi %sign3A_430, %sign3A_433 : i32
    %sign3A_435 = arith.constant 0 : i32
    %sign3A_436 = arith.cmpi sgt, %jit3A_426, %sign3A_435 : i32
    %sign3A_437 = arith.extui %sign3A_436 : i1 to i32
    %sign3A_438 = arith.constant 0 : i32
    %sign3A_439 = arith.cmpi slt, %jit3A_426, %sign3A_438 : i32
    %sign3A_440 = arith.extui %sign3A_439 : i1 to i32
    %sign3A_441 = arith.subi %sign3A_437, %sign3A_440 : i32
    %ne3A_442 = arith.cmpi ne, %sign3A_434, %sign3A_441 : i32
    %rem3A_443 = arith.remsi %add3A_425, %jit3A_426 : i32
    %ne3A_444 = arith.constant 0 : i32
    %ne3A_445 = arith.cmpi ne, %rem3A_443, %ne3A_444 : i32
    %and3A_446 = arith.andi %ne3A_442, %ne3A_445 : i1
    %sub3A_447 = arith.constant 1 : i32
    %sub3A_448 = arith.subi %div3A_427, %sub3A_447 : i32
    %select_n3A_449 = arith.select %and3A_446, %sub3A_448, %div3A_427 : i32
    %jit3A_450 = arith.constant 32 : i32
    %eq3A_451 = arith.constant 0 : i32
    %eq3A_452 = arith.cmpi eq, %jit3A_450, %eq3A_451 : i32
    %jit3A_453 = arith.constant 1 : i32
    %select_n3A_454 = arith.select %eq3A_452, %jit3A_453, %jit3A_450 : i32
    %rem3A_455 = arith.remsi %add3A_425, %select_n3A_454 : i32
    %ne3A_456 = arith.constant 0 : i32
    %ne3A_457 = arith.cmpi ne, %rem3A_455, %ne3A_456 : i32
    %lt3A_458 = arith.constant 0 : i32
    %lt3A_459 = arith.cmpi slt, %rem3A_455, %lt3A_458 : i32
    %lt3A_460 = arith.constant 0 : i32
    %lt3A_461 = arith.cmpi slt, %select_n3A_454, %lt3A_460 : i32
    %ne3A_462 = arith.xori %lt3A_459, %lt3A_461 : i1
    %and3A_463 = arith.andi %ne3A_462, %ne3A_457 : i1
    %add3A_464 = arith.addi %rem3A_455, %select_n3A_454 : i32
    %select_n3A_465 = arith.select %and3A_463, %add3A_464, %rem3A_455 : i32
    %mul3A_466 = arith.constant 4096 : i32
    %mul3A_467 = arith.muli %select_n3A_449, %mul3A_466 : i32
    %mul3A_468 = arith.constant 128 : i32
    %mul3A_469 = arith.muli %select_n3A_465, %mul3A_468 : i32
    %add3A_470 = arith.addi %mul3A_467, %mul3A_469 : i32
    %dma_wait3A = tpu.memref_slice %arg2[%add3A_470] : memref<819200xi32, #tpu.memory_space<hbm>> -> memref<128xi32, #tpu.memory_space<hbm>>
    %dma_wait3A_471 = tpu.memref_slice %arg2[%add3A_470] : memref<819200xi32, #tpu.memory_space<hbm>> -> memref<128xi32, #tpu.memory_space<hbm>>
    tpu.wait_dma2 semaphore(%arg19 : memref<!tpu.dma_semaphore, #tpu.memory_space<semaphore_mem>>) src(%dma_wait3A_471 : memref<128xi32, #tpu.memory_space<hbm>>) dst(%arg6 : memref<128xi32, #tpu.memory_space<vmem>>)
    %dma_start3A_472 = arith.constant 0 : i32
    %dma_start3A_473 = arith.constant 0 : i32
    %dma_start3A_474 = tpu.memref_slice %arg3[%dma_start3A_472, %dma_start3A_473] : memref<100000x64xf32, #tpu.memory_space<hbm>> -> memref<100000x64xf32, #tpu.memory_space<hbm>>
    tpu.enqueue_indirect_dma source(%dma_start3A_474 : memref<100000x64xf32, #tpu.memory_space<hbm>>) target(%arg10 : memref<128x64xf32, #tpu.memory_space<vmem>>) offsets(%arg6 : memref<128xi32, #tpu.memory_space<vmem>>) semaphore(%arg23 : memref<!tpu.dma_semaphore, #tpu.memory_space<semaphore_mem>>)
    %add3A_475 = arith.constant 1 : i32
    %add3A_476 = arith.addi %mul3A_2, %add3A_475 : i32
    %jit3A_477 = arith.constant 32 : i32
    %div3A_478 = arith.divsi %add3A_476, %jit3A_477 : i32
    %sign3A_479 = arith.constant 0 : i32
    %sign3A_480 = arith.cmpi sgt, %add3A_476, %sign3A_479 : i32
    %sign3A_481 = arith.extui %sign3A_480 : i1 to i32
    %sign3A_482 = arith.constant 0 : i32
    %sign3A_483 = arith.cmpi slt, %add3A_476, %sign3A_482 : i32
    %sign3A_484 = arith.extui %sign3A_483 : i1 to i32
    %sign3A_485 = arith.subi %sign3A_481, %sign3A_484 : i32
    %sign3A_486 = arith.constant 0 : i32
    %sign3A_487 = arith.cmpi sgt, %jit3A_477, %sign3A_486 : i32
    %sign3A_488 = arith.extui %sign3A_487 : i1 to i32
    %sign3A_489 = arith.constant 0 : i32
    %sign3A_490 = arith.cmpi slt, %jit3A_477, %sign3A_489 : i32
    %sign3A_491 = arith.extui %sign3A_490 : i1 to i32
    %sign3A_492 = arith.subi %sign3A_488, %sign3A_491 : i32
    %ne3A_493 = arith.cmpi ne, %sign3A_485, %sign3A_492 : i32
    %rem3A_494 = arith.remsi %add3A_476, %jit3A_477 : i32
    %ne3A_495 = arith.constant 0 : i32
    %ne3A_496 = arith.cmpi ne, %rem3A_494, %ne3A_495 : i32
    %and3A_497 = arith.andi %ne3A_493, %ne3A_496 : i1
    %sub3A_498 = arith.constant 1 : i32
    %sub3A_499 = arith.subi %div3A_478, %sub3A_498 : i32
    %select_n3A_500 = arith.select %and3A_497, %sub3A_499, %div3A_478 : i32
    %jit3A_501 = arith.constant 32 : i32
    %eq3A_502 = arith.constant 0 : i32
    %eq3A_503 = arith.cmpi eq, %jit3A_501, %eq3A_502 : i32
    %jit3A_504 = arith.constant 1 : i32
    %select_n3A_505 = arith.select %eq3A_503, %jit3A_504, %jit3A_501 : i32
    %rem3A_506 = arith.remsi %add3A_476, %select_n3A_505 : i32
    %ne3A_507 = arith.constant 0 : i32
    %ne3A_508 = arith.cmpi ne, %rem3A_506, %ne3A_507 : i32
    %lt3A_509 = arith.constant 0 : i32
    %lt3A_510 = arith.cmpi slt, %rem3A_506, %lt3A_509 : i32
    %lt3A_511 = arith.constant 0 : i32
    %lt3A_512 = arith.cmpi slt, %select_n3A_505, %lt3A_511 : i32
    %ne3A_513 = arith.xori %lt3A_510, %lt3A_512 : i1
    %and3A_514 = arith.andi %ne3A_513, %ne3A_508 : i1
    %add3A_515 = arith.addi %rem3A_506, %select_n3A_505 : i32
    %select_n3A_516 = arith.select %and3A_514, %add3A_515, %rem3A_506 : i32
    %mul3A_517 = arith.constant 4096 : i32
    %mul3A_518 = arith.muli %select_n3A_500, %mul3A_517 : i32
    %mul3A_519 = arith.constant 128 : i32
    %mul3A_520 = arith.muli %select_n3A_516, %mul3A_519 : i32
    %add3A_521 = arith.addi %mul3A_518, %mul3A_520 : i32
    %dma_wait3A_522 = tpu.memref_slice %arg2[%add3A_521] : memref<819200xi32, #tpu.memory_space<hbm>> -> memref<128xi32, #tpu.memory_space<hbm>>
    %dma_wait3A_523 = tpu.memref_slice %arg2[%add3A_521] : memref<819200xi32, #tpu.memory_space<hbm>> -> memref<128xi32, #tpu.memory_space<hbm>>
    tpu.wait_dma2 semaphore(%arg20 : memref<!tpu.dma_semaphore, #tpu.memory_space<semaphore_mem>>) src(%dma_wait3A_523 : memref<128xi32, #tpu.memory_space<hbm>>) dst(%arg7 : memref<128xi32, #tpu.memory_space<vmem>>)
    %dma_start3A_524 = arith.constant 0 : i32
    %dma_start3A_525 = arith.constant 0 : i32
    %dma_start3A_526 = tpu.memref_slice %arg3[%dma_start3A_524, %dma_start3A_525] : memref<100000x64xf32, #tpu.memory_space<hbm>> -> memref<100000x64xf32, #tpu.memory_space<hbm>>
    tpu.enqueue_indirect_dma source(%dma_start3A_526 : memref<100000x64xf32, #tpu.memory_space<hbm>>) target(%arg11 : memref<128x64xf32, #tpu.memory_space<vmem>>) offsets(%arg7 : memref<128xi32, #tpu.memory_space<vmem>>) semaphore(%arg24 : memref<!tpu.dma_semaphore, #tpu.memory_space<semaphore_mem>>)
    %add3A_527 = arith.constant 2 : i32
    %add3A_528 = arith.addi %mul3A_2, %add3A_527 : i32
    %jit3A_529 = arith.constant 32 : i32
    %div3A_530 = arith.divsi %add3A_528, %jit3A_529 : i32
    %sign3A_531 = arith.constant 0 : i32
    %sign3A_532 = arith.cmpi sgt, %add3A_528, %sign3A_531 : i32
    %sign3A_533 = arith.extui %sign3A_532 : i1 to i32
    %sign3A_534 = arith.constant 0 : i32
    %sign3A_535 = arith.cmpi slt, %add3A_528, %sign3A_534 : i32
    %sign3A_536 = arith.extui %sign3A_535 : i1 to i32
    %sign3A_537 = arith.subi %sign3A_533, %sign3A_536 : i32
    %sign3A_538 = arith.constant 0 : i32
    %sign3A_539 = arith.cmpi sgt, %jit3A_529, %sign3A_538 : i32
    %sign3A_540 = arith.extui %sign3A_539 : i1 to i32
    %sign3A_541 = arith.constant 0 : i32
    %sign3A_542 = arith.cmpi slt, %jit3A_529, %sign3A_541 : i32
    %sign3A_543 = arith.extui %sign3A_542 : i1 to i32
    %sign3A_544 = arith.subi %sign3A_540, %sign3A_543 : i32
    %ne3A_545 = arith.cmpi ne, %sign3A_537, %sign3A_544 : i32
    %rem3A_546 = arith.remsi %add3A_528, %jit3A_529 : i32
    %ne3A_547 = arith.constant 0 : i32
    %ne3A_548 = arith.cmpi ne, %rem3A_546, %ne3A_547 : i32
    %and3A_549 = arith.andi %ne3A_545, %ne3A_548 : i1
    %sub3A_550 = arith.constant 1 : i32
    %sub3A_551 = arith.subi %div3A_530, %sub3A_550 : i32
    %select_n3A_552 = arith.select %and3A_549, %sub3A_551, %div3A_530 : i32
    %jit3A_553 = arith.constant 32 : i32
    %eq3A_554 = arith.constant 0 : i32
    %eq3A_555 = arith.cmpi eq, %jit3A_553, %eq3A_554 : i32
    %jit3A_556 = arith.constant 1 : i32
    %select_n3A_557 = arith.select %eq3A_555, %jit3A_556, %jit3A_553 : i32
    %rem3A_558 = arith.remsi %add3A_528, %select_n3A_557 : i32
    %ne3A_559 = arith.constant 0 : i32
    %ne3A_560 = arith.cmpi ne, %rem3A_558, %ne3A_559 : i32
    %lt3A_561 = arith.constant 0 : i32
    %lt3A_562 = arith.cmpi slt, %rem3A_558, %lt3A_561 : i32
    %lt3A_563 = arith.constant 0 : i32
    %lt3A_564 = arith.cmpi slt, %select_n3A_557, %lt3A_563 : i32
    %ne3A_565 = arith.xori %lt3A_562, %lt3A_564 : i1
    %and3A_566 = arith.andi %ne3A_565, %ne3A_560 : i1
    %add3A_567 = arith.addi %rem3A_558, %select_n3A_557 : i32
    %select_n3A_568 = arith.select %and3A_566, %add3A_567, %rem3A_558 : i32
    %mul3A_569 = arith.constant 4096 : i32
    %mul3A_570 = arith.muli %select_n3A_552, %mul3A_569 : i32
    %mul3A_571 = arith.constant 128 : i32
    %mul3A_572 = arith.muli %select_n3A_568, %mul3A_571 : i32
    %add3A_573 = arith.addi %mul3A_570, %mul3A_572 : i32
    %dma_wait3A_574 = tpu.memref_slice %arg2[%add3A_573] : memref<819200xi32, #tpu.memory_space<hbm>> -> memref<128xi32, #tpu.memory_space<hbm>>
    %dma_wait3A_575 = tpu.memref_slice %arg2[%add3A_573] : memref<819200xi32, #tpu.memory_space<hbm>> -> memref<128xi32, #tpu.memory_space<hbm>>
    tpu.wait_dma2 semaphore(%arg21 : memref<!tpu.dma_semaphore, #tpu.memory_space<semaphore_mem>>) src(%dma_wait3A_575 : memref<128xi32, #tpu.memory_space<hbm>>) dst(%arg8 : memref<128xi32, #tpu.memory_space<vmem>>)
    %dma_start3A_576 = arith.constant 0 : i32
    %dma_start3A_577 = arith.constant 0 : i32
    %dma_start3A_578 = tpu.memref_slice %arg3[%dma_start3A_576, %dma_start3A_577] : memref<100000x64xf32, #tpu.memory_space<hbm>> -> memref<100000x64xf32, #tpu.memory_space<hbm>>
    tpu.enqueue_indirect_dma source(%dma_start3A_578 : memref<100000x64xf32, #tpu.memory_space<hbm>>) target(%arg12 : memref<128x64xf32, #tpu.memory_space<vmem>>) offsets(%arg8 : memref<128xi32, #tpu.memory_space<vmem>>) semaphore(%arg25 : memref<!tpu.dma_semaphore, #tpu.memory_space<semaphore_mem>>)
    %scan3A = arith.constant 0 : i32
    %scan3A_579 = arith.constant 0 : i32
    %scan3A_580 = arith.constant 50 : i32
    %scan3A_581 = arith.addi %scan3A_579, %scan3A_580 : i32
    %scan3A_582 = arith.constant 1 : i32
    %scan3A_583 = scf.for %scan3A_825 = %scan3A_579 to %scan3A_581 step %scan3A_582 iter_args(%scan3A_826 = %scan3A) -> (i32)  : i32 {
      %mul3A_827 = arith.constant 4 : i32
      %mul3A_828 = arith.muli %mul3A_827, %scan3A_825 : i32
      %add3A_829 = arith.constant 0 : i32
      %add3A_830 = arith.addi %mul3A_828, %add3A_829 : i32
      %add3A_831 = arith.constant 4 : i32
      %add3A_832 = arith.addi %add3A_830, %add3A_831 : i32
      %sub3A_833 = arith.constant 1 : i32
      %sub3A_834 = arith.subi %add3A_832, %sub3A_833 : i32
      %lt3A_835 = arith.constant 200 : i32
      %lt3A_836 = arith.cmpi slt, %sub3A_834, %lt3A_835 : i32
      %convert_element_type3A = arith.extui %lt3A_836 : i1 to i32
      %cond3A = arith.constant 0 : i32
      %cond3A_837 = arith.cmpi ne, %convert_element_type3A, %cond3A : i32
      scf.if %cond3A_837 {
        %add3A_1436 = arith.constant 4 : i32
        %add3A_1437 = arith.addi %add3A_830, %add3A_1436 : i32
        %sub3A_1438 = arith.constant 1 : i32
        %sub3A_1439 = arith.subi %add3A_1437, %sub3A_1438 : i32
        %add3A_1440 = arith.addi %mul3A_2, %sub3A_1439 : i32
        %jit3A_1441 = arith.constant 32 : i32
        %div3A_1442 = arith.divsi %add3A_1440, %jit3A_1441 : i32
        %sign3A_1443 = arith.constant 0 : i32
        %sign3A_1444 = arith.cmpi sgt, %add3A_1440, %sign3A_1443 : i32
        %sign3A_1445 = arith.extui %sign3A_1444 : i1 to i32
        %sign3A_1446 = arith.constant 0 : i32
        %sign3A_1447 = arith.cmpi slt, %add3A_1440, %sign3A_1446 : i32
        %sign3A_1448 = arith.extui %sign3A_1447 : i1 to i32
        %sign3A_1449 = arith.subi %sign3A_1445, %sign3A_1448 : i32
        %sign3A_1450 = arith.constant 0 : i32
        %sign3A_1451 = arith.cmpi sgt, %jit3A_1441, %sign3A_1450 : i32
        %sign3A_1452 = arith.extui %sign3A_1451 : i1 to i32
        %sign3A_1453 = arith.constant 0 : i32
        %sign3A_1454 = arith.cmpi slt, %jit3A_1441, %sign3A_1453 : i32
        %sign3A_1455 = arith.extui %sign3A_1454 : i1 to i32
        %sign3A_1456 = arith.subi %sign3A_1452, %sign3A_1455 : i32
        %ne3A_1457 = arith.cmpi ne, %sign3A_1449, %sign3A_1456 : i32
        %rem3A_1458 = arith.remsi %add3A_1440, %jit3A_1441 : i32
        %ne3A_1459 = arith.constant 0 : i32
        %ne3A_1460 = arith.cmpi ne, %rem3A_1458, %ne3A_1459 : i32
        %and3A_1461 = arith.andi %ne3A_1457, %ne3A_1460 : i1
        %sub3A_1462 = arith.constant 1 : i32
        %sub3A_1463 = arith.subi %div3A_1442, %sub3A_1462 : i32
        %select_n3A_1464 = arith.select %and3A_1461, %sub3A_1463, %div3A_1442 : i32
        %jit3A_1465 = arith.constant 32 : i32
        %eq3A_1466 = arith.constant 0 : i32
        %eq3A_1467 = arith.cmpi eq, %jit3A_1465, %eq3A_1466 : i32
        %jit3A_1468 = arith.constant 1 : i32
        %select_n3A_1469 = arith.select %eq3A_1467, %jit3A_1468, %jit3A_1465 : i32
        %rem3A_1470 = arith.remsi %add3A_1440, %select_n3A_1469 : i32
        %ne3A_1471 = arith.constant 0 : i32
        %ne3A_1472 = arith.cmpi ne, %rem3A_1470, %ne3A_1471 : i32
        %lt3A_1473 = arith.constant 0 : i32
        %lt3A_1474 = arith.cmpi slt, %rem3A_1470, %lt3A_1473 : i32
        %lt3A_1475 = arith.constant 0 : i32
        %lt3A_1476 = arith.cmpi slt, %select_n3A_1469, %lt3A_1475 : i32
        %ne3A_1477 = arith.xori %lt3A_1474, %lt3A_1476 : i1
        %and3A_1478 = arith.andi %ne3A_1477, %ne3A_1472 : i1
        %add3A_1479 = arith.addi %rem3A_1470, %select_n3A_1469 : i32
        %select_n3A_1480 = arith.select %and3A_1478, %add3A_1479, %rem3A_1470 : i32
        %mul3A_1481 = arith.constant 4096 : i32
        %mul3A_1482 = arith.muli %select_n3A_1464, %mul3A_1481 : i32
        %mul3A_1483 = arith.constant 128 : i32
        %mul3A_1484 = arith.muli %select_n3A_1480, %mul3A_1483 : i32
        %add3A_1485 = arith.addi %mul3A_1482, %mul3A_1484 : i32
        %dma_wait3A_1486 = tpu.memref_slice %arg2[%add3A_1485] : memref<819200xi32, #tpu.memory_space<hbm>> -> memref<128xi32, #tpu.memory_space<hbm>>
        %dma_wait3A_1487 = tpu.memref_slice %arg2[%add3A_1485] : memref<819200xi32, #tpu.memory_space<hbm>> -> memref<128xi32, #tpu.memory_space<hbm>>
        tpu.wait_dma2 semaphore(%arg22 : memref<!tpu.dma_semaphore, #tpu.memory_space<semaphore_mem>>) src(%dma_wait3A_1487 : memref<128xi32, #tpu.memory_space<hbm>>) dst(%arg9 : memref<128xi32, #tpu.memory_space<vmem>>)
        %dma_start3A_1488 = arith.constant 0 : i32
        %dma_start3A_1489 = arith.constant 0 : i32
        %dma_start3A_1490 = tpu.memref_slice %arg3[%dma_start3A_1488, %dma_start3A_1489] : memref<100000x64xf32, #tpu.memory_space<hbm>> -> memref<100000x64xf32, #tpu.memory_space<hbm>>
        tpu.enqueue_indirect_dma source(%dma_start3A_1490 : memref<100000x64xf32, #tpu.memory_space<hbm>>) target(%arg13 : memref<128x64xf32, #tpu.memory_space<vmem>>) offsets(%arg9 : memref<128xi32, #tpu.memory_space<vmem>>) semaphore(%arg26 : memref<!tpu.dma_semaphore, #tpu.memory_space<semaphore_mem>>)
      } else {
      }
      %dma_wait3A_838 = arith.constant 0 : i32
      %dma_wait3A_839 = arith.constant 0 : i32
      %dma_wait3A_840 = tpu.memref_slice %arg3[%dma_wait3A_838, %dma_wait3A_839] : memref<100000x64xf32, #tpu.memory_space<hbm>> -> memref<100000x64xf32, #tpu.memory_space<hbm>>
      tpu.wait_indirect_dma semaphore(%arg23 : memref<!tpu.dma_semaphore, #tpu.memory_space<semaphore_mem>>) src(%dma_wait3A_840 : memref<100000x64xf32, #tpu.memory_space<hbm>>) dst(%arg10 : memref<128x64xf32, #tpu.memory_space<vmem>>)
      %add3A_841 = arith.constant 4 : i32
      %add3A_842 = arith.addi %add3A_830, %add3A_841 : i32
      %lt3A_843 = arith.constant 200 : i32
      %lt3A_844 = arith.cmpi slt, %add3A_842, %lt3A_843 : i32
      %convert_element_type3A_845 = arith.extui %lt3A_844 : i1 to i32
      %cond3A_846 = arith.constant 0 : i32
      %cond3A_847 = arith.cmpi ne, %convert_element_type3A_845, %cond3A_846 : i32
      scf.if %cond3A_847 {
        %add3A_1436 = arith.constant 4 : i32
        %add3A_1437 = arith.addi %add3A_830, %add3A_1436 : i32
        %add3A_1438 = arith.addi %mul3A_2, %add3A_1437 : i32
        %jit3A_1439 = arith.constant 32 : i32
        %div3A_1440 = arith.divsi %add3A_1438, %jit3A_1439 : i32
        %sign3A_1441 = arith.constant 0 : i32
        %sign3A_1442 = arith.cmpi sgt, %add3A_1438, %sign3A_1441 : i32
        %sign3A_1443 = arith.extui %sign3A_1442 : i1 to i32
        %sign3A_1444 = arith.constant 0 : i32
        %sign3A_1445 = arith.cmpi slt, %add3A_1438, %sign3A_1444 : i32
        %sign3A_1446 = arith.extui %sign3A_1445 : i1 to i32
        %sign3A_1447 = arith.subi %sign3A_1443, %sign3A_1446 : i32
        %sign3A_1448 = arith.constant 0 : i32
        %sign3A_1449 = arith.cmpi sgt, %jit3A_1439, %sign3A_1448 : i32
        %sign3A_1450 = arith.extui %sign3A_1449 : i1 to i32
        %sign3A_1451 = arith.constant 0 : i32
        %sign3A_1452 = arith.cmpi slt, %jit3A_1439, %sign3A_1451 : i32
        %sign3A_1453 = arith.extui %sign3A_1452 : i1 to i32
        %sign3A_1454 = arith.subi %sign3A_1450, %sign3A_1453 : i32
        %ne3A_1455 = arith.cmpi ne, %sign3A_1447, %sign3A_1454 : i32
        %rem3A_1456 = arith.remsi %add3A_1438, %jit3A_1439 : i32
        %ne3A_1457 = arith.constant 0 : i32
        %ne3A_1458 = arith.cmpi ne, %rem3A_1456, %ne3A_1457 : i32
        %and3A_1459 = arith.andi %ne3A_1455, %ne3A_1458 : i1
        %sub3A_1460 = arith.constant 1 : i32
        %sub3A_1461 = arith.subi %div3A_1440, %sub3A_1460 : i32
        %select_n3A_1462 = arith.select %and3A_1459, %sub3A_1461, %div3A_1440 : i32
        %jit3A_1463 = arith.constant 32 : i32
        %eq3A_1464 = arith.constant 0 : i32
        %eq3A_1465 = arith.cmpi eq, %jit3A_1463, %eq3A_1464 : i32
        %jit3A_1466 = arith.constant 1 : i32
        %select_n3A_1467 = arith.select %eq3A_1465, %jit3A_1466, %jit3A_1463 : i32
        %rem3A_1468 = arith.remsi %add3A_1438, %select_n3A_1467 : i32
        %ne3A_1469 = arith.constant 0 : i32
        %ne3A_1470 = arith.cmpi ne, %rem3A_1468, %ne3A_1469 : i32
        %lt3A_1471 = arith.constant 0 : i32
        %lt3A_1472 = arith.cmpi slt, %rem3A_1468, %lt3A_1471 : i32
        %lt3A_1473 = arith.constant 0 : i32
        %lt3A_1474 = arith.cmpi slt, %select_n3A_1467, %lt3A_1473 : i32
        %ne3A_1475 = arith.xori %lt3A_1472, %lt3A_1474 : i1
        %and3A_1476 = arith.andi %ne3A_1475, %ne3A_1470 : i1
        %add3A_1477 = arith.addi %rem3A_1468, %select_n3A_1467 : i32
        %select_n3A_1478 = arith.select %and3A_1476, %add3A_1477, %rem3A_1468 : i32
        %mul3A_1479 = arith.constant 4096 : i32
        %mul3A_1480 = arith.muli %select_n3A_1462, %mul3A_1479 : i32
        %mul3A_1481 = arith.constant 128 : i32
        %mul3A_1482 = arith.muli %select_n3A_1478, %mul3A_1481 : i32
        %add3A_1483 = arith.addi %mul3A_1480, %mul3A_1482 : i32
        %dma_start3A_1484 = tpu.memref_slice %arg2[%add3A_1483] : memref<819200xi32, #tpu.memory_space<hbm>> -> memref<128xi32, #tpu.memory_space<hbm>>
        %dma_start3A_1485 = tpu.memref_slice %arg2[%add3A_1483] : memref<819200xi32, #tpu.memory_space<hbm>> -> memref<128xi32, #tpu.memory_space<hbm>>
        tpu.enqueue_dma source(%dma_start3A_1485 : memref<128xi32, #tpu.memory_space<hbm>>) target(%arg6 : memref<128xi32, #tpu.memory_space<vmem>>) target_semaphore(%arg19 : memref<!tpu.dma_semaphore, #tpu.memory_space<semaphore_mem>>)
      } else {
      }
      %ge3A = arith.constant 4 : i32
      %ge3A_848 = arith.cmpi sge, %add3A_830, %ge3A : i32
      %convert_element_type3A_849 = arith.extui %ge3A_848 : i1 to i32
      %cond3A_850 = arith.constant 0 : i32
      %cond3A_851 = arith.cmpi ne, %convert_element_type3A_849, %cond3A_850 : i32
      scf.if %cond3A_851 {
        %sub3A_1436 = arith.constant 4 : i32
        %sub3A_1437 = arith.subi %add3A_830, %sub3A_1436 : i32
        %add3A_1438 = arith.addi %mul3A_2, %sub3A_1437 : i32
        %jit3A_1439 = arith.constant 32 : i32
        %div3A_1440 = arith.divsi %add3A_1438, %jit3A_1439 : i32
        %sign3A_1441 = arith.constant 0 : i32
        %sign3A_1442 = arith.cmpi sgt, %add3A_1438, %sign3A_1441 : i32
        %sign3A_1443 = arith.extui %sign3A_1442 : i1 to i32
        %sign3A_1444 = arith.constant 0 : i32
        %sign3A_1445 = arith.cmpi slt, %add3A_1438, %sign3A_1444 : i32
        %sign3A_1446 = arith.extui %sign3A_1445 : i1 to i32
        %sign3A_1447 = arith.subi %sign3A_1443, %sign3A_1446 : i32
        %sign3A_1448 = arith.constant 0 : i32
        %sign3A_1449 = arith.cmpi sgt, %jit3A_1439, %sign3A_1448 : i32
        %sign3A_1450 = arith.extui %sign3A_1449 : i1 to i32
        %sign3A_1451 = arith.constant 0 : i32
        %sign3A_1452 = arith.cmpi slt, %jit3A_1439, %sign3A_1451 : i32
        %sign3A_1453 = arith.extui %sign3A_1452 : i1 to i32
        %sign3A_1454 = arith.subi %sign3A_1450, %sign3A_1453 : i32
        %ne3A_1455 = arith.cmpi ne, %sign3A_1447, %sign3A_1454 : i32
        %rem3A_1456 = arith.remsi %add3A_1438, %jit3A_1439 : i32
        %ne3A_1457 = arith.constant 0 : i32
        %ne3A_1458 = arith.cmpi ne, %rem3A_1456, %ne3A_1457 : i32
        %and3A_1459 = arith.andi %ne3A_1455, %ne3A_1458 : i1
        %sub3A_1460 = arith.constant 1 : i32
        %sub3A_1461 = arith.subi %div3A_1440, %sub3A_1460 : i32
        %select_n3A_1462 = arith.select %and3A_1459, %sub3A_1461, %div3A_1440 : i32
        %jit3A_1463 = arith.constant 32 : i32
        %eq3A_1464 = arith.constant 0 : i32
        %eq3A_1465 = arith.cmpi eq, %jit3A_1463, %eq3A_1464 : i32
        %jit3A_1466 = arith.constant 1 : i32
        %select_n3A_1467 = arith.select %eq3A_1465, %jit3A_1466, %jit3A_1463 : i32
        %rem3A_1468 = arith.remsi %add3A_1438, %select_n3A_1467 : i32
        %ne3A_1469 = arith.constant 0 : i32
        %ne3A_1470 = arith.cmpi ne, %rem3A_1468, %ne3A_1469 : i32
        %lt3A_1471 = arith.constant 0 : i32
        %lt3A_1472 = arith.cmpi slt, %rem3A_1468, %lt3A_1471 : i32
        %lt3A_1473 = arith.constant 0 : i32
        %lt3A_1474 = arith.cmpi slt, %select_n3A_1467, %lt3A_1473 : i32
        %ne3A_1475 = arith.xori %lt3A_1472, %lt3A_1474 : i1
        %and3A_1476 = arith.andi %ne3A_1475, %ne3A_1470 : i1
        %add3A_1477 = arith.addi %rem3A_1468, %select_n3A_1467 : i32
        %select_n3A_1478 = arith.select %and3A_1476, %add3A_1477, %rem3A_1468 : i32
        %dma_wait3A_1479 = arith.constant 0 : i32
        %dma_wait3A_1480 = arith.constant 0 : i32
        %dma_wait3A_1481 = arith.constant 0 : i32
        %dma_wait3A_1482 = tpu.memref_slice %arg14[%dma_wait3A_1479, %dma_wait3A_1480, %dma_wait3A_1481] : memref<8x8x129xf32, #tpu.memory_space<vmem>> -> memref<8x8x128xf32, #tpu.memory_space<vmem>>
        %dma_wait3A_1483 = arith.constant 0 : i32
        %dma_wait3A_1484 = arith.constant 0 : i32
        %dma_wait3A_1485 = arith.constant 0 : i32
        %dma_wait3A_1486 = tpu.memref_slice %arg5[%select_n3A_1462, %dma_wait3A_1483, %select_n3A_1478, %dma_wait3A_1484, %dma_wait3A_1485] : memref<200x8x32x8x128xf32, #tpu.memory_space<hbm>> -> memref<1x8x1x8x128xf32, #tpu.memory_space<hbm>>
        %dma_wait3A_1487 = tpu.memref_squeeze %dma_wait3A_1486 : memref<1x8x1x8x128xf32, #tpu.memory_space<hbm>> -> memref<8x8x128xf32, #tpu.memory_space<hbm>>
        %dma_wait3A_1488 = arith.constant 0 : i32
        %dma_wait3A_1489 = arith.constant 0 : i32
        %dma_wait3A_1490 = arith.constant 0 : i32
        %dma_wait3A_1491 = tpu.memref_slice %arg5[%select_n3A_1462, %dma_wait3A_1488, %select_n3A_1478, %dma_wait3A_1489, %dma_wait3A_1490] : memref<200x8x32x8x128xf32, #tpu.memory_space<hbm>> -> memref<1x8x1x8x128xf32, #tpu.memory_space<hbm>>
        %dma_wait3A_1492 = tpu.memref_squeeze %dma_wait3A_1491 : memref<1x8x1x8x128xf32, #tpu.memory_space<hbm>> -> memref<8x8x128xf32, #tpu.memory_space<hbm>>
        %dma_wait3A_1493 = arith.constant 0 : i32
        %dma_wait3A_1494 = arith.constant 0 : i32
        %dma_wait3A_1495 = arith.constant 0 : i32
        %dma_wait3A_1496 = tpu.memref_slice %arg14[%dma_wait3A_1493, %dma_wait3A_1494, %dma_wait3A_1495] : memref<8x8x129xf32, #tpu.memory_space<vmem>> -> memref<8x8x128xf32, #tpu.memory_space<vmem>>
        tpu.wait_dma2 semaphore(%arg27 : memref<!tpu.dma_semaphore, #tpu.memory_space<semaphore_mem>>) src(%dma_wait3A_1496 : memref<8x8x128xf32, #tpu.memory_space<vmem>>) dst(%dma_wait3A_1492 : memref<8x8x128xf32, #tpu.memory_space<hbm>>)
      } else {
      }
      %add3A_852 = arith.addi %mul3A_2, %add3A_830 : i32
      %jit3A_853 = arith.constant 32 : i32
      %div3A_854 = arith.divsi %add3A_852, %jit3A_853 : i32
      %sign3A_855 = arith.constant 0 : i32
      %sign3A_856 = arith.cmpi sgt, %add3A_852, %sign3A_855 : i32
      %sign3A_857 = arith.extui %sign3A_856 : i1 to i32
      %sign3A_858 = arith.constant 0 : i32
      %sign3A_859 = arith.cmpi slt, %add3A_852, %sign3A_858 : i32
      %sign3A_860 = arith.extui %sign3A_859 : i1 to i32
      %sign3A_861 = arith.subi %sign3A_857, %sign3A_860 : i32
      %sign3A_862 = arith.constant 0 : i32
      %sign3A_863 = arith.cmpi sgt, %jit3A_853, %sign3A_862 : i32
      %sign3A_864 = arith.extui %sign3A_863 : i1 to i32
      %sign3A_865 = arith.constant 0 : i32
      %sign3A_866 = arith.cmpi slt, %jit3A_853, %sign3A_865 : i32
      %sign3A_867 = arith.extui %sign3A_866 : i1 to i32
      %sign3A_868 = arith.subi %sign3A_864, %sign3A_867 : i32
      %ne3A_869 = arith.cmpi ne, %sign3A_861, %sign3A_868 : i32
      %rem3A_870 = arith.remsi %add3A_852, %jit3A_853 : i32
      %ne3A_871 = arith.constant 0 : i32
      %ne3A_872 = arith.cmpi ne, %rem3A_870, %ne3A_871 : i32
      %and3A_873 = arith.andi %ne3A_869, %ne3A_872 : i1
      %sub3A_874 = arith.constant 1 : i32
      %sub3A_875 = arith.subi %div3A_854, %sub3A_874 : i32
      %select_n3A_876 = arith.select %and3A_873, %sub3A_875, %div3A_854 : i32
      %jit3A_877 = arith.constant 32 : i32
      %eq3A_878 = arith.constant 0 : i32
      %eq3A_879 = arith.cmpi eq, %jit3A_877, %eq3A_878 : i32
      %jit3A_880 = arith.constant 1 : i32
      %select_n3A_881 = arith.select %eq3A_879, %jit3A_880, %jit3A_877 : i32
      %rem3A_882 = arith.remsi %add3A_852, %select_n3A_881 : i32
      %ne3A_883 = arith.constant 0 : i32
      %ne3A_884 = arith.cmpi ne, %rem3A_882, %ne3A_883 : i32
      %lt3A_885 = arith.constant 0 : i32
      %lt3A_886 = arith.cmpi slt, %rem3A_882, %lt3A_885 : i32
      %lt3A_887 = arith.constant 0 : i32
      %lt3A_888 = arith.cmpi slt, %select_n3A_881, %lt3A_887 : i32
      %ne3A_889 = arith.xori %lt3A_886, %lt3A_888 : i1
      %and3A_890 = arith.andi %ne3A_889, %ne3A_884 : i1
      %add3A_891 = arith.addi %rem3A_882, %select_n3A_881 : i32
      %select_n3A_892 = arith.select %and3A_890, %add3A_891, %rem3A_882 : i32
      %mul3A_893 = arith.constant 64 : i32
      %mul3A_894 = arith.muli %select_n3A_876, %mul3A_893 : i32
      %add3A_895 = arith.constant 0 : i32
      %add3A_896 = arith.addi %mul3A_894, %add3A_895 : i32
      %get3A = arith.index_cast %add3A_896 : i32 to index
      %get3A_897 = tpu.vector_load %arg18[%get3A] {strides = array<i32>} : memref<12800xf32, #tpu.memory_space<vmem>>, vector<16xf32>,
      %add3A_898 = arith.constant 16 : i32
      %add3A_899 = arith.addi %mul3A_894, %add3A_898 : i32
      %get3A_900 = arith.index_cast %add3A_899 : i32 to index
      %get3A_901 = tpu.vector_load %arg18[%get3A_900] {strides = array<i32>} : memref<12800xf32, #tpu.memory_space<vmem>>, vector<16xf32>,
      %add3A_902 = arith.constant 32 : i32
      %add3A_903 = arith.addi %mul3A_894, %add3A_902 : i32
      %get3A_904 = arith.index_cast %add3A_903 : i32 to index
      %get3A_905 = tpu.vector_load %arg18[%get3A_904] {strides = array<i32>} : memref<12800xf32, #tpu.memory_space<vmem>>, vector<16xf32>,
      %add3A_906 = arith.constant 48 : i32
      %add3A_907 = arith.addi %mul3A_894, %add3A_906 : i32
      %get3A_908 = arith.index_cast %add3A_907 : i32 to index
      %get3A_909 = tpu.vector_load %arg18[%get3A_908] {strides = array<i32>} : memref<12800xf32, #tpu.memory_space<vmem>>, vector<16xf32>,
      %scan3A_910 = arith.constant 0 : i32
      %scan3A_911 = arith.constant 0 : i32
      %scan3A_912 = arith.constant 32 : i32
      %scan3A_913 = arith.addi %scan3A_911, %scan3A_912 : i32
      %scan3A_914 = arith.constant 1 : i32
      %scan3A_915 = scf.for %scan3A_1436 = %scan3A_911 to %scan3A_913 step %scan3A_914 iter_args(%scan3A_1437 = %scan3A_910) -> (i32)  : i32 {
        %mul3A_1438 = arith.constant 4 : i32
        %mul3A_1439 = arith.muli %scan3A_1436, %mul3A_1438 : i32
        %add3A_1440 = arith.constant 0 : i32
        %add3A_1441 = arith.addi %mul3A_1439, %add3A_1440 : i32
        %broadcast_in_dim3A = vector.broadcast %add3A_1441 : i32 to vector<16xi32>
        %get3A_1442 = arith.index_cast %add3A_1441 : i32 to index
        %get3A_1443 = arith.constant 0 : index
        %get3A_1444 = tpu.vector_load %arg10[%get3A_1442, %get3A_1443] {strides = array<i32>} : memref<128x64xf32, #tpu.memory_space<vmem>>, vector<16xf32>,
        %add3A_1445 = arith.addf %get3A_1444, %get3A_897 : vector<16xf32>
        tpu.vector_store_idx %arg14[%select_n3A, %select_n3A_153, %broadcast_in_dim3A], %add3A_1445 : memref<8x8x129xf32, #tpu.memory_space<vmem>>[vector<16xi32>, vector<16xi32>, vector<16xi32>], vector<16xf32>,
        %get3A_1446 = arith.index_cast %add3A_1441 : i32 to index
        %get3A_1447 = arith.constant 16 : index
        %get3A_1448 = tpu.vector_load %arg10[%get3A_1446, %get3A_1447] {strides = array<i32>} : memref<128x64xf32, #tpu.memory_space<vmem>>, vector<16xf32>,
        %add3A_1449 = arith.addf %get3A_1448, %get3A_901 : vector<16xf32>
        tpu.vector_store_idx %arg14[%select_n3A_62, %select_n3A_178, %broadcast_in_dim3A], %add3A_1449 : memref<8x8x129xf32, #tpu.memory_space<vmem>>[vector<16xi32>, vector<16xi32>, vector<16xi32>], vector<16xf32>,
        %get3A_1450 = arith.index_cast %add3A_1441 : i32 to index
        %get3A_1451 = arith.constant 32 : index
        %get3A_1452 = tpu.vector_load %arg10[%get3A_1450, %get3A_1451] {strides = array<i32>} : memref<128x64xf32, #tpu.memory_space<vmem>>, vector<16xf32>,
        %add3A_1453 = arith.addf %get3A_1452, %get3A_905 : vector<16xf32>
        tpu.vector_store_idx %arg14[%select_n3A_96, %select_n3A_203, %broadcast_in_dim3A], %add3A_1453 : memref<8x8x129xf32, #tpu.memory_space<vmem>>[vector<16xi32>, vector<16xi32>, vector<16xi32>], vector<16xf32>,
        %get3A_1454 = arith.index_cast %add3A_1441 : i32 to index
        %get3A_1455 = arith.constant 48 : index
        %get3A_1456 = tpu.vector_load %arg10[%get3A_1454, %get3A_1455] {strides = array<i32>} : memref<128x64xf32, #tpu.memory_space<vmem>>, vector<16xf32>,
        %add3A_1457 = arith.addf %get3A_1456, %get3A_909 : vector<16xf32>
        tpu.vector_store_idx %arg14[%select_n3A_130, %select_n3A_228, %broadcast_in_dim3A], %add3A_1457 : memref<8x8x129xf32, #tpu.memory_space<vmem>>[vector<16xi32>, vector<16xi32>, vector<16xi32>], vector<16xf32>,
        %mul3A_1458 = arith.constant 4 : i32
        %mul3A_1459 = arith.muli %scan3A_1436, %mul3A_1458 : i32
        %add3A_1460 = arith.constant 1 : i32
        %add3A_1461 = arith.addi %mul3A_1459, %add3A_1460 : i32
        %broadcast_in_dim3A_1462 = vector.broadcast %add3A_1461 : i32 to vector<16xi32>
        %get3A_1463 = arith.index_cast %add3A_1461 : i32 to index
        %get3A_1464 = arith.constant 0 : index
        %get3A_1465 = tpu.vector_load %arg10[%get3A_1463, %get3A_1464] {strides = array<i32>} : memref<128x64xf32, #tpu.memory_space<vmem>>, vector<16xf32>,
        %add3A_1466 = arith.addf %get3A_1465, %get3A_897 : vector<16xf32>
        tpu.vector_store_idx %arg14[%select_n3A, %select_n3A_153, %broadcast_in_dim3A_1462], %add3A_1466 : memref<8x8x129xf32, #tpu.memory_space<vmem>>[vector<16xi32>, vector<16xi32>, vector<16xi32>], vector<16xf32>,
        %get3A_1467 = arith.index_cast %add3A_1461 : i32 to index
        %get3A_1468 = arith.constant 16 : index
        %get3A_1469 = tpu.vector_load %arg10[%get3A_1467, %get3A_1468] {strides = array<i32>} : memref<128x64xf32, #tpu.memory_space<vmem>>, vector<16xf32>,
        %add3A_1470 = arith.addf %get3A_1469, %get3A_901 : vector<16xf32>
        tpu.vector_store_idx %arg14[%select_n3A_62, %select_n3A_178, %broadcast_in_dim3A_1462], %add3A_1470 : memref<8x8x129xf32, #tpu.memory_space<vmem>>[vector<16xi32>, vector<16xi32>, vector<16xi32>], vector<16xf32>,
        %get3A_1471 = arith.index_cast %add3A_1461 : i32 to index
        %get3A_1472 = arith.constant 32 : index
        %get3A_1473 = tpu.vector_load %arg10[%get3A_1471, %get3A_1472] {strides = array<i32>} : memref<128x64xf32, #tpu.memory_space<vmem>>, vector<16xf32>,
        %add3A_1474 = arith.addf %get3A_1473, %get3A_905 : vector<16xf32>
        tpu.vector_store_idx %arg14[%select_n3A_96, %select_n3A_203, %broadcast_in_dim3A_1462], %add3A_1474 : memref<8x8x129xf32, #tpu.memory_space<vmem>>[vector<16xi32>, vector<16xi32>, vector<16xi32>], vector<16xf32>,
        %get3A_1475 = arith.index_cast %add3A_1461 : i32 to index
        %get3A_1476 = arith.constant 48 : index
        %get3A_1477 = tpu.vector_load %arg10[%get3A_1475, %get3A_1476] {strides = array<i32>} : memref<128x64xf32, #tpu.memory_space<vmem>>, vector<16xf32>,
        %add3A_1478 = arith.addf %get3A_1477, %get3A_909 : vector<16xf32>
        tpu.vector_store_idx %arg14[%select_n3A_130, %select_n3A_228, %broadcast_in_dim3A_1462], %add3A_1478 : memref<8x8x129xf32, #tpu.memory_space<vmem>>[vector<16xi32>, vector<16xi32>, vector<16xi32>], vector<16xf32>,
        %mul3A_1479 = arith.constant 4 : i32
        %mul3A_1480 = arith.muli %scan3A_1436, %mul3A_1479 : i32
        %add3A_1481 = arith.constant 2 : i32
        %add3A_1482 = arith.addi %mul3A_1480, %add3A_1481 : i32
        %broadcast_in_dim3A_1483 = vector.broadcast %add3A_1482 : i32 to vector<16xi32>
        %get3A_1484 = arith.index_cast %add3A_1482 : i32 to index
        %get3A_1485 = arith.constant 0 : index
        %get3A_1486 = tpu.vector_load %arg10[%get3A_1484, %get3A_1485] {strides = array<i32>} : memref<128x64xf32, #tpu.memory_space<vmem>>, vector<16xf32>,
        %add3A_1487 = arith.addf %get3A_1486, %get3A_897 : vector<16xf32>
        tpu.vector_store_idx %arg14[%select_n3A, %select_n3A_153, %broadcast_in_dim3A_1483], %add3A_1487 : memref<8x8x129xf32, #tpu.memory_space<vmem>>[vector<16xi32>, vector<16xi32>, vector<16xi32>], vector<16xf32>,
        %get3A_1488 = arith.index_cast %add3A_1482 : i32 to index
        %get3A_1489 = arith.constant 16 : index
        %get3A_1490 = tpu.vector_load %arg10[%get3A_1488, %get3A_1489] {strides = array<i32>} : memref<128x64xf32, #tpu.memory_space<vmem>>, vector<16xf32>,
        %add3A_1491 = arith.addf %get3A_1490, %get3A_901 : vector<16xf32>
        tpu.vector_store_idx %arg14[%select_n3A_62, %select_n3A_178, %broadcast_in_dim3A_1483], %add3A_1491 : memref<8x8x129xf32, #tpu.memory_space<vmem>>[vector<16xi32>, vector<16xi32>, vector<16xi32>], vector<16xf32>,
        %get3A_1492 = arith.index_cast %add3A_1482 : i32 to index
        %get3A_1493 = arith.constant 32 : index
        %get3A_1494 = tpu.vector_load %arg10[%get3A_1492, %get3A_1493] {strides = array<i32>} : memref<128x64xf32, #tpu.memory_space<vmem>>, vector<16xf32>,
        %add3A_1495 = arith.addf %get3A_1494, %get3A_905 : vector<16xf32>
        tpu.vector_store_idx %arg14[%select_n3A_96, %select_n3A_203, %broadcast_in_dim3A_1483], %add3A_1495 : memref<8x8x129xf32, #tpu.memory_space<vmem>>[vector<16xi32>, vector<16xi32>, vector<16xi32>], vector<16xf32>,
        %get3A_1496 = arith.index_cast %add3A_1482 : i32 to index
        %get3A_1497 = arith.constant 48 : index
        %get3A_1498 = tpu.vector_load %arg10[%get3A_1496, %get3A_1497] {strides = array<i32>} : memref<128x64xf32, #tpu.memory_space<vmem>>, vector<16xf32>,
        %add3A_1499 = arith.addf %get3A_1498, %get3A_909 : vector<16xf32>
        tpu.vector_store_idx %arg14[%select_n3A_130, %select_n3A_228, %broadcast_in_dim3A_1483], %add3A_1499 : memref<8x8x129xf32, #tpu.memory_space<vmem>>[vector<16xi32>, vector<16xi32>, vector<16xi32>], vector<16xf32>,
        %mul3A_1500 = arith.constant 4 : i32
        %mul3A_1501 = arith.muli %scan3A_1436, %mul3A_1500 : i32
        %add3A_1502 = arith.constant 3 : i32
        %add3A_1503 = arith.addi %mul3A_1501, %add3A_1502 : i32
        %broadcast_in_dim3A_1504 = vector.broadcast %add3A_1503 : i32 to vector<16xi32>
        %get3A_1505 = arith.index_cast %add3A_1503 : i32 to index
        %get3A_1506 = arith.constant 0 : index
        %get3A_1507 = tpu.vector_load %arg10[%get3A_1505, %get3A_1506] {strides = array<i32>} : memref<128x64xf32, #tpu.memory_space<vmem>>, vector<16xf32>,
        %add3A_1508 = arith.addf %get3A_1507, %get3A_897 : vector<16xf32>
        tpu.vector_store_idx %arg14[%select_n3A, %select_n3A_153, %broadcast_in_dim3A_1504], %add3A_1508 : memref<8x8x129xf32, #tpu.memory_space<vmem>>[vector<16xi32>, vector<16xi32>, vector<16xi32>], vector<16xf32>,
        %get3A_1509 = arith.index_cast %add3A_1503 : i32 to index
        %get3A_1510 = arith.constant 16 : index
        %get3A_1511 = tpu.vector_load %arg10[%get3A_1509, %get3A_1510] {strides = array<i32>} : memref<128x64xf32, #tpu.memory_space<vmem>>, vector<16xf32>,
        %add3A_1512 = arith.addf %get3A_1511, %get3A_901 : vector<16xf32>
        tpu.vector_store_idx %arg14[%select_n3A_62, %select_n3A_178, %broadcast_in_dim3A_1504], %add3A_1512 : memref<8x8x129xf32, #tpu.memory_space<vmem>>[vector<16xi32>, vector<16xi32>, vector<16xi32>], vector<16xf32>,
        %get3A_1513 = arith.index_cast %add3A_1503 : i32 to index
        %get3A_1514 = arith.constant 32 : index
        %get3A_1515 = tpu.vector_load %arg10[%get3A_1513, %get3A_1514] {strides = array<i32>} : memref<128x64xf32, #tpu.memory_space<vmem>>, vector<16xf32>,
        %add3A_1516 = arith.addf %get3A_1515, %get3A_905 : vector<16xf32>
        tpu.vector_store_idx %arg14[%select_n3A_96, %select_n3A_203, %broadcast_in_dim3A_1504], %add3A_1516 : memref<8x8x129xf32, #tpu.memory_space<vmem>>[vector<16xi32>, vector<16xi32>, vector<16xi32>], vector<16xf32>,
        %get3A_1517 = arith.index_cast %add3A_1503 : i32 to index
        %get3A_1518 = arith.constant 48 : index
        %get3A_1519 = tpu.vector_load %arg10[%get3A_1517, %get3A_1518] {strides = array<i32>} : memref<128x64xf32, #tpu.memory_space<vmem>>, vector<16xf32>,
        %add3A_1520 = arith.addf %get3A_1519, %get3A_909 : vector<16xf32>
        tpu.vector_store_idx %arg14[%select_n3A_130, %select_n3A_228, %broadcast_in_dim3A_1504], %add3A_1520 : memref<8x8x129xf32, #tpu.memory_space<vmem>>[vector<16xi32>, vector<16xi32>, vector<16xi32>], vector<16xf32>,
        %scan3A_1521 = arith.constant 0 : i32
        scf.yield %scan3A_1521 : i32
      }
      %scan3A_916 = arith.constant 32 : i32
      %add3A_917 = arith.addi %mul3A_2, %add3A_830 : i32
      %jit3A_918 = arith.constant 32 : i32
      %div3A_919 = arith.divsi %add3A_917, %jit3A_918 : i32
      %sign3A_920 = arith.constant 0 : i32
      %sign3A_921 = arith.cmpi sgt, %add3A_917, %sign3A_920 : i32
      %sign3A_922 = arith.extui %sign3A_921 : i1 to i32
      %sign3A_923 = arith.constant 0 : i32
      %sign3A_924 = arith.cmpi slt, %add3A_917, %sign3A_923 : i32
      %sign3A_925 = arith.extui %sign3A_924 : i1 to i32
      %sign3A_926 = arith.subi %sign3A_922, %sign3A_925 : i32
      %sign3A_927 = arith.constant 0 : i32
      %sign3A_928 = arith.cmpi sgt, %jit3A_918, %sign3A_927 : i32
      %sign3A_929 = arith.extui %sign3A_928 : i1 to i32
      %sign3A_930 = arith.constant 0 : i32
      %sign3A_931 = arith.cmpi slt, %jit3A_918, %sign3A_930 : i32
      %sign3A_932 = arith.extui %sign3A_931 : i1 to i32
      %sign3A_933 = arith.subi %sign3A_929, %sign3A_932 : i32
      %ne3A_934 = arith.cmpi ne, %sign3A_926, %sign3A_933 : i32
      %rem3A_935 = arith.remsi %add3A_917, %jit3A_918 : i32
      %ne3A_936 = arith.constant 0 : i32
      %ne3A_937 = arith.cmpi ne, %rem3A_935, %ne3A_936 : i32
      %and3A_938 = arith.andi %ne3A_934, %ne3A_937 : i1
      %sub3A_939 = arith.constant 1 : i32
      %sub3A_940 = arith.subi %div3A_919, %sub3A_939 : i32
      %select_n3A_941 = arith.select %and3A_938, %sub3A_940, %div3A_919 : i32
      %jit3A_942 = arith.constant 32 : i32
      %eq3A_943 = arith.constant 0 : i32
      %eq3A_944 = arith.cmpi eq, %jit3A_942, %eq3A_943 : i32
      %jit3A_945 = arith.constant 1 : i32
      %select_n3A_946 = arith.select %eq3A_944, %jit3A_945, %jit3A_942 : i32
      %rem3A_947 = arith.remsi %add3A_917, %select_n3A_946 : i32
      %ne3A_948 = arith.constant 0 : i32
      %ne3A_949 = arith.cmpi ne, %rem3A_947, %ne3A_948 : i32
      %lt3A_950 = arith.constant 0 : i32
      %lt3A_951 = arith.cmpi slt, %rem3A_947, %lt3A_950 : i32
      %lt3A_952 = arith.constant 0 : i32
      %lt3A_953 = arith.cmpi slt, %select_n3A_946, %lt3A_952 : i32
      %ne3A_954 = arith.xori %lt3A_951, %lt3A_953 : i1
      %and3A_955 = arith.andi %ne3A_954, %ne3A_949 : i1
      %add3A_956 = arith.addi %rem3A_947, %select_n3A_946 : i32
      %select_n3A_957 = arith.select %and3A_955, %add3A_956, %rem3A_947 : i32
      %dma_start3A_958 = arith.constant 0 : i32
      %dma_start3A_959 = arith.constant 0 : i32
      %dma_start3A_960 = arith.constant 0 : i32
      %dma_start3A_961 = tpu.memref_slice %arg14[%dma_start3A_958, %dma_start3A_959, %dma_start3A_960] : memref<8x8x129xf32, #tpu.memory_space<vmem>> -> memref<8x8x128xf32, #tpu.memory_space<vmem>>
      %dma_start3A_962 = arith.constant 0 : i32
      %dma_start3A_963 = arith.constant 0 : i32
      %dma_start3A_964 = arith.constant 0 : i32
      %dma_start3A_965 = tpu.memref_slice %arg5[%select_n3A_941, %dma_start3A_962, %select_n3A_957, %dma_start3A_963, %dma_start3A_964] : memref<200x8x32x8x128xf32, #tpu.memory_space<hbm>> -> memref<1x8x1x8x128xf32, #tpu.memory_space<hbm>>
      %dma_start3A_966 = tpu.memref_squeeze %dma_start3A_965 : memref<1x8x1x8x128xf32, #tpu.memory_space<hbm>> -> memref<8x8x128xf32, #tpu.memory_space<hbm>>
      %dma_start3A_967 = arith.constant 0 : i32
      %dma_start3A_968 = arith.constant 0 : i32
      %dma_start3A_969 = arith.constant 0 : i32
      %dma_start3A_970 = tpu.memref_slice %arg5[%select_n3A_941, %dma_start3A_967, %select_n3A_957, %dma_start3A_968, %dma_start3A_969] : memref<200x8x32x8x128xf32, #tpu.memory_space<hbm>> -> memref<1x8x1x8x128xf32, #tpu.memory_space<hbm>>
      %dma_start3A_971 = tpu.memref_squeeze %dma_start3A_970 : memref<1x8x1x8x128xf32, #tpu.memory_space<hbm>> -> memref<8x8x128xf32, #tpu.memory_space<hbm>>
      %dma_start3A_972 = arith.constant 0 : i32
      %dma_start3A_973 = arith.constant 0 : i32
      %dma_start3A_974 = arith.constant 0 : i32
      %dma_start3A_975 = tpu.memref_slice %arg14[%dma_start3A_972, %dma_start3A_973, %dma_start3A_974] : memref<8x8x129xf32, #tpu.memory_space<vmem>> -> memref<8x8x128xf32, #tpu.memory_space<vmem>>
      tpu.enqueue_dma source(%dma_start3A_975 : memref<8x8x128xf32, #tpu.memory_space<vmem>>) target(%dma_start3A_971 : memref<8x8x128xf32, #tpu.memory_space<hbm>>) target_semaphore(%arg27 : memref<!tpu.dma_semaphore, #tpu.memory_space<semaphore_mem>>)
      %mul3A_976 = arith.constant 4 : i32
      %mul3A_977 = arith.muli %mul3A_976, %scan3A_825 : i32
      %add3A_978 = arith.constant 1 : i32
      %add3A_979 = arith.addi %mul3A_977, %add3A_978 : i32
      %add3A_980 = arith.constant 4 : i32
      %add3A_981 = arith.addi %add3A_979, %add3A_980 : i32
      %sub3A_982 = arith.constant 1 : i32
      %sub3A_983 = arith.subi %add3A_981, %sub3A_982 : i32
      %lt3A_984 = arith.constant 200 : i32
      %lt3A_985 = arith.cmpi slt, %sub3A_983, %lt3A_984 : i32
      %convert_element_type3A_986 = arith.extui %lt3A_985 : i1 to i32
      %cond3A_987 = arith.constant 0 : i32
      %cond3A_988 = arith.cmpi ne, %convert_element_type3A_986, %cond3A_987 : i32
      scf.if %cond3A_988 {
        %add3A_1436 = arith.constant 4 : i32
        %add3A_1437 = arith.addi %add3A_979, %add3A_1436 : i32
        %sub3A_1438 = arith.constant 1 : i32
        %sub3A_1439 = arith.subi %add3A_1437, %sub3A_1438 : i32
        %add3A_1440 = arith.addi %mul3A_2, %sub3A_1439 : i32
        %jit3A_1441 = arith.constant 32 : i32
        %div3A_1442 = arith.divsi %add3A_1440, %jit3A_1441 : i32
        %sign3A_1443 = arith.constant 0 : i32
        %sign3A_1444 = arith.cmpi sgt, %add3A_1440, %sign3A_1443 : i32
        %sign3A_1445 = arith.extui %sign3A_1444 : i1 to i32
        %sign3A_1446 = arith.constant 0 : i32
        %sign3A_1447 = arith.cmpi slt, %add3A_1440, %sign3A_1446 : i32
        %sign3A_1448 = arith.extui %sign3A_1447 : i1 to i32
        %sign3A_1449 = arith.subi %sign3A_1445, %sign3A_1448 : i32
        %sign3A_1450 = arith.constant 0 : i32
        %sign3A_1451 = arith.cmpi sgt, %jit3A_1441, %sign3A_1450 : i32
        %sign3A_1452 = arith.extui %sign3A_1451 : i1 to i32
        %sign3A_1453 = arith.constant 0 : i32
        %sign3A_1454 = arith.cmpi slt, %jit3A_1441, %sign3A_1453 : i32
        %sign3A_1455 = arith.extui %sign3A_1454 : i1 to i32
        %sign3A_1456 = arith.subi %sign3A_1452, %sign3A_1455 : i32
        %ne3A_1457 = arith.cmpi ne, %sign3A_1449, %sign3A_1456 : i32
        %rem3A_1458 = arith.remsi %add3A_1440, %jit3A_1441 : i32
        %ne3A_1459 = arith.constant 0 : i32
        %ne3A_1460 = arith.cmpi ne, %rem3A_1458, %ne3A_1459 : i32
        %and3A_1461 = arith.andi %ne3A_1457, %ne3A_1460 : i1
        %sub3A_1462 = arith.constant 1 : i32
        %sub3A_1463 = arith.subi %div3A_1442, %sub3A_1462 : i32
        %select_n3A_1464 = arith.select %and3A_1461, %sub3A_1463, %div3A_1442 : i32
        %jit3A_1465 = arith.constant 32 : i32
        %eq3A_1466 = arith.constant 0 : i32
        %eq3A_1467 = arith.cmpi eq, %jit3A_1465, %eq3A_1466 : i32
        %jit3A_1468 = arith.constant 1 : i32
        %select_n3A_1469 = arith.select %eq3A_1467, %jit3A_1468, %jit3A_1465 : i32
        %rem3A_1470 = arith.remsi %add3A_1440, %select_n3A_1469 : i32
        %ne3A_1471 = arith.constant 0 : i32
        %ne3A_1472 = arith.cmpi ne, %rem3A_1470, %ne3A_1471 : i32
        %lt3A_1473 = arith.constant 0 : i32
        %lt3A_1474 = arith.cmpi slt, %rem3A_1470, %lt3A_1473 : i32
        %lt3A_1475 = arith.constant 0 : i32
        %lt3A_1476 = arith.cmpi slt, %select_n3A_1469, %lt3A_1475 : i32
        %ne3A_1477 = arith.xori %lt3A_1474, %lt3A_1476 : i1
        %and3A_1478 = arith.andi %ne3A_1477, %ne3A_1472 : i1
        %add3A_1479 = arith.addi %rem3A_1470, %select_n3A_1469 : i32
        %select_n3A_1480 = arith.select %and3A_1478, %add3A_1479, %rem3A_1470 : i32
        %mul3A_1481 = arith.constant 4096 : i32
        %mul3A_1482 = arith.muli %select_n3A_1464, %mul3A_1481 : i32
        %mul3A_1483 = arith.constant 128 : i32
        %mul3A_1484 = arith.muli %select_n3A_1480, %mul3A_1483 : i32
        %add3A_1485 = arith.addi %mul3A_1482, %mul3A_1484 : i32
        %dma_wait3A_1486 = tpu.memref_slice %arg2[%add3A_1485] : memref<819200xi32, #tpu.memory_space<hbm>> -> memref<128xi32, #tpu.memory_space<hbm>>
        %dma_wait3A_1487 = tpu.memref_slice %arg2[%add3A_1485] : memref<819200xi32, #tpu.memory_space<hbm>> -> memref<128xi32, #tpu.memory_space<hbm>>
        tpu.wait_dma2 semaphore(%arg19 : memref<!tpu.dma_semaphore, #tpu.memory_space<semaphore_mem>>) src(%dma_wait3A_1487 : memref<128xi32, #tpu.memory_space<hbm>>) dst(%arg6 : memref<128xi32, #tpu.memory_space<vmem>>)
        %dma_start3A_1488 = arith.constant 0 : i32
        %dma_start3A_1489 = arith.constant 0 : i32
        %dma_start3A_1490 = tpu.memref_slice %arg3[%dma_start3A_1488, %dma_start3A_1489] : memref<100000x64xf32, #tpu.memory_space<hbm>> -> memref<100000x64xf32, #tpu.memory_space<hbm>>
        tpu.enqueue_indirect_dma source(%dma_start3A_1490 : memref<100000x64xf32, #tpu.memory_space<hbm>>) target(%arg10 : memref<128x64xf32, #tpu.memory_space<vmem>>) offsets(%arg6 : memref<128xi32, #tpu.memory_space<vmem>>) semaphore(%arg23 : memref<!tpu.dma_semaphore, #tpu.memory_space<semaphore_mem>>)
      } else {
      }
      %dma_wait3A_989 = arith.constant 0 : i32
      %dma_wait3A_990 = arith.constant 0 : i32
      %dma_wait3A_991 = tpu.memref_slice %arg3[%dma_wait3A_989, %dma_wait3A_990] : memref<100000x64xf32, #tpu.memory_space<hbm>> -> memref<100000x64xf32, #tpu.memory_space<hbm>>
      tpu.wait_indirect_dma semaphore(%arg24 : memref<!tpu.dma_semaphore, #tpu.memory_space<semaphore_mem>>) src(%dma_wait3A_991 : memref<100000x64xf32, #tpu.memory_space<hbm>>) dst(%arg11 : memref<128x64xf32, #tpu.memory_space<vmem>>)
      %add3A_992 = arith.constant 4 : i32
      %add3A_993 = arith.addi %add3A_979, %add3A_992 : i32
      %lt3A_994 = arith.constant 200 : i32
      %lt3A_995 = arith.cmpi slt, %add3A_993, %lt3A_994 : i32
      %convert_element_type3A_996 = arith.extui %lt3A_995 : i1 to i32
      %cond3A_997 = arith.constant 0 : i32
      %cond3A_998 = arith.cmpi ne, %convert_element_type3A_996, %cond3A_997 : i32
      scf.if %cond3A_998 {
        %add3A_1436 = arith.constant 4 : i32
        %add3A_1437 = arith.addi %add3A_979, %add3A_1436 : i32
        %add3A_1438 = arith.addi %mul3A_2, %add3A_1437 : i32
        %jit3A_1439 = arith.constant 32 : i32
        %div3A_1440 = arith.divsi %add3A_1438, %jit3A_1439 : i32
        %sign3A_1441 = arith.constant 0 : i32
        %sign3A_1442 = arith.cmpi sgt, %add3A_1438, %sign3A_1441 : i32
        %sign3A_1443 = arith.extui %sign3A_1442 : i1 to i32
        %sign3A_1444 = arith.constant 0 : i32
        %sign3A_1445 = arith.cmpi slt, %add3A_1438, %sign3A_1444 : i32
        %sign3A_1446 = arith.extui %sign3A_1445 : i1 to i32
        %sign3A_1447 = arith.subi %sign3A_1443, %sign3A_1446 : i32
        %sign3A_1448 = arith.constant 0 : i32
        %sign3A_1449 = arith.cmpi sgt, %jit3A_1439, %sign3A_1448 : i32
        %sign3A_1450 = arith.extui %sign3A_1449 : i1 to i32
        %sign3A_1451 = arith.constant 0 : i32
        %sign3A_1452 = arith.cmpi slt, %jit3A_1439, %sign3A_1451 : i32
        %sign3A_1453 = arith.extui %sign3A_1452 : i1 to i32
        %sign3A_1454 = arith.subi %sign3A_1450, %sign3A_1453 : i32
        %ne3A_1455 = arith.cmpi ne, %sign3A_1447, %sign3A_1454 : i32
        %rem3A_1456 = arith.remsi %add3A_1438, %jit3A_1439 : i32
        %ne3A_1457 = arith.constant 0 : i32
        %ne3A_1458 = arith.cmpi ne, %rem3A_1456, %ne3A_1457 : i32
        %and3A_1459 = arith.andi %ne3A_1455, %ne3A_1458 : i1
        %sub3A_1460 = arith.constant 1 : i32
        %sub3A_1461 = arith.subi %div3A_1440, %sub3A_1460 : i32
        %select_n3A_1462 = arith.select %and3A_1459, %sub3A_1461, %div3A_1440 : i32
        %jit3A_1463 = arith.constant 32 : i32
        %eq3A_1464 = arith.constant 0 : i32
        %eq3A_1465 = arith.cmpi eq, %jit3A_1463, %eq3A_1464 : i32
        %jit3A_1466 = arith.constant 1 : i32
        %select_n3A_1467 = arith.select %eq3A_1465, %jit3A_1466, %jit3A_1463 : i32
        %rem3A_1468 = arith.remsi %add3A_1438, %select_n3A_1467 : i32
        %ne3A_1469 = arith.constant 0 : i32
        %ne3A_1470 = arith.cmpi ne, %rem3A_1468, %ne3A_1469 : i32
        %lt3A_1471 = arith.constant 0 : i32
        %lt3A_1472 = arith.cmpi slt, %rem3A_1468, %lt3A_1471 : i32
        %lt3A_1473 = arith.constant 0 : i32
        %lt3A_1474 = arith.cmpi slt, %select_n3A_1467, %lt3A_1473 : i32
        %ne3A_1475 = arith.xori %lt3A_1472, %lt3A_1474 : i1
        %and3A_1476 = arith.andi %ne3A_1475, %ne3A_1470 : i1
        %add3A_1477 = arith.addi %rem3A_1468, %select_n3A_1467 : i32
        %select_n3A_1478 = arith.select %and3A_1476, %add3A_1477, %rem3A_1468 : i32
        %mul3A_1479 = arith.constant 4096 : i32
        %mul3A_1480 = arith.muli %select_n3A_1462, %mul3A_1479 : i32
        %mul3A_1481 = arith.constant 128 : i32
        %mul3A_1482 = arith.muli %select_n3A_1478, %mul3A_1481 : i32
        %add3A_1483 = arith.addi %mul3A_1480, %mul3A_1482 : i32
        %dma_start3A_1484 = tpu.memref_slice %arg2[%add3A_1483] : memref<819200xi32, #tpu.memory_space<hbm>> -> memref<128xi32, #tpu.memory_space<hbm>>
        %dma_start3A_1485 = tpu.memref_slice %arg2[%add3A_1483] : memref<819200xi32, #tpu.memory_space<hbm>> -> memref<128xi32, #tpu.memory_space<hbm>>
        tpu.enqueue_dma source(%dma_start3A_1485 : memref<128xi32, #tpu.memory_space<hbm>>) target(%arg7 : memref<128xi32, #tpu.memory_space<vmem>>) target_semaphore(%arg20 : memref<!tpu.dma_semaphore, #tpu.memory_space<semaphore_mem>>)
      } else {
      }
      %ge3A_999 = arith.constant 4 : i32
      %ge3A_1000 = arith.cmpi sge, %add3A_979, %ge3A_999 : i32
      %convert_element_type3A_1001 = arith.extui %ge3A_1000 : i1 to i32
      %cond3A_1002 = arith.constant 0 : i32
      %cond3A_1003 = arith.cmpi ne, %convert_element_type3A_1001, %cond3A_1002 : i32
      scf.if %cond3A_1003 {
        %sub3A_1436 = arith.constant 4 : i32
        %sub3A_1437 = arith.subi %add3A_979, %sub3A_1436 : i32
        %add3A_1438 = arith.addi %mul3A_2, %sub3A_1437 : i32
        %jit3A_1439 = arith.constant 32 : i32
        %div3A_1440 = arith.divsi %add3A_1438, %jit3A_1439 : i32
        %sign3A_1441 = arith.constant 0 : i32
        %sign3A_1442 = arith.cmpi sgt, %add3A_1438, %sign3A_1441 : i32
        %sign3A_1443 = arith.extui %sign3A_1442 : i1 to i32
        %sign3A_1444 = arith.constant 0 : i32
        %sign3A_1445 = arith.cmpi slt, %add3A_1438, %sign3A_1444 : i32
        %sign3A_1446 = arith.extui %sign3A_1445 : i1 to i32
        %sign3A_1447 = arith.subi %sign3A_1443, %sign3A_1446 : i32
        %sign3A_1448 = arith.constant 0 : i32
        %sign3A_1449 = arith.cmpi sgt, %jit3A_1439, %sign3A_1448 : i32
        %sign3A_1450 = arith.extui %sign3A_1449 : i1 to i32
        %sign3A_1451 = arith.constant 0 : i32
        %sign3A_1452 = arith.cmpi slt, %jit3A_1439, %sign3A_1451 : i32
        %sign3A_1453 = arith.extui %sign3A_1452 : i1 to i32
        %sign3A_1454 = arith.subi %sign3A_1450, %sign3A_1453 : i32
        %ne3A_1455 = arith.cmpi ne, %sign3A_1447, %sign3A_1454 : i32
        %rem3A_1456 = arith.remsi %add3A_1438, %jit3A_1439 : i32
        %ne3A_1457 = arith.constant 0 : i32
        %ne3A_1458 = arith.cmpi ne, %rem3A_1456, %ne3A_1457 : i32
        %and3A_1459 = arith.andi %ne3A_1455, %ne3A_1458 : i1
        %sub3A_1460 = arith.constant 1 : i32
        %sub3A_1461 = arith.subi %div3A_1440, %sub3A_1460 : i32
        %select_n3A_1462 = arith.select %and3A_1459, %sub3A_1461, %div3A_1440 : i32
        %jit3A_1463 = arith.constant 32 : i32
        %eq3A_1464 = arith.constant 0 : i32
        %eq3A_1465 = arith.cmpi eq, %jit3A_1463, %eq3A_1464 : i32
        %jit3A_1466 = arith.constant 1 : i32
        %select_n3A_1467 = arith.select %eq3A_1465, %jit3A_1466, %jit3A_1463 : i32
        %rem3A_1468 = arith.remsi %add3A_1438, %select_n3A_1467 : i32
        %ne3A_1469 = arith.constant 0 : i32
        %ne3A_1470 = arith.cmpi ne, %rem3A_1468, %ne3A_1469 : i32
        %lt3A_1471 = arith.constant 0 : i32
        %lt3A_1472 = arith.cmpi slt, %rem3A_1468, %lt3A_1471 : i32
        %lt3A_1473 = arith.constant 0 : i32
        %lt3A_1474 = arith.cmpi slt, %select_n3A_1467, %lt3A_1473 : i32
        %ne3A_1475 = arith.xori %lt3A_1472, %lt3A_1474 : i1
        %and3A_1476 = arith.andi %ne3A_1475, %ne3A_1470 : i1
        %add3A_1477 = arith.addi %rem3A_1468, %select_n3A_1467 : i32
        %select_n3A_1478 = arith.select %and3A_1476, %add3A_1477, %rem3A_1468 : i32
        %dma_wait3A_1479 = arith.constant 0 : i32
        %dma_wait3A_1480 = arith.constant 0 : i32
        %dma_wait3A_1481 = arith.constant 0 : i32
        %dma_wait3A_1482 = tpu.memref_slice %arg15[%dma_wait3A_1479, %dma_wait3A_1480, %dma_wait3A_1481] : memref<8x8x129xf32, #tpu.memory_space<vmem>> -> memref<8x8x128xf32, #tpu.memory_space<vmem>>
        %dma_wait3A_1483 = arith.constant 0 : i32
        %dma_wait3A_1484 = arith.constant 0 : i32
        %dma_wait3A_1485 = arith.constant 0 : i32
        %dma_wait3A_1486 = tpu.memref_slice %arg5[%select_n3A_1462, %dma_wait3A_1483, %select_n3A_1478, %dma_wait3A_1484, %dma_wait3A_1485] : memref<200x8x32x8x128xf32, #tpu.memory_space<hbm>> -> memref<1x8x1x8x128xf32, #tpu.memory_space<hbm>>
        %dma_wait3A_1487 = tpu.memref_squeeze %dma_wait3A_1486 : memref<1x8x1x8x128xf32, #tpu.memory_space<hbm>> -> memref<8x8x128xf32, #tpu.memory_space<hbm>>
        %dma_wait3A_1488 = arith.constant 0 : i32
        %dma_wait3A_1489 = arith.constant 0 : i32
        %dma_wait3A_1490 = arith.constant 0 : i32
        %dma_wait3A_1491 = tpu.memref_slice %arg5[%select_n3A_1462, %dma_wait3A_1488, %select_n3A_1478, %dma_wait3A_1489, %dma_wait3A_1490] : memref<200x8x32x8x128xf32, #tpu.memory_space<hbm>> -> memref<1x8x1x8x128xf32, #tpu.memory_space<hbm>>
        %dma_wait3A_1492 = tpu.memref_squeeze %dma_wait3A_1491 : memref<1x8x1x8x128xf32, #tpu.memory_space<hbm>> -> memref<8x8x128xf32, #tpu.memory_space<hbm>>
        %dma_wait3A_1493 = arith.constant 0 : i32
        %dma_wait3A_1494 = arith.constant 0 : i32
        %dma_wait3A_1495 = arith.constant 0 : i32
        %dma_wait3A_1496 = tpu.memref_slice %arg15[%dma_wait3A_1493, %dma_wait3A_1494, %dma_wait3A_1495] : memref<8x8x129xf32, #tpu.memory_space<vmem>> -> memref<8x8x128xf32, #tpu.memory_space<vmem>>
        tpu.wait_dma2 semaphore(%arg28 : memref<!tpu.dma_semaphore, #tpu.memory_space<semaphore_mem>>) src(%dma_wait3A_1496 : memref<8x8x128xf32, #tpu.memory_space<vmem>>) dst(%dma_wait3A_1492 : memref<8x8x128xf32, #tpu.memory_space<hbm>>)
      } else {
      }
      %add3A_1004 = arith.addi %mul3A_2, %add3A_979 : i32
      %jit3A_1005 = arith.constant 32 : i32
      %div3A_1006 = arith.divsi %add3A_1004, %jit3A_1005 : i32
      %sign3A_1007 = arith.constant 0 : i32
      %sign3A_1008 = arith.cmpi sgt, %add3A_1004, %sign3A_1007 : i32
      %sign3A_1009 = arith.extui %sign3A_1008 : i1 to i32
      %sign3A_1010 = arith.constant 0 : i32
      %sign3A_1011 = arith.cmpi slt, %add3A_1004, %sign3A_1010 : i32
      %sign3A_1012 = arith.extui %sign3A_1011 : i1 to i32
      %sign3A_1013 = arith.subi %sign3A_1009, %sign3A_1012 : i32
      %sign3A_1014 = arith.constant 0 : i32
      %sign3A_1015 = arith.cmpi sgt, %jit3A_1005, %sign3A_1014 : i32
      %sign3A_1016 = arith.extui %sign3A_1015 : i1 to i32
      %sign3A_1017 = arith.constant 0 : i32
      %sign3A_1018 = arith.cmpi slt, %jit3A_1005, %sign3A_1017 : i32
      %sign3A_1019 = arith.extui %sign3A_1018 : i1 to i32
      %sign3A_1020 = arith.subi %sign3A_1016, %sign3A_1019 : i32
      %ne3A_1021 = arith.cmpi ne, %sign3A_1013, %sign3A_1020 : i32
      %rem3A_1022 = arith.remsi %add3A_1004, %jit3A_1005 : i32
      %ne3A_1023 = arith.constant 0 : i32
      %ne3A_1024 = arith.cmpi ne, %rem3A_1022, %ne3A_1023 : i32
      %and3A_1025 = arith.andi %ne3A_1021, %ne3A_1024 : i1
      %sub3A_1026 = arith.constant 1 : i32
      %sub3A_1027 = arith.subi %div3A_1006, %sub3A_1026 : i32
      %select_n3A_1028 = arith.select %and3A_1025, %sub3A_1027, %div3A_1006 : i32
      %jit3A_1029 = arith.constant 32 : i32
      %eq3A_1030 = arith.constant 0 : i32
      %eq3A_1031 = arith.cmpi eq, %jit3A_1029, %eq3A_1030 : i32
      %jit3A_1032 = arith.constant 1 : i32
      %select_n3A_1033 = arith.select %eq3A_1031, %jit3A_1032, %jit3A_1029 : i32
      %rem3A_1034 = arith.remsi %add3A_1004, %select_n3A_1033 : i32
      %ne3A_1035 = arith.constant 0 : i32
      %ne3A_1036 = arith.cmpi ne, %rem3A_1034, %ne3A_1035 : i32
      %lt3A_1037 = arith.constant 0 : i32
      %lt3A_1038 = arith.cmpi slt, %rem3A_1034, %lt3A_1037 : i32
      %lt3A_1039 = arith.constant 0 : i32
      %lt3A_1040 = arith.cmpi slt, %select_n3A_1033, %lt3A_1039 : i32
      %ne3A_1041 = arith.xori %lt3A_1038, %lt3A_1040 : i1
      %and3A_1042 = arith.andi %ne3A_1041, %ne3A_1036 : i1
      %add3A_1043 = arith.addi %rem3A_1034, %select_n3A_1033 : i32
      %select_n3A_1044 = arith.select %and3A_1042, %add3A_1043, %rem3A_1034 : i32
      %mul3A_1045 = arith.constant 64 : i32
      %mul3A_1046 = arith.muli %select_n3A_1028, %mul3A_1045 : i32
      %add3A_1047 = arith.constant 0 : i32
      %add3A_1048 = arith.addi %mul3A_1046, %add3A_1047 : i32
      %get3A_1049 = arith.index_cast %add3A_1048 : i32 to index
      %get3A_1050 = tpu.vector_load %arg18[%get3A_1049] {strides = array<i32>} : memref<12800xf32, #tpu.memory_space<vmem>>, vector<16xf32>,
      %add3A_1051 = arith.constant 16 : i32
      %add3A_1052 = arith.addi %mul3A_1046, %add3A_1051 : i32
      %get3A_1053 = arith.index_cast %add3A_1052 : i32 to index
      %get3A_1054 = tpu.vector_load %arg18[%get3A_1053] {strides = array<i32>} : memref<12800xf32, #tpu.memory_space<vmem>>, vector<16xf32>,
      %add3A_1055 = arith.constant 32 : i32
      %add3A_1056 = arith.addi %mul3A_1046, %add3A_1055 : i32
      %get3A_1057 = arith.index_cast %add3A_1056 : i32 to index
      %get3A_1058 = tpu.vector_load %arg18[%get3A_1057] {strides = array<i32>} : memref<12800xf32, #tpu.memory_space<vmem>>, vector<16xf32>,
      %add3A_1059 = arith.constant 48 : i32
      %add3A_1060 = arith.addi %mul3A_1046, %add3A_1059 : i32
      %get3A_1061 = arith.index_cast %add3A_1060 : i32 to index
      %get3A_1062 = tpu.vector_load %arg18[%get3A_1061] {strides = array<i32>} : memref<12800xf32, #tpu.memory_space<vmem>>, vector<16xf32>,
      %scan3A_1063 = arith.constant 0 : i32
      %scan3A_1064 = arith.constant 0 : i32
      %scan3A_1065 = arith.constant 32 : i32
      %scan3A_1066 = arith.addi %scan3A_1064, %scan3A_1065 : i32
      %scan3A_1067 = arith.constant 1 : i32
      %scan3A_1068 = scf.for %scan3A_1436 = %scan3A_1064 to %scan3A_1066 step %scan3A_1067 iter_args(%scan3A_1437 = %scan3A_1063) -> (i32)  : i32 {
        %mul3A_1438 = arith.constant 4 : i32
        %mul3A_1439 = arith.muli %scan3A_1436, %mul3A_1438 : i32
        %add3A_1440 = arith.constant 0 : i32
        %add3A_1441 = arith.addi %mul3A_1439, %add3A_1440 : i32
        %broadcast_in_dim3A = vector.broadcast %add3A_1441 : i32 to vector<16xi32>
        %get3A_1442 = arith.index_cast %add3A_1441 : i32 to index
        %get3A_1443 = arith.constant 0 : index
        %get3A_1444 = tpu.vector_load %arg11[%get3A_1442, %get3A_1443] {strides = array<i32>} : memref<128x64xf32, #tpu.memory_space<vmem>>, vector<16xf32>,
        %add3A_1445 = arith.addf %get3A_1444, %get3A_1050 : vector<16xf32>
        tpu.vector_store_idx %arg15[%select_n3A, %select_n3A_153, %broadcast_in_dim3A], %add3A_1445 : memref<8x8x129xf32, #tpu.memory_space<vmem>>[vector<16xi32>, vector<16xi32>, vector<16xi32>], vector<16xf32>,
        %get3A_1446 = arith.index_cast %add3A_1441 : i32 to index
        %get3A_1447 = arith.constant 16 : index
        %get3A_1448 = tpu.vector_load %arg11[%get3A_1446, %get3A_1447] {strides = array<i32>} : memref<128x64xf32, #tpu.memory_space<vmem>>, vector<16xf32>,
        %add3A_1449 = arith.addf %get3A_1448, %get3A_1054 : vector<16xf32>
        tpu.vector_store_idx %arg15[%select_n3A_62, %select_n3A_178, %broadcast_in_dim3A], %add3A_1449 : memref<8x8x129xf32, #tpu.memory_space<vmem>>[vector<16xi32>, vector<16xi32>, vector<16xi32>], vector<16xf32>,
        %get3A_1450 = arith.index_cast %add3A_1441 : i32 to index
        %get3A_1451 = arith.constant 32 : index
        %get3A_1452 = tpu.vector_load %arg11[%get3A_1450, %get3A_1451] {strides = array<i32>} : memref<128x64xf32, #tpu.memory_space<vmem>>, vector<16xf32>,
        %add3A_1453 = arith.addf %get3A_1452, %get3A_1058 : vector<16xf32>
        tpu.vector_store_idx %arg15[%select_n3A_96, %select_n3A_203, %broadcast_in_dim3A], %add3A_1453 : memref<8x8x129xf32, #tpu.memory_space<vmem>>[vector<16xi32>, vector<16xi32>, vector<16xi32>], vector<16xf32>,
        %get3A_1454 = arith.index_cast %add3A_1441 : i32 to index
        %get3A_1455 = arith.constant 48 : index
        %get3A_1456 = tpu.vector_load %arg11[%get3A_1454, %get3A_1455] {strides = array<i32>} : memref<128x64xf32, #tpu.memory_space<vmem>>, vector<16xf32>,
        %add3A_1457 = arith.addf %get3A_1456, %get3A_1062 : vector<16xf32>
        tpu.vector_store_idx %arg15[%select_n3A_130, %select_n3A_228, %broadcast_in_dim3A], %add3A_1457 : memref<8x8x129xf32, #tpu.memory_space<vmem>>[vector<16xi32>, vector<16xi32>, vector<16xi32>], vector<16xf32>,
        %mul3A_1458 = arith.constant 4 : i32
        %mul3A_1459 = arith.muli %scan3A_1436, %mul3A_1458 : i32
        %add3A_1460 = arith.constant 1 : i32
        %add3A_1461 = arith.addi %mul3A_1459, %add3A_1460 : i32
        %broadcast_in_dim3A_1462 = vector.broadcast %add3A_1461 : i32 to vector<16xi32>
        %get3A_1463 = arith.index_cast %add3A_1461 : i32 to index
        %get3A_1464 = arith.constant 0 : index
        %get3A_1465 = tpu.vector_load %arg11[%get3A_1463, %get3A_1464] {strides = array<i32>} : memref<128x64xf32, #tpu.memory_space<vmem>>, vector<16xf32>,
        %add3A_1466 = arith.addf %get3A_1465, %get3A_1050 : vector<16xf32>
        tpu.vector_store_idx %arg15[%select_n3A, %select_n3A_153, %broadcast_in_dim3A_1462], %add3A_1466 : memref<8x8x129xf32, #tpu.memory_space<vmem>>[vector<16xi32>, vector<16xi32>, vector<16xi32>], vector<16xf32>,
        %get3A_1467 = arith.index_cast %add3A_1461 : i32 to index
        %get3A_1468 = arith.constant 16 : index
        %get3A_1469 = tpu.vector_load %arg11[%get3A_1467, %get3A_1468] {strides = array<i32>} : memref<128x64xf32, #tpu.memory_space<vmem>>, vector<16xf32>,
        %add3A_1470 = arith.addf %get3A_1469, %get3A_1054 : vector<16xf32>
        tpu.vector_store_idx %arg15[%select_n3A_62, %select_n3A_178, %broadcast_in_dim3A_1462], %add3A_1470 : memref<8x8x129xf32, #tpu.memory_space<vmem>>[vector<16xi32>, vector<16xi32>, vector<16xi32>], vector<16xf32>,
        %get3A_1471 = arith.index_cast %add3A_1461 : i32 to index
        %get3A_1472 = arith.constant 32 : index
        %get3A_1473 = tpu.vector_load %arg11[%get3A_1471, %get3A_1472] {strides = array<i32>} : memref<128x64xf32, #tpu.memory_space<vmem>>, vector<16xf32>,
        %add3A_1474 = arith.addf %get3A_1473, %get3A_1058 : vector<16xf32>
        tpu.vector_store_idx %arg15[%select_n3A_96, %select_n3A_203, %broadcast_in_dim3A_1462], %add3A_1474 : memref<8x8x129xf32, #tpu.memory_space<vmem>>[vector<16xi32>, vector<16xi32>, vector<16xi32>], vector<16xf32>,
        %get3A_1475 = arith.index_cast %add3A_1461 : i32 to index
        %get3A_1476 = arith.constant 48 : index
        %get3A_1477 = tpu.vector_load %arg11[%get3A_1475, %get3A_1476] {strides = array<i32>} : memref<128x64xf32, #tpu.memory_space<vmem>>, vector<16xf32>,
        %add3A_1478 = arith.addf %get3A_1477, %get3A_1062 : vector<16xf32>
        tpu.vector_store_idx %arg15[%select_n3A_130, %select_n3A_228, %broadcast_in_dim3A_1462], %add3A_1478 : memref<8x8x129xf32, #tpu.memory_space<vmem>>[vector<16xi32>, vector<16xi32>, vector<16xi32>], vector<16xf32>,
        %mul3A_1479 = arith.constant 4 : i32
        %mul3A_1480 = arith.muli %scan3A_1436, %mul3A_1479 : i32
        %add3A_1481 = arith.constant 2 : i32
        %add3A_1482 = arith.addi %mul3A_1480, %add3A_1481 : i32
        %broadcast_in_dim3A_1483 = vector.broadcast %add3A_1482 : i32 to vector<16xi32>
        %get3A_1484 = arith.index_cast %add3A_1482 : i32 to index
        %get3A_1485 = arith.constant 0 : index
        %get3A_1486 = tpu.vector_load %arg11[%get3A_1484, %get3A_1485] {strides = array<i32>} : memref<128x64xf32, #tpu.memory_space<vmem>>, vector<16xf32>,
        %add3A_1487 = arith.addf %get3A_1486, %get3A_1050 : vector<16xf32>
        tpu.vector_store_idx %arg15[%select_n3A, %select_n3A_153, %broadcast_in_dim3A_1483], %add3A_1487 : memref<8x8x129xf32, #tpu.memory_space<vmem>>[vector<16xi32>, vector<16xi32>, vector<16xi32>], vector<16xf32>,
        %get3A_1488 = arith.index_cast %add3A_1482 : i32 to index
        %get3A_1489 = arith.constant 16 : index
        %get3A_1490 = tpu.vector_load %arg11[%get3A_1488, %get3A_1489] {strides = array<i32>} : memref<128x64xf32, #tpu.memory_space<vmem>>, vector<16xf32>,
        %add3A_1491 = arith.addf %get3A_1490, %get3A_1054 : vector<16xf32>
        tpu.vector_store_idx %arg15[%select_n3A_62, %select_n3A_178, %broadcast_in_dim3A_1483], %add3A_1491 : memref<8x8x129xf32, #tpu.memory_space<vmem>>[vector<16xi32>, vector<16xi32>, vector<16xi32>], vector<16xf32>,
        %get3A_1492 = arith.index_cast %add3A_1482 : i32 to index
        %get3A_1493 = arith.constant 32 : index
        %get3A_1494 = tpu.vector_load %arg11[%get3A_1492, %get3A_1493] {strides = array<i32>} : memref<128x64xf32, #tpu.memory_space<vmem>>, vector<16xf32>,
        %add3A_1495 = arith.addf %get3A_1494, %get3A_1058 : vector<16xf32>
        tpu.vector_store_idx %arg15[%select_n3A_96, %select_n3A_203, %broadcast_in_dim3A_1483], %add3A_1495 : memref<8x8x129xf32, #tpu.memory_space<vmem>>[vector<16xi32>, vector<16xi32>, vector<16xi32>], vector<16xf32>,
        %get3A_1496 = arith.index_cast %add3A_1482 : i32 to index
        %get3A_1497 = arith.constant 48 : index
        %get3A_1498 = tpu.vector_load %arg11[%get3A_1496, %get3A_1497] {strides = array<i32>} : memref<128x64xf32, #tpu.memory_space<vmem>>, vector<16xf32>,
        %add3A_1499 = arith.addf %get3A_1498, %get3A_1062 : vector<16xf32>
        tpu.vector_store_idx %arg15[%select_n3A_130, %select_n3A_228, %broadcast_in_dim3A_1483], %add3A_1499 : memref<8x8x129xf32, #tpu.memory_space<vmem>>[vector<16xi32>, vector<16xi32>, vector<16xi32>], vector<16xf32>,
        %mul3A_1500 = arith.constant 4 : i32
        %mul3A_1501 = arith.muli %scan3A_1436, %mul3A_1500 : i32
        %add3A_1502 = arith.constant 3 : i32
        %add3A_1503 = arith.addi %mul3A_1501, %add3A_1502 : i32
        %broadcast_in_dim3A_1504 = vector.broadcast %add3A_1503 : i32 to vector<16xi32>
        %get3A_1505 = arith.index_cast %add3A_1503 : i32 to index
        %get3A_1506 = arith.constant 0 : index
        %get3A_1507 = tpu.vector_load %arg11[%get3A_1505, %get3A_1506] {strides = array<i32>} : memref<128x64xf32, #tpu.memory_space<vmem>>, vector<16xf32>,
        %add3A_1508 = arith.addf %get3A_1507, %get3A_1050 : vector<16xf32>
        tpu.vector_store_idx %arg15[%select_n3A, %select_n3A_153, %broadcast_in_dim3A_1504], %add3A_1508 : memref<8x8x129xf32, #tpu.memory_space<vmem>>[vector<16xi32>, vector<16xi32>, vector<16xi32>], vector<16xf32>,
        %get3A_1509 = arith.index_cast %add3A_1503 : i32 to index
        %get3A_1510 = arith.constant 16 : index
        %get3A_1511 = tpu.vector_load %arg11[%get3A_1509, %get3A_1510] {strides = array<i32>} : memref<128x64xf32, #tpu.memory_space<vmem>>, vector<16xf32>,
        %add3A_1512 = arith.addf %get3A_1511, %get3A_1054 : vector<16xf32>
        tpu.vector_store_idx %arg15[%select_n3A_62, %select_n3A_178, %broadcast_in_dim3A_1504], %add3A_1512 : memref<8x8x129xf32, #tpu.memory_space<vmem>>[vector<16xi32>, vector<16xi32>, vector<16xi32>], vector<16xf32>,
        %get3A_1513 = arith.index_cast %add3A_1503 : i32 to index
        %get3A_1514 = arith.constant 32 : index
        %get3A_1515 = tpu.vector_load %arg11[%get3A_1513, %get3A_1514] {strides = array<i32>} : memref<128x64xf32, #tpu.memory_space<vmem>>, vector<16xf32>,
        %add3A_1516 = arith.addf %get3A_1515, %get3A_1058 : vector<16xf32>
        tpu.vector_store_idx %arg15[%select_n3A_96, %select_n3A_203, %broadcast_in_dim3A_1504], %add3A_1516 : memref<8x8x129xf32, #tpu.memory_space<vmem>>[vector<16xi32>, vector<16xi32>, vector<16xi32>], vector<16xf32>,
        %get3A_1517 = arith.index_cast %add3A_1503 : i32 to index
        %get3A_1518 = arith.constant 48 : index
        %get3A_1519 = tpu.vector_load %arg11[%get3A_1517, %get3A_1518] {strides = array<i32>} : memref<128x64xf32, #tpu.memory_space<vmem>>, vector<16xf32>,
        %add3A_1520 = arith.addf %get3A_1519, %get3A_1062 : vector<16xf32>
        tpu.vector_store_idx %arg15[%select_n3A_130, %select_n3A_228, %broadcast_in_dim3A_1504], %add3A_1520 : memref<8x8x129xf32, #tpu.memory_space<vmem>>[vector<16xi32>, vector<16xi32>, vector<16xi32>], vector<16xf32>,
        %scan3A_1521 = arith.constant 0 : i32
        scf.yield %scan3A_1521 : i32
      }
      %scan3A_1069 = arith.constant 32 : i32
      %add3A_1070 = arith.addi %mul3A_2, %add3A_979 : i32
      %jit3A_1071 = arith.constant 32 : i32
      %div3A_1072 = arith.divsi %add3A_1070, %jit3A_1071 : i32
      %sign3A_1073 = arith.constant 0 : i32
      %sign3A_1074 = arith.cmpi sgt, %add3A_1070, %sign3A_1073 : i32
      %sign3A_1075 = arith.extui %sign3A_1074 : i1 to i32
      %sign3A_1076 = arith.constant 0 : i32
      %sign3A_1077 = arith.cmpi slt, %add3A_1070, %sign3A_1076 : i32
      %sign3A_1078 = arith.extui %sign3A_1077 : i1 to i32
      %sign3A_1079 = arith.subi %sign3A_1075, %sign3A_1078 : i32
      %sign3A_1080 = arith.constant 0 : i32
      %sign3A_1081 = arith.cmpi sgt, %jit3A_1071, %sign3A_1080 : i32
      %sign3A_1082 = arith.extui %sign3A_1081 : i1 to i32
      %sign3A_1083 = arith.constant 0 : i32
      %sign3A_1084 = arith.cmpi slt, %jit3A_1071, %sign3A_1083 : i32
      %sign3A_1085 = arith.extui %sign3A_1084 : i1 to i32
      %sign3A_1086 = arith.subi %sign3A_1082, %sign3A_1085 : i32
      %ne3A_1087 = arith.cmpi ne, %sign3A_1079, %sign3A_1086 : i32
      %rem3A_1088 = arith.remsi %add3A_1070, %jit3A_1071 : i32
      %ne3A_1089 = arith.constant 0 : i32
      %ne3A_1090 = arith.cmpi ne, %rem3A_1088, %ne3A_1089 : i32
      %and3A_1091 = arith.andi %ne3A_1087, %ne3A_1090 : i1
      %sub3A_1092 = arith.constant 1 : i32
      %sub3A_1093 = arith.subi %div3A_1072, %sub3A_1092 : i32
      %select_n3A_1094 = arith.select %and3A_1091, %sub3A_1093, %div3A_1072 : i32
      %jit3A_1095 = arith.constant 32 : i32
      %eq3A_1096 = arith.constant 0 : i32
      %eq3A_1097 = arith.cmpi eq, %jit3A_1095, %eq3A_1096 : i32
      %jit3A_1098 = arith.constant 1 : i32
      %select_n3A_1099 = arith.select %eq3A_1097, %jit3A_1098, %jit3A_1095 : i32
      %rem3A_1100 = arith.remsi %add3A_1070, %select_n3A_1099 : i32
      %ne3A_1101 = arith.constant 0 : i32
      %ne3A_1102 = arith.cmpi ne, %rem3A_1100, %ne3A_1101 : i32
      %lt3A_1103 = arith.constant 0 : i32
      %lt3A_1104 = arith.cmpi slt, %rem3A_1100, %lt3A_1103 : i32
      %lt3A_1105 = arith.constant 0 : i32
      %lt3A_1106 = arith.cmpi slt, %select_n3A_1099, %lt3A_1105 : i32
      %ne3A_1107 = arith.xori %lt3A_1104, %lt3A_1106 : i1
      %and3A_1108 = arith.andi %ne3A_1107, %ne3A_1102 : i1
      %add3A_1109 = arith.addi %rem3A_1100, %select_n3A_1099 : i32
      %select_n3A_1110 = arith.select %and3A_1108, %add3A_1109, %rem3A_1100 : i32
      %dma_start3A_1111 = arith.constant 0 : i32
      %dma_start3A_1112 = arith.constant 0 : i32
      %dma_start3A_1113 = arith.constant 0 : i32
      %dma_start3A_1114 = tpu.memref_slice %arg15[%dma_start3A_1111, %dma_start3A_1112, %dma_start3A_1113] : memref<8x8x129xf32, #tpu.memory_space<vmem>> -> memref<8x8x128xf32, #tpu.memory_space<vmem>>
      %dma_start3A_1115 = arith.constant 0 : i32
      %dma_start3A_1116 = arith.constant 0 : i32
      %dma_start3A_1117 = arith.constant 0 : i32
      %dma_start3A_1118 = tpu.memref_slice %arg5[%select_n3A_1094, %dma_start3A_1115, %select_n3A_1110, %dma_start3A_1116, %dma_start3A_1117] : memref<200x8x32x8x128xf32, #tpu.memory_space<hbm>> -> memref<1x8x1x8x128xf32, #tpu.memory_space<hbm>>
      %dma_start3A_1119 = tpu.memref_squeeze %dma_start3A_1118 : memref<1x8x1x8x128xf32, #tpu.memory_space<hbm>> -> memref<8x8x128xf32, #tpu.memory_space<hbm>>
      %dma_start3A_1120 = arith.constant 0 : i32
      %dma_start3A_1121 = arith.constant 0 : i32
      %dma_start3A_1122 = arith.constant 0 : i32
      %dma_start3A_1123 = tpu.memref_slice %arg5[%select_n3A_1094, %dma_start3A_1120, %select_n3A_1110, %dma_start3A_1121, %dma_start3A_1122] : memref<200x8x32x8x128xf32, #tpu.memory_space<hbm>> -> memref<1x8x1x8x128xf32, #tpu.memory_space<hbm>>
      %dma_start3A_1124 = tpu.memref_squeeze %dma_start3A_1123 : memref<1x8x1x8x128xf32, #tpu.memory_space<hbm>> -> memref<8x8x128xf32, #tpu.memory_space<hbm>>
      %dma_start3A_1125 = arith.constant 0 : i32
      %dma_start3A_1126 = arith.constant 0 : i32
      %dma_start3A_1127 = arith.constant 0 : i32
      %dma_start3A_1128 = tpu.memref_slice %arg15[%dma_start3A_1125, %dma_start3A_1126, %dma_start3A_1127] : memref<8x8x129xf32, #tpu.memory_space<vmem>> -> memref<8x8x128xf32, #tpu.memory_space<vmem>>
      tpu.enqueue_dma source(%dma_start3A_1128 : memref<8x8x128xf32, #tpu.memory_space<vmem>>) target(%dma_start3A_1124 : memref<8x8x128xf32, #tpu.memory_space<hbm>>) target_semaphore(%arg28 : memref<!tpu.dma_semaphore, #tpu.memory_space<semaphore_mem>>)
      %mul3A_1129 = arith.constant 4 : i32
      %mul3A_1130 = arith.muli %mul3A_1129, %scan3A_825 : i32
      %add3A_1131 = arith.constant 2 : i32
      %add3A_1132 = arith.addi %mul3A_1130, %add3A_1131 : i32
      %add3A_1133 = arith.constant 4 : i32
      %add3A_1134 = arith.addi %add3A_1132, %add3A_1133 : i32
      %sub3A_1135 = arith.constant 1 : i32
      %sub3A_1136 = arith.subi %add3A_1134, %sub3A_1135 : i32
      %lt3A_1137 = arith.constant 200 : i32
      %lt3A_1138 = arith.cmpi slt, %sub3A_1136, %lt3A_1137 : i32
      %convert_element_type3A_1139 = arith.extui %lt3A_1138 : i1 to i32
      %cond3A_1140 = arith.constant 0 : i32
      %cond3A_1141 = arith.cmpi ne, %convert_element_type3A_1139, %cond3A_1140 : i32
      scf.if %cond3A_1141 {
        %add3A_1436 = arith.constant 4 : i32
        %add3A_1437 = arith.addi %add3A_1132, %add3A_1436 : i32
        %sub3A_1438 = arith.constant 1 : i32
        %sub3A_1439 = arith.subi %add3A_1437, %sub3A_1438 : i32
        %add3A_1440 = arith.addi %mul3A_2, %sub3A_1439 : i32
        %jit3A_1441 = arith.constant 32 : i32
        %div3A_1442 = arith.divsi %add3A_1440, %jit3A_1441 : i32
        %sign3A_1443 = arith.constant 0 : i32
        %sign3A_1444 = arith.cmpi sgt, %add3A_1440, %sign3A_1443 : i32
        %sign3A_1445 = arith.extui %sign3A_1444 : i1 to i32
        %sign3A_1446 = arith.constant 0 : i32
        %sign3A_1447 = arith.cmpi slt, %add3A_1440, %sign3A_1446 : i32
        %sign3A_1448 = arith.extui %sign3A_1447 : i1 to i32
        %sign3A_1449 = arith.subi %sign3A_1445, %sign3A_1448 : i32
        %sign3A_1450 = arith.constant 0 : i32
        %sign3A_1451 = arith.cmpi sgt, %jit3A_1441, %sign3A_1450 : i32
        %sign3A_1452 = arith.extui %sign3A_1451 : i1 to i32
        %sign3A_1453 = arith.constant 0 : i32
        %sign3A_1454 = arith.cmpi slt, %jit3A_1441, %sign3A_1453 : i32
        %sign3A_1455 = arith.extui %sign3A_1454 : i1 to i32
        %sign3A_1456 = arith.subi %sign3A_1452, %sign3A_1455 : i32
        %ne3A_1457 = arith.cmpi ne, %sign3A_1449, %sign3A_1456 : i32
        %rem3A_1458 = arith.remsi %add3A_1440, %jit3A_1441 : i32
        %ne3A_1459 = arith.constant 0 : i32
        %ne3A_1460 = arith.cmpi ne, %rem3A_1458, %ne3A_1459 : i32
        %and3A_1461 = arith.andi %ne3A_1457, %ne3A_1460 : i1
        %sub3A_1462 = arith.constant 1 : i32
        %sub3A_1463 = arith.subi %div3A_1442, %sub3A_1462 : i32
        %select_n3A_1464 = arith.select %and3A_1461, %sub3A_1463, %div3A_1442 : i32
        %jit3A_1465 = arith.constant 32 : i32
        %eq3A_1466 = arith.constant 0 : i32
        %eq3A_1467 = arith.cmpi eq, %jit3A_1465, %eq3A_1466 : i32
        %jit3A_1468 = arith.constant 1 : i32
        %select_n3A_1469 = arith.select %eq3A_1467, %jit3A_1468, %jit3A_1465 : i32
        %rem3A_1470 = arith.remsi %add3A_1440, %select_n3A_1469 : i32
        %ne3A_1471 = arith.constant 0 : i32
        %ne3A_1472 = arith.cmpi ne, %rem3A_1470, %ne3A_1471 : i32
        %lt3A_1473 = arith.constant 0 : i32
        %lt3A_1474 = arith.cmpi slt, %rem3A_1470, %lt3A_1473 : i32
        %lt3A_1475 = arith.constant 0 : i32
        %lt3A_1476 = arith.cmpi slt, %select_n3A_1469, %lt3A_1475 : i32
        %ne3A_1477 = arith.xori %lt3A_1474, %lt3A_1476 : i1
        %and3A_1478 = arith.andi %ne3A_1477, %ne3A_1472 : i1
        %add3A_1479 = arith.addi %rem3A_1470, %select_n3A_1469 : i32
        %select_n3A_1480 = arith.select %and3A_1478, %add3A_1479, %rem3A_1470 : i32
        %mul3A_1481 = arith.constant 4096 : i32
        %mul3A_1482 = arith.muli %select_n3A_1464, %mul3A_1481 : i32
        %mul3A_1483 = arith.constant 128 : i32
        %mul3A_1484 = arith.muli %select_n3A_1480, %mul3A_1483 : i32
        %add3A_1485 = arith.addi %mul3A_1482, %mul3A_1484 : i32
        %dma_wait3A_1486 = tpu.memref_slice %arg2[%add3A_1485] : memref<819200xi32, #tpu.memory_space<hbm>> -> memref<128xi32, #tpu.memory_space<hbm>>
        %dma_wait3A_1487 = tpu.memref_slice %arg2[%add3A_1485] : memref<819200xi32, #tpu.memory_space<hbm>> -> memref<128xi32, #tpu.memory_space<hbm>>
        tpu.wait_dma2 semaphore(%arg20 : memref<!tpu.dma_semaphore, #tpu.memory_space<semaphore_mem>>) src(%dma_wait3A_1487 : memref<128xi32, #tpu.memory_space<hbm>>) dst(%arg7 : memref<128xi32, #tpu.memory_space<vmem>>)
        %dma_start3A_1488 = arith.constant 0 : i32
        %dma_start3A_1489 = arith.constant 0 : i32
        %dma_start3A_1490 = tpu.memref_slice %arg3[%dma_start3A_1488, %dma_start3A_1489] : memref<100000x64xf32, #tpu.memory_space<hbm>> -> memref<100000x64xf32, #tpu.memory_space<hbm>>
        tpu.enqueue_indirect_dma source(%dma_start3A_1490 : memref<100000x64xf32, #tpu.memory_space<hbm>>) target(%arg11 : memref<128x64xf32, #tpu.memory_space<vmem>>) offsets(%arg7 : memref<128xi32, #tpu.memory_space<vmem>>) semaphore(%arg24 : memref<!tpu.dma_semaphore, #tpu.memory_space<semaphore_mem>>)
      } else {
      }
      %dma_wait3A_1142 = arith.constant 0 : i32
      %dma_wait3A_1143 = arith.constant 0 : i32
      %dma_wait3A_1144 = tpu.memref_slice %arg3[%dma_wait3A_1142, %dma_wait3A_1143] : memref<100000x64xf32, #tpu.memory_space<hbm>> -> memref<100000x64xf32, #tpu.memory_space<hbm>>
      tpu.wait_indirect_dma semaphore(%arg25 : memref<!tpu.dma_semaphore, #tpu.memory_space<semaphore_mem>>) src(%dma_wait3A_1144 : memref<100000x64xf32, #tpu.memory_space<hbm>>) dst(%arg12 : memref<128x64xf32, #tpu.memory_space<vmem>>)
      %add3A_1145 = arith.constant 4 : i32
      %add3A_1146 = arith.addi %add3A_1132, %add3A_1145 : i32
      %lt3A_1147 = arith.constant 200 : i32
      %lt3A_1148 = arith.cmpi slt, %add3A_1146, %lt3A_1147 : i32
      %convert_element_type3A_1149 = arith.extui %lt3A_1148 : i1 to i32
      %cond3A_1150 = arith.constant 0 : i32
      %cond3A_1151 = arith.cmpi ne, %convert_element_type3A_1149, %cond3A_1150 : i32
      scf.if %cond3A_1151 {
        %add3A_1436 = arith.constant 4 : i32
        %add3A_1437 = arith.addi %add3A_1132, %add3A_1436 : i32
        %add3A_1438 = arith.addi %mul3A_2, %add3A_1437 : i32
        %jit3A_1439 = arith.constant 32 : i32
        %div3A_1440 = arith.divsi %add3A_1438, %jit3A_1439 : i32
        %sign3A_1441 = arith.constant 0 : i32
        %sign3A_1442 = arith.cmpi sgt, %add3A_1438, %sign3A_1441 : i32
        %sign3A_1443 = arith.extui %sign3A_1442 : i1 to i32
        %sign3A_1444 = arith.constant 0 : i32
        %sign3A_1445 = arith.cmpi slt, %add3A_1438, %sign3A_1444 : i32
        %sign3A_1446 = arith.extui %sign3A_1445 : i1 to i32
        %sign3A_1447 = arith.subi %sign3A_1443, %sign3A_1446 : i32
        %sign3A_1448 = arith.constant 0 : i32
        %sign3A_1449 = arith.cmpi sgt, %jit3A_1439, %sign3A_1448 : i32
        %sign3A_1450 = arith.extui %sign3A_1449 : i1 to i32
        %sign3A_1451 = arith.constant 0 : i32
        %sign3A_1452 = arith.cmpi slt, %jit3A_1439, %sign3A_1451 : i32
        %sign3A_1453 = arith.extui %sign3A_1452 : i1 to i32
        %sign3A_1454 = arith.subi %sign3A_1450, %sign3A_1453 : i32
        %ne3A_1455 = arith.cmpi ne, %sign3A_1447, %sign3A_1454 : i32
        %rem3A_1456 = arith.remsi %add3A_1438, %jit3A_1439 : i32
        %ne3A_1457 = arith.constant 0 : i32
        %ne3A_1458 = arith.cmpi ne, %rem3A_1456, %ne3A_1457 : i32
        %and3A_1459 = arith.andi %ne3A_1455, %ne3A_1458 : i1
        %sub3A_1460 = arith.constant 1 : i32
        %sub3A_1461 = arith.subi %div3A_1440, %sub3A_1460 : i32
        %select_n3A_1462 = arith.select %and3A_1459, %sub3A_1461, %div3A_1440 : i32
        %jit3A_1463 = arith.constant 32 : i32
        %eq3A_1464 = arith.constant 0 : i32
        %eq3A_1465 = arith.cmpi eq, %jit3A_1463, %eq3A_1464 : i32
        %jit3A_1466 = arith.constant 1 : i32
        %select_n3A_1467 = arith.select %eq3A_1465, %jit3A_1466, %jit3A_1463 : i32
        %rem3A_1468 = arith.remsi %add3A_1438, %select_n3A_1467 : i32
        %ne3A_1469 = arith.constant 0 : i32
        %ne3A_1470 = arith.cmpi ne, %rem3A_1468, %ne3A_1469 : i32
        %lt3A_1471 = arith.constant 0 : i32
        %lt3A_1472 = arith.cmpi slt, %rem3A_1468, %lt3A_1471 : i32
        %lt3A_1473 = arith.constant 0 : i32
        %lt3A_1474 = arith.cmpi slt, %select_n3A_1467, %lt3A_1473 : i32
        %ne3A_1475 = arith.xori %lt3A_1472, %lt3A_1474 : i1
        %and3A_1476 = arith.andi %ne3A_1475, %ne3A_1470 : i1
        %add3A_1477 = arith.addi %rem3A_1468, %select_n3A_1467 : i32
        %select_n3A_1478 = arith.select %and3A_1476, %add3A_1477, %rem3A_1468 : i32
        %mul3A_1479 = arith.constant 4096 : i32
        %mul3A_1480 = arith.muli %select_n3A_1462, %mul3A_1479 : i32
        %mul3A_1481 = arith.constant 128 : i32
        %mul3A_1482 = arith.muli %select_n3A_1478, %mul3A_1481 : i32
        %add3A_1483 = arith.addi %mul3A_1480, %mul3A_1482 : i32
        %dma_start3A_1484 = tpu.memref_slice %arg2[%add3A_1483] : memref<819200xi32, #tpu.memory_space<hbm>> -> memref<128xi32, #tpu.memory_space<hbm>>
        %dma_start3A_1485 = tpu.memref_slice %arg2[%add3A_1483] : memref<819200xi32, #tpu.memory_space<hbm>> -> memref<128xi32, #tpu.memory_space<hbm>>
        tpu.enqueue_dma source(%dma_start3A_1485 : memref<128xi32, #tpu.memory_space<hbm>>) target(%arg8 : memref<128xi32, #tpu.memory_space<vmem>>) target_semaphore(%arg21 : memref<!tpu.dma_semaphore, #tpu.memory_space<semaphore_mem>>)
      } else {
      }
      %ge3A_1152 = arith.constant 4 : i32
      %ge3A_1153 = arith.cmpi sge, %add3A_1132, %ge3A_1152 : i32
      %convert_element_type3A_1154 = arith.extui %ge3A_1153 : i1 to i32
      %cond3A_1155 = arith.constant 0 : i32
      %cond3A_1156 = arith.cmpi ne, %convert_element_type3A_1154, %cond3A_1155 : i32
      scf.if %cond3A_1156 {
        %sub3A_1436 = arith.constant 4 : i32
        %sub3A_1437 = arith.subi %add3A_1132, %sub3A_1436 : i32
        %add3A_1438 = arith.addi %mul3A_2, %sub3A_1437 : i32
        %jit3A_1439 = arith.constant 32 : i32
        %div3A_1440 = arith.divsi %add3A_1438, %jit3A_1439 : i32
        %sign3A_1441 = arith.constant 0 : i32
        %sign3A_1442 = arith.cmpi sgt, %add3A_1438, %sign3A_1441 : i32
        %sign3A_1443 = arith.extui %sign3A_1442 : i1 to i32
        %sign3A_1444 = arith.constant 0 : i32
        %sign3A_1445 = arith.cmpi slt, %add3A_1438, %sign3A_1444 : i32
        %sign3A_1446 = arith.extui %sign3A_1445 : i1 to i32
        %sign3A_1447 = arith.subi %sign3A_1443, %sign3A_1446 : i32
        %sign3A_1448 = arith.constant 0 : i32
        %sign3A_1449 = arith.cmpi sgt, %jit3A_1439, %sign3A_1448 : i32
        %sign3A_1450 = arith.extui %sign3A_1449 : i1 to i32
        %sign3A_1451 = arith.constant 0 : i32
        %sign3A_1452 = arith.cmpi slt, %jit3A_1439, %sign3A_1451 : i32
        %sign3A_1453 = arith.extui %sign3A_1452 : i1 to i32
        %sign3A_1454 = arith.subi %sign3A_1450, %sign3A_1453 : i32
        %ne3A_1455 = arith.cmpi ne, %sign3A_1447, %sign3A_1454 : i32
        %rem3A_1456 = arith.remsi %add3A_1438, %jit3A_1439 : i32
        %ne3A_1457 = arith.constant 0 : i32
        %ne3A_1458 = arith.cmpi ne, %rem3A_1456, %ne3A_1457 : i32
        %and3A_1459 = arith.andi %ne3A_1455, %ne3A_1458 : i1
        %sub3A_1460 = arith.constant 1 : i32
        %sub3A_1461 = arith.subi %div3A_1440, %sub3A_1460 : i32
        %select_n3A_1462 = arith.select %and3A_1459, %sub3A_1461, %div3A_1440 : i32
        %jit3A_1463 = arith.constant 32 : i32
        %eq3A_1464 = arith.constant 0 : i32
        %eq3A_1465 = arith.cmpi eq, %jit3A_1463, %eq3A_1464 : i32
        %jit3A_1466 = arith.constant 1 : i32
        %select_n3A_1467 = arith.select %eq3A_1465, %jit3A_1466, %jit3A_1463 : i32
        %rem3A_1468 = arith.remsi %add3A_1438, %select_n3A_1467 : i32
        %ne3A_1469 = arith.constant 0 : i32
        %ne3A_1470 = arith.cmpi ne, %rem3A_1468, %ne3A_1469 : i32
        %lt3A_1471 = arith.constant 0 : i32
        %lt3A_1472 = arith.cmpi slt, %rem3A_1468, %lt3A_1471 : i32
        %lt3A_1473 = arith.constant 0 : i32
        %lt3A_1474 = arith.cmpi slt, %select_n3A_1467, %lt3A_1473 : i32
        %ne3A_1475 = arith.xori %lt3A_1472, %lt3A_1474 : i1
        %and3A_1476 = arith.andi %ne3A_1475, %ne3A_1470 : i1
        %add3A_1477 = arith.addi %rem3A_1468, %select_n3A_1467 : i32
        %select_n3A_1478 = arith.select %and3A_1476, %add3A_1477, %rem3A_1468 : i32
        %dma_wait3A_1479 = arith.constant 0 : i32
        %dma_wait3A_1480 = arith.constant 0 : i32
        %dma_wait3A_1481 = arith.constant 0 : i32
        %dma_wait3A_1482 = tpu.memref_slice %arg16[%dma_wait3A_1479, %dma_wait3A_1480, %dma_wait3A_1481] : memref<8x8x129xf32, #tpu.memory_space<vmem>> -> memref<8x8x128xf32, #tpu.memory_space<vmem>>
        %dma_wait3A_1483 = arith.constant 0 : i32
        %dma_wait3A_1484 = arith.constant 0 : i32
        %dma_wait3A_1485 = arith.constant 0 : i32
        %dma_wait3A_1486 = tpu.memref_slice %arg5[%select_n3A_1462, %dma_wait3A_1483, %select_n3A_1478, %dma_wait3A_1484, %dma_wait3A_1485] : memref<200x8x32x8x128xf32, #tpu.memory_space<hbm>> -> memref<1x8x1x8x128xf32, #tpu.memory_space<hbm>>
        %dma_wait3A_1487 = tpu.memref_squeeze %dma_wait3A_1486 : memref<1x8x1x8x128xf32, #tpu.memory_space<hbm>> -> memref<8x8x128xf32, #tpu.memory_space<hbm>>
        %dma_wait3A_1488 = arith.constant 0 : i32
        %dma_wait3A_1489 = arith.constant 0 : i32
        %dma_wait3A_1490 = arith.constant 0 : i32
        %dma_wait3A_1491 = tpu.memref_slice %arg5[%select_n3A_1462, %dma_wait3A_1488, %select_n3A_1478, %dma_wait3A_1489, %dma_wait3A_1490] : memref<200x8x32x8x128xf32, #tpu.memory_space<hbm>> -> memref<1x8x1x8x128xf32, #tpu.memory_space<hbm>>
        %dma_wait3A_1492 = tpu.memref_squeeze %dma_wait3A_1491 : memref<1x8x1x8x128xf32, #tpu.memory_space<hbm>> -> memref<8x8x128xf32, #tpu.memory_space<hbm>>
        %dma_wait3A_1493 = arith.constant 0 : i32
        %dma_wait3A_1494 = arith.constant 0 : i32
        %dma_wait3A_1495 = arith.constant 0 : i32
        %dma_wait3A_1496 = tpu.memref_slice %arg16[%dma_wait3A_1493, %dma_wait3A_1494, %dma_wait3A_1495] : memref<8x8x129xf32, #tpu.memory_space<vmem>> -> memref<8x8x128xf32, #tpu.memory_space<vmem>>
        tpu.wait_dma2 semaphore(%arg29 : memref<!tpu.dma_semaphore, #tpu.memory_space<semaphore_mem>>) src(%dma_wait3A_1496 : memref<8x8x128xf32, #tpu.memory_space<vmem>>) dst(%dma_wait3A_1492 : memref<8x8x128xf32, #tpu.memory_space<hbm>>)
      } else {
      }
      %add3A_1157 = arith.addi %mul3A_2, %add3A_1132 : i32
      %jit3A_1158 = arith.constant 32 : i32
      %div3A_1159 = arith.divsi %add3A_1157, %jit3A_1158 : i32
      %sign3A_1160 = arith.constant 0 : i32
      %sign3A_1161 = arith.cmpi sgt, %add3A_1157, %sign3A_1160 : i32
      %sign3A_1162 = arith.extui %sign3A_1161 : i1 to i32
      %sign3A_1163 = arith.constant 0 : i32
      %sign3A_1164 = arith.cmpi slt, %add3A_1157, %sign3A_1163 : i32
      %sign3A_1165 = arith.extui %sign3A_1164 : i1 to i32
      %sign3A_1166 = arith.subi %sign3A_1162, %sign3A_1165 : i32
      %sign3A_1167 = arith.constant 0 : i32
      %sign3A_1168 = arith.cmpi sgt, %jit3A_1158, %sign3A_1167 : i32
      %sign3A_1169 = arith.extui %sign3A_1168 : i1 to i32
      %sign3A_1170 = arith.constant 0 : i32
      %sign3A_1171 = arith.cmpi slt, %jit3A_1158, %sign3A_1170 : i32
      %sign3A_1172 = arith.extui %sign3A_1171 : i1 to i32
      %sign3A_1173 = arith.subi %sign3A_1169, %sign3A_1172 : i32
      %ne3A_1174 = arith.cmpi ne, %sign3A_1166, %sign3A_1173 : i32
      %rem3A_1175 = arith.remsi %add3A_1157, %jit3A_1158 : i32
      %ne3A_1176 = arith.constant 0 : i32
      %ne3A_1177 = arith.cmpi ne, %rem3A_1175, %ne3A_1176 : i32
      %and3A_1178 = arith.andi %ne3A_1174, %ne3A_1177 : i1
      %sub3A_1179 = arith.constant 1 : i32
      %sub3A_1180 = arith.subi %div3A_1159, %sub3A_1179 : i32
      %select_n3A_1181 = arith.select %and3A_1178, %sub3A_1180, %div3A_1159 : i32
      %jit3A_1182 = arith.constant 32 : i32
      %eq3A_1183 = arith.constant 0 : i32
      %eq3A_1184 = arith.cmpi eq, %jit3A_1182, %eq3A_1183 : i32
      %jit3A_1185 = arith.constant 1 : i32
      %select_n3A_1186 = arith.select %eq3A_1184, %jit3A_1185, %jit3A_1182 : i32
      %rem3A_1187 = arith.remsi %add3A_1157, %select_n3A_1186 : i32
      %ne3A_1188 = arith.constant 0 : i32
      %ne3A_1189 = arith.cmpi ne, %rem3A_1187, %ne3A_1188 : i32
      %lt3A_1190 = arith.constant 0 : i32
      %lt3A_1191 = arith.cmpi slt, %rem3A_1187, %lt3A_1190 : i32
      %lt3A_1192 = arith.constant 0 : i32
      %lt3A_1193 = arith.cmpi slt, %select_n3A_1186, %lt3A_1192 : i32
      %ne3A_1194 = arith.xori %lt3A_1191, %lt3A_1193 : i1
      %and3A_1195 = arith.andi %ne3A_1194, %ne3A_1189 : i1
      %add3A_1196 = arith.addi %rem3A_1187, %select_n3A_1186 : i32
      %select_n3A_1197 = arith.select %and3A_1195, %add3A_1196, %rem3A_1187 : i32
      %mul3A_1198 = arith.constant 64 : i32
      %mul3A_1199 = arith.muli %select_n3A_1181, %mul3A_1198 : i32
      %add3A_1200 = arith.constant 0 : i32
      %add3A_1201 = arith.addi %mul3A_1199, %add3A_1200 : i32
      %get3A_1202 = arith.index_cast %add3A_1201 : i32 to index
      %get3A_1203 = tpu.vector_load %arg18[%get3A_1202] {strides = array<i32>} : memref<12800xf32, #tpu.memory_space<vmem>>, vector<16xf32>,
      %add3A_1204 = arith.constant 16 : i32
      %add3A_1205 = arith.addi %mul3A_1199, %add3A_1204 : i32
      %get3A_1206 = arith.index_cast %add3A_1205 : i32 to index
      %get3A_1207 = tpu.vector_load %arg18[%get3A_1206] {strides = array<i32>} : memref<12800xf32, #tpu.memory_space<vmem>>, vector<16xf32>,
      %add3A_1208 = arith.constant 32 : i32
      %add3A_1209 = arith.addi %mul3A_1199, %add3A_1208 : i32
      %get3A_1210 = arith.index_cast %add3A_1209 : i32 to index
      %get3A_1211 = tpu.vector_load %arg18[%get3A_1210] {strides = array<i32>} : memref<12800xf32, #tpu.memory_space<vmem>>, vector<16xf32>,
      %add3A_1212 = arith.constant 48 : i32
      %add3A_1213 = arith.addi %mul3A_1199, %add3A_1212 : i32
      %get3A_1214 = arith.index_cast %add3A_1213 : i32 to index
      %get3A_1215 = tpu.vector_load %arg18[%get3A_1214] {strides = array<i32>} : memref<12800xf32, #tpu.memory_space<vmem>>, vector<16xf32>,
      %scan3A_1216 = arith.constant 0 : i32
      %scan3A_1217 = arith.constant 0 : i32
      %scan3A_1218 = arith.constant 32 : i32
      %scan3A_1219 = arith.addi %scan3A_1217, %scan3A_1218 : i32
      %scan3A_1220 = arith.constant 1 : i32
      %scan3A_1221 = scf.for %scan3A_1436 = %scan3A_1217 to %scan3A_1219 step %scan3A_1220 iter_args(%scan3A_1437 = %scan3A_1216) -> (i32)  : i32 {
        %mul3A_1438 = arith.constant 4 : i32
        %mul3A_1439 = arith.muli %scan3A_1436, %mul3A_1438 : i32
        %add3A_1440 = arith.constant 0 : i32
        %add3A_1441 = arith.addi %mul3A_1439, %add3A_1440 : i32
        %broadcast_in_dim3A = vector.broadcast %add3A_1441 : i32 to vector<16xi32>
        %get3A_1442 = arith.index_cast %add3A_1441 : i32 to index
        %get3A_1443 = arith.constant 0 : index
        %get3A_1444 = tpu.vector_load %arg12[%get3A_1442, %get3A_1443] {strides = array<i32>} : memref<128x64xf32, #tpu.memory_space<vmem>>, vector<16xf32>,
        %add3A_1445 = arith.addf %get3A_1444, %get3A_1203 : vector<16xf32>
        tpu.vector_store_idx %arg16[%select_n3A, %select_n3A_153, %broadcast_in_dim3A], %add3A_1445 : memref<8x8x129xf32, #tpu.memory_space<vmem>>[vector<16xi32>, vector<16xi32>, vector<16xi32>], vector<16xf32>,
        %get3A_1446 = arith.index_cast %add3A_1441 : i32 to index
        %get3A_1447 = arith.constant 16 : index
        %get3A_1448 = tpu.vector_load %arg12[%get3A_1446, %get3A_1447] {strides = array<i32>} : memref<128x64xf32, #tpu.memory_space<vmem>>, vector<16xf32>,
        %add3A_1449 = arith.addf %get3A_1448, %get3A_1207 : vector<16xf32>
        tpu.vector_store_idx %arg16[%select_n3A_62, %select_n3A_178, %broadcast_in_dim3A], %add3A_1449 : memref<8x8x129xf32, #tpu.memory_space<vmem>>[vector<16xi32>, vector<16xi32>, vector<16xi32>], vector<16xf32>,
        %get3A_1450 = arith.index_cast %add3A_1441 : i32 to index
        %get3A_1451 = arith.constant 32 : index
        %get3A_1452 = tpu.vector_load %arg12[%get3A_1450, %get3A_1451] {strides = array<i32>} : memref<128x64xf32, #tpu.memory_space<vmem>>, vector<16xf32>,
        %add3A_1453 = arith.addf %get3A_1452, %get3A_1211 : vector<16xf32>
        tpu.vector_store_idx %arg16[%select_n3A_96, %select_n3A_203, %broadcast_in_dim3A], %add3A_1453 : memref<8x8x129xf32, #tpu.memory_space<vmem>>[vector<16xi32>, vector<16xi32>, vector<16xi32>], vector<16xf32>,
        %get3A_1454 = arith.index_cast %add3A_1441 : i32 to index
        %get3A_1455 = arith.constant 48 : index
        %get3A_1456 = tpu.vector_load %arg12[%get3A_1454, %get3A_1455] {strides = array<i32>} : memref<128x64xf32, #tpu.memory_space<vmem>>, vector<16xf32>,
        %add3A_1457 = arith.addf %get3A_1456, %get3A_1215 : vector<16xf32>
        tpu.vector_store_idx %arg16[%select_n3A_130, %select_n3A_228, %broadcast_in_dim3A], %add3A_1457 : memref<8x8x129xf32, #tpu.memory_space<vmem>>[vector<16xi32>, vector<16xi32>, vector<16xi32>], vector<16xf32>,
        %mul3A_1458 = arith.constant 4 : i32
        %mul3A_1459 = arith.muli %scan3A_1436, %mul3A_1458 : i32
        %add3A_1460 = arith.constant 1 : i32
        %add3A_1461 = arith.addi %mul3A_1459, %add3A_1460 : i32
        %broadcast_in_dim3A_1462 = vector.broadcast %add3A_1461 : i32 to vector<16xi32>
        %get3A_1463 = arith.index_cast %add3A_1461 : i32 to index
        %get3A_1464 = arith.constant 0 : index
        %get3A_1465 = tpu.vector_load %arg12[%get3A_1463, %get3A_1464] {strides = array<i32>} : memref<128x64xf32, #tpu.memory_space<vmem>>, vector<16xf32>,
        %add3A_1466 = arith.addf %get3A_1465, %get3A_1203 : vector<16xf32>
        tpu.vector_store_idx %arg16[%select_n3A, %select_n3A_153, %broadcast_in_dim3A_1462], %add3A_1466 : memref<8x8x129xf32, #tpu.memory_space<vmem>>[vector<16xi32>, vector<16xi32>, vector<16xi32>], vector<16xf32>,
        %get3A_1467 = arith.index_cast %add3A_1461 : i32 to index
        %get3A_1468 = arith.constant 16 : index
        %get3A_1469 = tpu.vector_load %arg12[%get3A_1467, %get3A_1468] {strides = array<i32>} : memref<128x64xf32, #tpu.memory_space<vmem>>, vector<16xf32>,
        %add3A_1470 = arith.addf %get3A_1469, %get3A_1207 : vector<16xf32>
        tpu.vector_store_idx %arg16[%select_n3A_62, %select_n3A_178, %broadcast_in_dim3A_1462], %add3A_1470 : memref<8x8x129xf32, #tpu.memory_space<vmem>>[vector<16xi32>, vector<16xi32>, vector<16xi32>], vector<16xf32>,
        %get3A_1471 = arith.index_cast %add3A_1461 : i32 to index
        %get3A_1472 = arith.constant 32 : index
        %get3A_1473 = tpu.vector_load %arg12[%get3A_1471, %get3A_1472] {strides = array<i32>} : memref<128x64xf32, #tpu.memory_space<vmem>>, vector<16xf32>,
        %add3A_1474 = arith.addf %get3A_1473, %get3A_1211 : vector<16xf32>
        tpu.vector_store_idx %arg16[%select_n3A_96, %select_n3A_203, %broadcast_in_dim3A_1462], %add3A_1474 : memref<8x8x129xf32, #tpu.memory_space<vmem>>[vector<16xi32>, vector<16xi32>, vector<16xi32>], vector<16xf32>,
        %get3A_1475 = arith.index_cast %add3A_1461 : i32 to index
        %get3A_1476 = arith.constant 48 : index
        %get3A_1477 = tpu.vector_load %arg12[%get3A_1475, %get3A_1476] {strides = array<i32>} : memref<128x64xf32, #tpu.memory_space<vmem>>, vector<16xf32>,
        %add3A_1478 = arith.addf %get3A_1477, %get3A_1215 : vector<16xf32>
        tpu.vector_store_idx %arg16[%select_n3A_130, %select_n3A_228, %broadcast_in_dim3A_1462], %add3A_1478 : memref<8x8x129xf32, #tpu.memory_space<vmem>>[vector<16xi32>, vector<16xi32>, vector<16xi32>], vector<16xf32>,
        %mul3A_1479 = arith.constant 4 : i32
        %mul3A_1480 = arith.muli %scan3A_1436, %mul3A_1479 : i32
        %add3A_1481 = arith.constant 2 : i32
        %add3A_1482 = arith.addi %mul3A_1480, %add3A_1481 : i32
        %broadcast_in_dim3A_1483 = vector.broadcast %add3A_1482 : i32 to vector<16xi32>
        %get3A_1484 = arith.index_cast %add3A_1482 : i32 to index
        %get3A_1485 = arith.constant 0 : index
        %get3A_1486 = tpu.vector_load %arg12[%get3A_1484, %get3A_1485] {strides = array<i32>} : memref<128x64xf32, #tpu.memory_space<vmem>>, vector<16xf32>,
        %add3A_1487 = arith.addf %get3A_1486, %get3A_1203 : vector<16xf32>
        tpu.vector_store_idx %arg16[%select_n3A, %select_n3A_153, %broadcast_in_dim3A_1483], %add3A_1487 : memref<8x8x129xf32, #tpu.memory_space<vmem>>[vector<16xi32>, vector<16xi32>, vector<16xi32>], vector<16xf32>,
        %get3A_1488 = arith.index_cast %add3A_1482 : i32 to index
        %get3A_1489 = arith.constant 16 : index
        %get3A_1490 = tpu.vector_load %arg12[%get3A_1488, %get3A_1489] {strides = array<i32>} : memref<128x64xf32, #tpu.memory_space<vmem>>, vector<16xf32>,
        %add3A_1491 = arith.addf %get3A_1490, %get3A_1207 : vector<16xf32>
        tpu.vector_store_idx %arg16[%select_n3A_62, %select_n3A_178, %broadcast_in_dim3A_1483], %add3A_1491 : memref<8x8x129xf32, #tpu.memory_space<vmem>>[vector<16xi32>, vector<16xi32>, vector<16xi32>], vector<16xf32>,
        %get3A_1492 = arith.index_cast %add3A_1482 : i32 to index
        %get3A_1493 = arith.constant 32 : index
        %get3A_1494 = tpu.vector_load %arg12[%get3A_1492, %get3A_1493] {strides = array<i32>} : memref<128x64xf32, #tpu.memory_space<vmem>>, vector<16xf32>,
        %add3A_1495 = arith.addf %get3A_1494, %get3A_1211 : vector<16xf32>
        tpu.vector_store_idx %arg16[%select_n3A_96, %select_n3A_203, %broadcast_in_dim3A_1483], %add3A_1495 : memref<8x8x129xf32, #tpu.memory_space<vmem>>[vector<16xi32>, vector<16xi32>, vector<16xi32>], vector<16xf32>,
        %get3A_1496 = arith.index_cast %add3A_1482 : i32 to index
        %get3A_1497 = arith.constant 48 : index
        %get3A_1498 = tpu.vector_load %arg12[%get3A_1496, %get3A_1497] {strides = array<i32>} : memref<128x64xf32, #tpu.memory_space<vmem>>, vector<16xf32>,
        %add3A_1499 = arith.addf %get3A_1498, %get3A_1215 : vector<16xf32>
        tpu.vector_store_idx %arg16[%select_n3A_130, %select_n3A_228, %broadcast_in_dim3A_1483], %add3A_1499 : memref<8x8x129xf32, #tpu.memory_space<vmem>>[vector<16xi32>, vector<16xi32>, vector<16xi32>], vector<16xf32>,
        %mul3A_1500 = arith.constant 4 : i32
        %mul3A_1501 = arith.muli %scan3A_1436, %mul3A_1500 : i32
        %add3A_1502 = arith.constant 3 : i32
        %add3A_1503 = arith.addi %mul3A_1501, %add3A_1502 : i32
        %broadcast_in_dim3A_1504 = vector.broadcast %add3A_1503 : i32 to vector<16xi32>
        %get3A_1505 = arith.index_cast %add3A_1503 : i32 to index
        %get3A_1506 = arith.constant 0 : index
        %get3A_1507 = tpu.vector_load %arg12[%get3A_1505, %get3A_1506] {strides = array<i32>} : memref<128x64xf32, #tpu.memory_space<vmem>>, vector<16xf32>,
        %add3A_1508 = arith.addf %get3A_1507, %get3A_1203 : vector<16xf32>
        tpu.vector_store_idx %arg16[%select_n3A, %select_n3A_153, %broadcast_in_dim3A_1504], %add3A_1508 : memref<8x8x129xf32, #tpu.memory_space<vmem>>[vector<16xi32>, vector<16xi32>, vector<16xi32>], vector<16xf32>,
        %get3A_1509 = arith.index_cast %add3A_1503 : i32 to index
        %get3A_1510 = arith.constant 16 : index
        %get3A_1511 = tpu.vector_load %arg12[%get3A_1509, %get3A_1510] {strides = array<i32>} : memref<128x64xf32, #tpu.memory_space<vmem>>, vector<16xf32>,
        %add3A_1512 = arith.addf %get3A_1511, %get3A_1207 : vector<16xf32>
        tpu.vector_store_idx %arg16[%select_n3A_62, %select_n3A_178, %broadcast_in_dim3A_1504], %add3A_1512 : memref<8x8x129xf32, #tpu.memory_space<vmem>>[vector<16xi32>, vector<16xi32>, vector<16xi32>], vector<16xf32>,
        %get3A_1513 = arith.index_cast %add3A_1503 : i32 to index
        %get3A_1514 = arith.constant 32 : index
        %get3A_1515 = tpu.vector_load %arg12[%get3A_1513, %get3A_1514] {strides = array<i32>} : memref<128x64xf32, #tpu.memory_space<vmem>>, vector<16xf32>,
        %add3A_1516 = arith.addf %get3A_1515, %get3A_1211 : vector<16xf32>
        tpu.vector_store_idx %arg16[%select_n3A_96, %select_n3A_203, %broadcast_in_dim3A_1504], %add3A_1516 : memref<8x8x129xf32, #tpu.memory_space<vmem>>[vector<16xi32>, vector<16xi32>, vector<16xi32>], vector<16xf32>,
        %get3A_1517 = arith.index_cast %add3A_1503 : i32 to index
        %get3A_1518 = arith.constant 48 : index
        %get3A_1519 = tpu.vector_load %arg12[%get3A_1517, %get3A_1518] {strides = array<i32>} : memref<128x64xf32, #tpu.memory_space<vmem>>, vector<16xf32>,
        %add3A_1520 = arith.addf %get3A_1519, %get3A_1215 : vector<16xf32>
        tpu.vector_store_idx %arg16[%select_n3A_130, %select_n3A_228, %broadcast_in_dim3A_1504], %add3A_1520 : memref<8x8x129xf32, #tpu.memory_space<vmem>>[vector<16xi32>, vector<16xi32>, vector<16xi32>], vector<16xf32>,
        %scan3A_1521 = arith.constant 0 : i32
        scf.yield %scan3A_1521 : i32
      }
      %scan3A_1222 = arith.constant 32 : i32
      %add3A_1223 = arith.addi %mul3A_2, %add3A_1132 : i32
      %jit3A_1224 = arith.constant 32 : i32
      %div3A_1225 = arith.divsi %add3A_1223, %jit3A_1224 : i32
      %sign3A_1226 = arith.constant 0 : i32
      %sign3A_1227 = arith.cmpi sgt, %add3A_1223, %sign3A_1226 : i32
      %sign3A_1228 = arith.extui %sign3A_1227 : i1 to i32
      %sign3A_1229 = arith.constant 0 : i32
      %sign3A_1230 = arith.cmpi slt, %add3A_1223, %sign3A_1229 : i32
      %sign3A_1231 = arith.extui %sign3A_1230 : i1 to i32
      %sign3A_1232 = arith.subi %sign3A_1228, %sign3A_1231 : i32
      %sign3A_1233 = arith.constant 0 : i32
      %sign3A_1234 = arith.cmpi sgt, %jit3A_1224, %sign3A_1233 : i32
      %sign3A_1235 = arith.extui %sign3A_1234 : i1 to i32
      %sign3A_1236 = arith.constant 0 : i32
      %sign3A_1237 = arith.cmpi slt, %jit3A_1224, %sign3A_1236 : i32
      %sign3A_1238 = arith.extui %sign3A_1237 : i1 to i32
      %sign3A_1239 = arith.subi %sign3A_1235, %sign3A_1238 : i32
      %ne3A_1240 = arith.cmpi ne, %sign3A_1232, %sign3A_1239 : i32
      %rem3A_1241 = arith.remsi %add3A_1223, %jit3A_1224 : i32
      %ne3A_1242 = arith.constant 0 : i32
      %ne3A_1243 = arith.cmpi ne, %rem3A_1241, %ne3A_1242 : i32
      %and3A_1244 = arith.andi %ne3A_1240, %ne3A_1243 : i1
      %sub3A_1245 = arith.constant 1 : i32
      %sub3A_1246 = arith.subi %div3A_1225, %sub3A_1245 : i32
      %select_n3A_1247 = arith.select %and3A_1244, %sub3A_1246, %div3A_1225 : i32
      %jit3A_1248 = arith.constant 32 : i32
      %eq3A_1249 = arith.constant 0 : i32
      %eq3A_1250 = arith.cmpi eq, %jit3A_1248, %eq3A_1249 : i32
      %jit3A_1251 = arith.constant 1 : i32
      %select_n3A_1252 = arith.select %eq3A_1250, %jit3A_1251, %jit3A_1248 : i32
      %rem3A_1253 = arith.remsi %add3A_1223, %select_n3A_1252 : i32
      %ne3A_1254 = arith.constant 0 : i32
      %ne3A_1255 = arith.cmpi ne, %rem3A_1253, %ne3A_1254 : i32
      %lt3A_1256 = arith.constant 0 : i32
      %lt3A_1257 = arith.cmpi slt, %rem3A_1253, %lt3A_1256 : i32
      %lt3A_1258 = arith.constant 0 : i32
      %lt3A_1259 = arith.cmpi slt, %select_n3A_1252, %lt3A_1258 : i32
      %ne3A_1260 = arith.xori %lt3A_1257, %lt3A_1259 : i1
      %and3A_1261 = arith.andi %ne3A_1260, %ne3A_1255 : i1
      %add3A_1262 = arith.addi %rem3A_1253, %select_n3A_1252 : i32
      %select_n3A_1263 = arith.select %and3A_1261, %add3A_1262, %rem3A_1253 : i32
      %dma_start3A_1264 = arith.constant 0 : i32
      %dma_start3A_1265 = arith.constant 0 : i32
      %dma_start3A_1266 = arith.constant 0 : i32
      %dma_start3A_1267 = tpu.memref_slice %arg16[%dma_start3A_1264, %dma_start3A_1265, %dma_start3A_1266] : memref<8x8x129xf32, #tpu.memory_space<vmem>> -> memref<8x8x128xf32, #tpu.memory_space<vmem>>
      %dma_start3A_1268 = arith.constant 0 : i32
      %dma_start3A_1269 = arith.constant 0 : i32
      %dma_start3A_1270 = arith.constant 0 : i32
      %dma_start3A_1271 = tpu.memref_slice %arg5[%select_n3A_1247, %dma_start3A_1268, %select_n3A_1263, %dma_start3A_1269, %dma_start3A_1270] : memref<200x8x32x8x128xf32, #tpu.memory_space<hbm>> -> memref<1x8x1x8x128xf32, #tpu.memory_space<hbm>>
      %dma_start3A_1272 = tpu.memref_squeeze %dma_start3A_1271 : memref<1x8x1x8x128xf32, #tpu.memory_space<hbm>> -> memref<8x8x128xf32, #tpu.memory_space<hbm>>
      %dma_start3A_1273 = arith.constant 0 : i32
      %dma_start3A_1274 = arith.constant 0 : i32
      %dma_start3A_1275 = arith.constant 0 : i32
      %dma_start3A_1276 = tpu.memref_slice %arg5[%select_n3A_1247, %dma_start3A_1273, %select_n3A_1263, %dma_start3A_1274, %dma_start3A_1275] : memref<200x8x32x8x128xf32, #tpu.memory_space<hbm>> -> memref<1x8x1x8x128xf32, #tpu.memory_space<hbm>>
      %dma_start3A_1277 = tpu.memref_squeeze %dma_start3A_1276 : memref<1x8x1x8x128xf32, #tpu.memory_space<hbm>> -> memref<8x8x128xf32, #tpu.memory_space<hbm>>
      %dma_start3A_1278 = arith.constant 0 : i32
      %dma_start3A_1279 = arith.constant 0 : i32
      %dma_start3A_1280 = arith.constant 0 : i32
      %dma_start3A_1281 = tpu.memref_slice %arg16[%dma_start3A_1278, %dma_start3A_1279, %dma_start3A_1280] : memref<8x8x129xf32, #tpu.memory_space<vmem>> -> memref<8x8x128xf32, #tpu.memory_space<vmem>>
      tpu.enqueue_dma source(%dma_start3A_1281 : memref<8x8x128xf32, #tpu.memory_space<vmem>>) target(%dma_start3A_1277 : memref<8x8x128xf32, #tpu.memory_space<hbm>>) target_semaphore(%arg29 : memref<!tpu.dma_semaphore, #tpu.memory_space<semaphore_mem>>)
      %mul3A_1282 = arith.constant 4 : i32
      %mul3A_1283 = arith.muli %mul3A_1282, %scan3A_825 : i32
      %add3A_1284 = arith.constant 3 : i32
      %add3A_1285 = arith.addi %mul3A_1283, %add3A_1284 : i32
      %add3A_1286 = arith.constant 4 : i32
      %add3A_1287 = arith.addi %add3A_1285, %add3A_1286 : i32
      %sub3A_1288 = arith.constant 1 : i32
      %sub3A_1289 = arith.subi %add3A_1287, %sub3A_1288 : i32
      %lt3A_1290 = arith.constant 200 : i32
      %lt3A_1291 = arith.cmpi slt, %sub3A_1289, %lt3A_1290 : i32
      %convert_element_type3A_1292 = arith.extui %lt3A_1291 : i1 to i32
      %cond3A_1293 = arith.constant 0 : i32
      %cond3A_1294 = arith.cmpi ne, %convert_element_type3A_1292, %cond3A_1293 : i32
      scf.if %cond3A_1294 {
        %add3A_1436 = arith.constant 4 : i32
        %add3A_1437 = arith.addi %add3A_1285, %add3A_1436 : i32
        %sub3A_1438 = arith.constant 1 : i32
        %sub3A_1439 = arith.subi %add3A_1437, %sub3A_1438 : i32
        %add3A_1440 = arith.addi %mul3A_2, %sub3A_1439 : i32
        %jit3A_1441 = arith.constant 32 : i32
        %div3A_1442 = arith.divsi %add3A_1440, %jit3A_1441 : i32
        %sign3A_1443 = arith.constant 0 : i32
        %sign3A_1444 = arith.cmpi sgt, %add3A_1440, %sign3A_1443 : i32
        %sign3A_1445 = arith.extui %sign3A_1444 : i1 to i32
        %sign3A_1446 = arith.constant 0 : i32
        %sign3A_1447 = arith.cmpi slt, %add3A_1440, %sign3A_1446 : i32
        %sign3A_1448 = arith.extui %sign3A_1447 : i1 to i32
        %sign3A_1449 = arith.subi %sign3A_1445, %sign3A_1448 : i32
        %sign3A_1450 = arith.constant 0 : i32
        %sign3A_1451 = arith.cmpi sgt, %jit3A_1441, %sign3A_1450 : i32
        %sign3A_1452 = arith.extui %sign3A_1451 : i1 to i32
        %sign3A_1453 = arith.constant 0 : i32
        %sign3A_1454 = arith.cmpi slt, %jit3A_1441, %sign3A_1453 : i32
        %sign3A_1455 = arith.extui %sign3A_1454 : i1 to i32
        %sign3A_1456 = arith.subi %sign3A_1452, %sign3A_1455 : i32
        %ne3A_1457 = arith.cmpi ne, %sign3A_1449, %sign3A_1456 : i32
        %rem3A_1458 = arith.remsi %add3A_1440, %jit3A_1441 : i32
        %ne3A_1459 = arith.constant 0 : i32
        %ne3A_1460 = arith.cmpi ne, %rem3A_1458, %ne3A_1459 : i32
        %and3A_1461 = arith.andi %ne3A_1457, %ne3A_1460 : i1
        %sub3A_1462 = arith.constant 1 : i32
        %sub3A_1463 = arith.subi %div3A_1442, %sub3A_1462 : i32
        %select_n3A_1464 = arith.select %and3A_1461, %sub3A_1463, %div3A_1442 : i32
        %jit3A_1465 = arith.constant 32 : i32
        %eq3A_1466 = arith.constant 0 : i32
        %eq3A_1467 = arith.cmpi eq, %jit3A_1465, %eq3A_1466 : i32
        %jit3A_1468 = arith.constant 1 : i32
        %select_n3A_1469 = arith.select %eq3A_1467, %jit3A_1468, %jit3A_1465 : i32
        %rem3A_1470 = arith.remsi %add3A_1440, %select_n3A_1469 : i32
        %ne3A_1471 = arith.constant 0 : i32
        %ne3A_1472 = arith.cmpi ne, %rem3A_1470, %ne3A_1471 : i32
        %lt3A_1473 = arith.constant 0 : i32
        %lt3A_1474 = arith.cmpi slt, %rem3A_1470, %lt3A_1473 : i32
        %lt3A_1475 = arith.constant 0 : i32
        %lt3A_1476 = arith.cmpi slt, %select_n3A_1469, %lt3A_1475 : i32
        %ne3A_1477 = arith.xori %lt3A_1474, %lt3A_1476 : i1
        %and3A_1478 = arith.andi %ne3A_1477, %ne3A_1472 : i1
        %add3A_1479 = arith.addi %rem3A_1470, %select_n3A_1469 : i32
        %select_n3A_1480 = arith.select %and3A_1478, %add3A_1479, %rem3A_1470 : i32
        %mul3A_1481 = arith.constant 4096 : i32
        %mul3A_1482 = arith.muli %select_n3A_1464, %mul3A_1481 : i32
        %mul3A_1483 = arith.constant 128 : i32
        %mul3A_1484 = arith.muli %select_n3A_1480, %mul3A_1483 : i32
        %add3A_1485 = arith.addi %mul3A_1482, %mul3A_1484 : i32
        %dma_wait3A_1486 = tpu.memref_slice %arg2[%add3A_1485] : memref<819200xi32, #tpu.memory_space<hbm>> -> memref<128xi32, #tpu.memory_space<hbm>>
        %dma_wait3A_1487 = tpu.memref_slice %arg2[%add3A_1485] : memref<819200xi32, #tpu.memory_space<hbm>> -> memref<128xi32, #tpu.memory_space<hbm>>
        tpu.wait_dma2 semaphore(%arg21 : memref<!tpu.dma_semaphore, #tpu.memory_space<semaphore_mem>>) src(%dma_wait3A_1487 : memref<128xi32, #tpu.memory_space<hbm>>) dst(%arg8 : memref<128xi32, #tpu.memory_space<vmem>>)
        %dma_start3A_1488 = arith.constant 0 : i32
        %dma_start3A_1489 = arith.constant 0 : i32
        %dma_start3A_1490 = tpu.memref_slice %arg3[%dma_start3A_1488, %dma_start3A_1489] : memref<100000x64xf32, #tpu.memory_space<hbm>> -> memref<100000x64xf32, #tpu.memory_space<hbm>>
        tpu.enqueue_indirect_dma source(%dma_start3A_1490 : memref<100000x64xf32, #tpu.memory_space<hbm>>) target(%arg12 : memref<128x64xf32, #tpu.memory_space<vmem>>) offsets(%arg8 : memref<128xi32, #tpu.memory_space<vmem>>) semaphore(%arg25 : memref<!tpu.dma_semaphore, #tpu.memory_space<semaphore_mem>>)
      } else {
      }
      %dma_wait3A_1295 = arith.constant 0 : i32
      %dma_wait3A_1296 = arith.constant 0 : i32
      %dma_wait3A_1297 = tpu.memref_slice %arg3[%dma_wait3A_1295, %dma_wait3A_1296] : memref<100000x64xf32, #tpu.memory_space<hbm>> -> memref<100000x64xf32, #tpu.memory_space<hbm>>
      tpu.wait_indirect_dma semaphore(%arg26 : memref<!tpu.dma_semaphore, #tpu.memory_space<semaphore_mem>>) src(%dma_wait3A_1297 : memref<100000x64xf32, #tpu.memory_space<hbm>>) dst(%arg13 : memref<128x64xf32, #tpu.memory_space<vmem>>)
      %add3A_1298 = arith.constant 4 : i32
      %add3A_1299 = arith.addi %add3A_1285, %add3A_1298 : i32
      %lt3A_1300 = arith.constant 200 : i32
      %lt3A_1301 = arith.cmpi slt, %add3A_1299, %lt3A_1300 : i32
      %convert_element_type3A_1302 = arith.extui %lt3A_1301 : i1 to i32
      %cond3A_1303 = arith.constant 0 : i32
      %cond3A_1304 = arith.cmpi ne, %convert_element_type3A_1302, %cond3A_1303 : i32
      scf.if %cond3A_1304 {
        %add3A_1436 = arith.constant 4 : i32
        %add3A_1437 = arith.addi %add3A_1285, %add3A_1436 : i32
        %add3A_1438 = arith.addi %mul3A_2, %add3A_1437 : i32
        %jit3A_1439 = arith.constant 32 : i32
        %div3A_1440 = arith.divsi %add3A_1438, %jit3A_1439 : i32
        %sign3A_1441 = arith.constant 0 : i32
        %sign3A_1442 = arith.cmpi sgt, %add3A_1438, %sign3A_1441 : i32
        %sign3A_1443 = arith.extui %sign3A_1442 : i1 to i32
        %sign3A_1444 = arith.constant 0 : i32
        %sign3A_1445 = arith.cmpi slt, %add3A_1438, %sign3A_1444 : i32
        %sign3A_1446 = arith.extui %sign3A_1445 : i1 to i32
        %sign3A_1447 = arith.subi %sign3A_1443, %sign3A_1446 : i32
        %sign3A_1448 = arith.constant 0 : i32
        %sign3A_1449 = arith.cmpi sgt, %jit3A_1439, %sign3A_1448 : i32
        %sign3A_1450 = arith.extui %sign3A_1449 : i1 to i32
        %sign3A_1451 = arith.constant 0 : i32
        %sign3A_1452 = arith.cmpi slt, %jit3A_1439, %sign3A_1451 : i32
        %sign3A_1453 = arith.extui %sign3A_1452 : i1 to i32
        %sign3A_1454 = arith.subi %sign3A_1450, %sign3A_1453 : i32
        %ne3A_1455 = arith.cmpi ne, %sign3A_1447, %sign3A_1454 : i32
        %rem3A_1456 = arith.remsi %add3A_1438, %jit3A_1439 : i32
        %ne3A_1457 = arith.constant 0 : i32
        %ne3A_1458 = arith.cmpi ne, %rem3A_1456, %ne3A_1457 : i32
        %and3A_1459 = arith.andi %ne3A_1455, %ne3A_1458 : i1
        %sub3A_1460 = arith.constant 1 : i32
        %sub3A_1461 = arith.subi %div3A_1440, %sub3A_1460 : i32
        %select_n3A_1462 = arith.select %and3A_1459, %sub3A_1461, %div3A_1440 : i32
        %jit3A_1463 = arith.constant 32 : i32
        %eq3A_1464 = arith.constant 0 : i32
        %eq3A_1465 = arith.cmpi eq, %jit3A_1463, %eq3A_1464 : i32
        %jit3A_1466 = arith.constant 1 : i32
        %select_n3A_1467 = arith.select %eq3A_1465, %jit3A_1466, %jit3A_1463 : i32
        %rem3A_1468 = arith.remsi %add3A_1438, %select_n3A_1467 : i32
        %ne3A_1469 = arith.constant 0 : i32
        %ne3A_1470 = arith.cmpi ne, %rem3A_1468, %ne3A_1469 : i32
        %lt3A_1471 = arith.constant 0 : i32
        %lt3A_1472 = arith.cmpi slt, %rem3A_1468, %lt3A_1471 : i32
        %lt3A_1473 = arith.constant 0 : i32
        %lt3A_1474 = arith.cmpi slt, %select_n3A_1467, %lt3A_1473 : i32
        %ne3A_1475 = arith.xori %lt3A_1472, %lt3A_1474 : i1
        %and3A_1476 = arith.andi %ne3A_1475, %ne3A_1470 : i1
        %add3A_1477 = arith.addi %rem3A_1468, %select_n3A_1467 : i32
        %select_n3A_1478 = arith.select %and3A_1476, %add3A_1477, %rem3A_1468 : i32
        %mul3A_1479 = arith.constant 4096 : i32
        %mul3A_1480 = arith.muli %select_n3A_1462, %mul3A_1479 : i32
        %mul3A_1481 = arith.constant 128 : i32
        %mul3A_1482 = arith.muli %select_n3A_1478, %mul3A_1481 : i32
        %add3A_1483 = arith.addi %mul3A_1480, %mul3A_1482 : i32
        %dma_start3A_1484 = tpu.memref_slice %arg2[%add3A_1483] : memref<819200xi32, #tpu.memory_space<hbm>> -> memref<128xi32, #tpu.memory_space<hbm>>
        %dma_start3A_1485 = tpu.memref_slice %arg2[%add3A_1483] : memref<819200xi32, #tpu.memory_space<hbm>> -> memref<128xi32, #tpu.memory_space<hbm>>
        tpu.enqueue_dma source(%dma_start3A_1485 : memref<128xi32, #tpu.memory_space<hbm>>) target(%arg9 : memref<128xi32, #tpu.memory_space<vmem>>) target_semaphore(%arg22 : memref<!tpu.dma_semaphore, #tpu.memory_space<semaphore_mem>>)
      } else {
      }
      %ge3A_1305 = arith.constant 4 : i32
      %ge3A_1306 = arith.cmpi sge, %add3A_1285, %ge3A_1305 : i32
      %convert_element_type3A_1307 = arith.extui %ge3A_1306 : i1 to i32
      %cond3A_1308 = arith.constant 0 : i32
      %cond3A_1309 = arith.cmpi ne, %convert_element_type3A_1307, %cond3A_1308 : i32
      scf.if %cond3A_1309 {
        %sub3A_1436 = arith.constant 4 : i32
        %sub3A_1437 = arith.subi %add3A_1285, %sub3A_1436 : i32
        %add3A_1438 = arith.addi %mul3A_2, %sub3A_1437 : i32
        %jit3A_1439 = arith.constant 32 : i32
        %div3A_1440 = arith.divsi %add3A_1438, %jit3A_1439 : i32
        %sign3A_1441 = arith.constant 0 : i32
        %sign3A_1442 = arith.cmpi sgt, %add3A_1438, %sign3A_1441 : i32
        %sign3A_1443 = arith.extui %sign3A_1442 : i1 to i32
        %sign3A_1444 = arith.constant 0 : i32
        %sign3A_1445 = arith.cmpi slt, %add3A_1438, %sign3A_1444 : i32
        %sign3A_1446 = arith.extui %sign3A_1445 : i1 to i32
        %sign3A_1447 = arith.subi %sign3A_1443, %sign3A_1446 : i32
        %sign3A_1448 = arith.constant 0 : i32
        %sign3A_1449 = arith.cmpi sgt, %jit3A_1439, %sign3A_1448 : i32
        %sign3A_1450 = arith.extui %sign3A_1449 : i1 to i32
        %sign3A_1451 = arith.constant 0 : i32
        %sign3A_1452 = arith.cmpi slt, %jit3A_1439, %sign3A_1451 : i32
        %sign3A_1453 = arith.extui %sign3A_1452 : i1 to i32
        %sign3A_1454 = arith.subi %sign3A_1450, %sign3A_1453 : i32
        %ne3A_1455 = arith.cmpi ne, %sign3A_1447, %sign3A_1454 : i32
        %rem3A_1456 = arith.remsi %add3A_1438, %jit3A_1439 : i32
        %ne3A_1457 = arith.constant 0 : i32
        %ne3A_1458 = arith.cmpi ne, %rem3A_1456, %ne3A_1457 : i32
        %and3A_1459 = arith.andi %ne3A_1455, %ne3A_1458 : i1
        %sub3A_1460 = arith.constant 1 : i32
        %sub3A_1461 = arith.subi %div3A_1440, %sub3A_1460 : i32
        %select_n3A_1462 = arith.select %and3A_1459, %sub3A_1461, %div3A_1440 : i32
        %jit3A_1463 = arith.constant 32 : i32
        %eq3A_1464 = arith.constant 0 : i32
        %eq3A_1465 = arith.cmpi eq, %jit3A_1463, %eq3A_1464 : i32
        %jit3A_1466 = arith.constant 1 : i32
        %select_n3A_1467 = arith.select %eq3A_1465, %jit3A_1466, %jit3A_1463 : i32
        %rem3A_1468 = arith.remsi %add3A_1438, %select_n3A_1467 : i32
        %ne3A_1469 = arith.constant 0 : i32
        %ne3A_1470 = arith.cmpi ne, %rem3A_1468, %ne3A_1469 : i32
        %lt3A_1471 = arith.constant 0 : i32
        %lt3A_1472 = arith.cmpi slt, %rem3A_1468, %lt3A_1471 : i32
        %lt3A_1473 = arith.constant 0 : i32
        %lt3A_1474 = arith.cmpi slt, %select_n3A_1467, %lt3A_1473 : i32
        %ne3A_1475 = arith.xori %lt3A_1472, %lt3A_1474 : i1
        %and3A_1476 = arith.andi %ne3A_1475, %ne3A_1470 : i1
        %add3A_1477 = arith.addi %rem3A_1468, %select_n3A_1467 : i32
        %select_n3A_1478 = arith.select %and3A_1476, %add3A_1477, %rem3A_1468 : i32
        %dma_wait3A_1479 = arith.constant 0 : i32
        %dma_wait3A_1480 = arith.constant 0 : i32
        %dma_wait3A_1481 = arith.constant 0 : i32
        %dma_wait3A_1482 = tpu.memref_slice %arg17[%dma_wait3A_1479, %dma_wait3A_1480, %dma_wait3A_1481] : memref<8x8x129xf32, #tpu.memory_space<vmem>> -> memref<8x8x128xf32, #tpu.memory_space<vmem>>
        %dma_wait3A_1483 = arith.constant 0 : i32
        %dma_wait3A_1484 = arith.constant 0 : i32
        %dma_wait3A_1485 = arith.constant 0 : i32
        %dma_wait3A_1486 = tpu.memref_slice %arg5[%select_n3A_1462, %dma_wait3A_1483, %select_n3A_1478, %dma_wait3A_1484, %dma_wait3A_1485] : memref<200x8x32x8x128xf32, #tpu.memory_space<hbm>> -> memref<1x8x1x8x128xf32, #tpu.memory_space<hbm>>
        %dma_wait3A_1487 = tpu.memref_squeeze %dma_wait3A_1486 : memref<1x8x1x8x128xf32, #tpu.memory_space<hbm>> -> memref<8x8x128xf32, #tpu.memory_space<hbm>>
        %dma_wait3A_1488 = arith.constant 0 : i32
        %dma_wait3A_1489 = arith.constant 0 : i32
        %dma_wait3A_1490 = arith.constant 0 : i32
        %dma_wait3A_1491 = tpu.memref_slice %arg5[%select_n3A_1462, %dma_wait3A_1488, %select_n3A_1478, %dma_wait3A_1489, %dma_wait3A_1490] : memref<200x8x32x8x128xf32, #tpu.memory_space<hbm>> -> memref<1x8x1x8x128xf32, #tpu.memory_space<hbm>>
        %dma_wait3A_1492 = tpu.memref_squeeze %dma_wait3A_1491 : memref<1x8x1x8x128xf32, #tpu.memory_space<hbm>> -> memref<8x8x128xf32, #tpu.memory_space<hbm>>
        %dma_wait3A_1493 = arith.constant 0 : i32
        %dma_wait3A_1494 = arith.constant 0 : i32
        %dma_wait3A_1495 = arith.constant 0 : i32
        %dma_wait3A_1496 = tpu.memref_slice %arg17[%dma_wait3A_1493, %dma_wait3A_1494, %dma_wait3A_1495] : memref<8x8x129xf32, #tpu.memory_space<vmem>> -> memref<8x8x128xf32, #tpu.memory_space<vmem>>
        tpu.wait_dma2 semaphore(%arg30 : memref<!tpu.dma_semaphore, #tpu.memory_space<semaphore_mem>>) src(%dma_wait3A_1496 : memref<8x8x128xf32, #tpu.memory_space<vmem>>) dst(%dma_wait3A_1492 : memref<8x8x128xf32, #tpu.memory_space<hbm>>)
      } else {
      }
      %add3A_1310 = arith.addi %mul3A_2, %add3A_1285 : i32
      %jit3A_1311 = arith.constant 32 : i32
      %div3A_1312 = arith.divsi %add3A_1310, %jit3A_1311 : i32
      %sign3A_1313 = arith.constant 0 : i32
      %sign3A_1314 = arith.cmpi sgt, %add3A_1310, %sign3A_1313 : i32
      %sign3A_1315 = arith.extui %sign3A_1314 : i1 to i32
      %sign3A_1316 = arith.constant 0 : i32
      %sign3A_1317 = arith.cmpi slt, %add3A_1310, %sign3A_1316 : i32
      %sign3A_1318 = arith.extui %sign3A_1317 : i1 to i32
      %sign3A_1319 = arith.subi %sign3A_1315, %sign3A_1318 : i32
      %sign3A_1320 = arith.constant 0 : i32
      %sign3A_1321 = arith.cmpi sgt, %jit3A_1311, %sign3A_1320 : i32
      %sign3A_1322 = arith.extui %sign3A_1321 : i1 to i32
      %sign3A_1323 = arith.constant 0 : i32
      %sign3A_1324 = arith.cmpi slt, %jit3A_1311, %sign3A_1323 : i32
      %sign3A_1325 = arith.extui %sign3A_1324 : i1 to i32
      %sign3A_1326 = arith.subi %sign3A_1322, %sign3A_1325 : i32
      %ne3A_1327 = arith.cmpi ne, %sign3A_1319, %sign3A_1326 : i32
      %rem3A_1328 = arith.remsi %add3A_1310, %jit3A_1311 : i32
      %ne3A_1329 = arith.constant 0 : i32
      %ne3A_1330 = arith.cmpi ne, %rem3A_1328, %ne3A_1329 : i32
      %and3A_1331 = arith.andi %ne3A_1327, %ne3A_1330 : i1
      %sub3A_1332 = arith.constant 1 : i32
      %sub3A_1333 = arith.subi %div3A_1312, %sub3A_1332 : i32
      %select_n3A_1334 = arith.select %and3A_1331, %sub3A_1333, %div3A_1312 : i32
      %jit3A_1335 = arith.constant 32 : i32
      %eq3A_1336 = arith.constant 0 : i32
      %eq3A_1337 = arith.cmpi eq, %jit3A_1335, %eq3A_1336 : i32
      %jit3A_1338 = arith.constant 1 : i32
      %select_n3A_1339 = arith.select %eq3A_1337, %jit3A_1338, %jit3A_1335 : i32
      %rem3A_1340 = arith.remsi %add3A_1310, %select_n3A_1339 : i32
      %ne3A_1341 = arith.constant 0 : i32
      %ne3A_1342 = arith.cmpi ne, %rem3A_1340, %ne3A_1341 : i32
      %lt3A_1343 = arith.constant 0 : i32
      %lt3A_1344 = arith.cmpi slt, %rem3A_1340, %lt3A_1343 : i32
      %lt3A_1345 = arith.constant 0 : i32
      %lt3A_1346 = arith.cmpi slt, %select_n3A_1339, %lt3A_1345 : i32
      %ne3A_1347 = arith.xori %lt3A_1344, %lt3A_1346 : i1
      %and3A_1348 = arith.andi %ne3A_1347, %ne3A_1342 : i1
      %add3A_1349 = arith.addi %rem3A_1340, %select_n3A_1339 : i32
      %select_n3A_1350 = arith.select %and3A_1348, %add3A_1349, %rem3A_1340 : i32
      %mul3A_1351 = arith.constant 64 : i32
      %mul3A_1352 = arith.muli %select_n3A_1334, %mul3A_1351 : i32
      %add3A_1353 = arith.constant 0 : i32
      %add3A_1354 = arith.addi %mul3A_1352, %add3A_1353 : i32
      %get3A_1355 = arith.index_cast %add3A_1354 : i32 to index
      %get3A_1356 = tpu.vector_load %arg18[%get3A_1355] {strides = array<i32>} : memref<12800xf32, #tpu.memory_space<vmem>>, vector<16xf32>,
      %add3A_1357 = arith.constant 16 : i32
      %add3A_1358 = arith.addi %mul3A_1352, %add3A_1357 : i32
      %get3A_1359 = arith.index_cast %add3A_1358 : i32 to index
      %get3A_1360 = tpu.vector_load %arg18[%get3A_1359] {strides = array<i32>} : memref<12800xf32, #tpu.memory_space<vmem>>, vector<16xf32>,
      %add3A_1361 = arith.constant 32 : i32
      %add3A_1362 = arith.addi %mul3A_1352, %add3A_1361 : i32
      %get3A_1363 = arith.index_cast %add3A_1362 : i32 to index
      %get3A_1364 = tpu.vector_load %arg18[%get3A_1363] {strides = array<i32>} : memref<12800xf32, #tpu.memory_space<vmem>>, vector<16xf32>,
      %add3A_1365 = arith.constant 48 : i32
      %add3A_1366 = arith.addi %mul3A_1352, %add3A_1365 : i32
      %get3A_1367 = arith.index_cast %add3A_1366 : i32 to index
      %get3A_1368 = tpu.vector_load %arg18[%get3A_1367] {strides = array<i32>} : memref<12800xf32, #tpu.memory_space<vmem>>, vector<16xf32>,
      %scan3A_1369 = arith.constant 0 : i32
      %scan3A_1370 = arith.constant 0 : i32
      %scan3A_1371 = arith.constant 32 : i32
      %scan3A_1372 = arith.addi %scan3A_1370, %scan3A_1371 : i32
      %scan3A_1373 = arith.constant 1 : i32
      %scan3A_1374 = scf.for %scan3A_1436 = %scan3A_1370 to %scan3A_1372 step %scan3A_1373 iter_args(%scan3A_1437 = %scan3A_1369) -> (i32)  : i32 {
        %mul3A_1438 = arith.constant 4 : i32
        %mul3A_1439 = arith.muli %scan3A_1436, %mul3A_1438 : i32
        %add3A_1440 = arith.constant 0 : i32
        %add3A_1441 = arith.addi %mul3A_1439, %add3A_1440 : i32
        %broadcast_in_dim3A = vector.broadcast %add3A_1441 : i32 to vector<16xi32>
        %get3A_1442 = arith.index_cast %add3A_1441 : i32 to index
        %get3A_1443 = arith.constant 0 : index
        %get3A_1444 = tpu.vector_load %arg13[%get3A_1442, %get3A_1443] {strides = array<i32>} : memref<128x64xf32, #tpu.memory_space<vmem>>, vector<16xf32>,
        %add3A_1445 = arith.addf %get3A_1444, %get3A_1356 : vector<16xf32>
        tpu.vector_store_idx %arg17[%select_n3A, %select_n3A_153, %broadcast_in_dim3A], %add3A_1445 : memref<8x8x129xf32, #tpu.memory_space<vmem>>[vector<16xi32>, vector<16xi32>, vector<16xi32>], vector<16xf32>,
        %get3A_1446 = arith.index_cast %add3A_1441 : i32 to index
        %get3A_1447 = arith.constant 16 : index
        %get3A_1448 = tpu.vector_load %arg13[%get3A_1446, %get3A_1447] {strides = array<i32>} : memref<128x64xf32, #tpu.memory_space<vmem>>, vector<16xf32>,
        %add3A_1449 = arith.addf %get3A_1448, %get3A_1360 : vector<16xf32>
        tpu.vector_store_idx %arg17[%select_n3A_62, %select_n3A_178, %broadcast_in_dim3A], %add3A_1449 : memref<8x8x129xf32, #tpu.memory_space<vmem>>[vector<16xi32>, vector<16xi32>, vector<16xi32>], vector<16xf32>,
        %get3A_1450 = arith.index_cast %add3A_1441 : i32 to index
        %get3A_1451 = arith.constant 32 : index
        %get3A_1452 = tpu.vector_load %arg13[%get3A_1450, %get3A_1451] {strides = array<i32>} : memref<128x64xf32, #tpu.memory_space<vmem>>, vector<16xf32>,
        %add3A_1453 = arith.addf %get3A_1452, %get3A_1364 : vector<16xf32>
        tpu.vector_store_idx %arg17[%select_n3A_96, %select_n3A_203, %broadcast_in_dim3A], %add3A_1453 : memref<8x8x129xf32, #tpu.memory_space<vmem>>[vector<16xi32>, vector<16xi32>, vector<16xi32>], vector<16xf32>,
        %get3A_1454 = arith.index_cast %add3A_1441 : i32 to index
        %get3A_1455 = arith.constant 48 : index
        %get3A_1456 = tpu.vector_load %arg13[%get3A_1454, %get3A_1455] {strides = array<i32>} : memref<128x64xf32, #tpu.memory_space<vmem>>, vector<16xf32>,
        %add3A_1457 = arith.addf %get3A_1456, %get3A_1368 : vector<16xf32>
        tpu.vector_store_idx %arg17[%select_n3A_130, %select_n3A_228, %broadcast_in_dim3A], %add3A_1457 : memref<8x8x129xf32, #tpu.memory_space<vmem>>[vector<16xi32>, vector<16xi32>, vector<16xi32>], vector<16xf32>,
        %mul3A_1458 = arith.constant 4 : i32
        %mul3A_1459 = arith.muli %scan3A_1436, %mul3A_1458 : i32
        %add3A_1460 = arith.constant 1 : i32
        %add3A_1461 = arith.addi %mul3A_1459, %add3A_1460 : i32
        %broadcast_in_dim3A_1462 = vector.broadcast %add3A_1461 : i32 to vector<16xi32>
        %get3A_1463 = arith.index_cast %add3A_1461 : i32 to index
        %get3A_1464 = arith.constant 0 : index
        %get3A_1465 = tpu.vector_load %arg13[%get3A_1463, %get3A_1464] {strides = array<i32>} : memref<128x64xf32, #tpu.memory_space<vmem>>, vector<16xf32>,
        %add3A_1466 = arith.addf %get3A_1465, %get3A_1356 : vector<16xf32>
        tpu.vector_store_idx %arg17[%select_n3A, %select_n3A_153, %broadcast_in_dim3A_1462], %add3A_1466 : memref<8x8x129xf32, #tpu.memory_space<vmem>>[vector<16xi32>, vector<16xi32>, vector<16xi32>], vector<16xf32>,
        %get3A_1467 = arith.index_cast %add3A_1461 : i32 to index
        %get3A_1468 = arith.constant 16 : index
        %get3A_1469 = tpu.vector_load %arg13[%get3A_1467, %get3A_1468] {strides = array<i32>} : memref<128x64xf32, #tpu.memory_space<vmem>>, vector<16xf32>,
        %add3A_1470 = arith.addf %get3A_1469, %get3A_1360 : vector<16xf32>
        tpu.vector_store_idx %arg17[%select_n3A_62, %select_n3A_178, %broadcast_in_dim3A_1462], %add3A_1470 : memref<8x8x129xf32, #tpu.memory_space<vmem>>[vector<16xi32>, vector<16xi32>, vector<16xi32>], vector<16xf32>,
        %get3A_1471 = arith.index_cast %add3A_1461 : i32 to index
        %get3A_1472 = arith.constant 32 : index
        %get3A_1473 = tpu.vector_load %arg13[%get3A_1471, %get3A_1472] {strides = array<i32>} : memref<128x64xf32, #tpu.memory_space<vmem>>, vector<16xf32>,
        %add3A_1474 = arith.addf %get3A_1473, %get3A_1364 : vector<16xf32>
        tpu.vector_store_idx %arg17[%select_n3A_96, %select_n3A_203, %broadcast_in_dim3A_1462], %add3A_1474 : memref<8x8x129xf32, #tpu.memory_space<vmem>>[vector<16xi32>, vector<16xi32>, vector<16xi32>], vector<16xf32>,
        %get3A_1475 = arith.index_cast %add3A_1461 : i32 to index
        %get3A_1476 = arith.constant 48 : index
        %get3A_1477 = tpu.vector_load %arg13[%get3A_1475, %get3A_1476] {strides = array<i32>} : memref<128x64xf32, #tpu.memory_space<vmem>>, vector<16xf32>,
        %add3A_1478 = arith.addf %get3A_1477, %get3A_1368 : vector<16xf32>
        tpu.vector_store_idx %arg17[%select_n3A_130, %select_n3A_228, %broadcast_in_dim3A_1462], %add3A_1478 : memref<8x8x129xf32, #tpu.memory_space<vmem>>[vector<16xi32>, vector<16xi32>, vector<16xi32>], vector<16xf32>,
        %mul3A_1479 = arith.constant 4 : i32
        %mul3A_1480 = arith.muli %scan3A_1436, %mul3A_1479 : i32
        %add3A_1481 = arith.constant 2 : i32
        %add3A_1482 = arith.addi %mul3A_1480, %add3A_1481 : i32
        %broadcast_in_dim3A_1483 = vector.broadcast %add3A_1482 : i32 to vector<16xi32>
        %get3A_1484 = arith.index_cast %add3A_1482 : i32 to index
        %get3A_1485 = arith.constant 0 : index
        %get3A_1486 = tpu.vector_load %arg13[%get3A_1484, %get3A_1485] {strides = array<i32>} : memref<128x64xf32, #tpu.memory_space<vmem>>, vector<16xf32>,
        %add3A_1487 = arith.addf %get3A_1486, %get3A_1356 : vector<16xf32>
        tpu.vector_store_idx %arg17[%select_n3A, %select_n3A_153, %broadcast_in_dim3A_1483], %add3A_1487 : memref<8x8x129xf32, #tpu.memory_space<vmem>>[vector<16xi32>, vector<16xi32>, vector<16xi32>], vector<16xf32>,
        %get3A_1488 = arith.index_cast %add3A_1482 : i32 to index
        %get3A_1489 = arith.constant 16 : index
        %get3A_1490 = tpu.vector_load %arg13[%get3A_1488, %get3A_1489] {strides = array<i32>} : memref<128x64xf32, #tpu.memory_space<vmem>>, vector<16xf32>,
        %add3A_1491 = arith.addf %get3A_1490, %get3A_1360 : vector<16xf32>
        tpu.vector_store_idx %arg17[%select_n3A_62, %select_n3A_178, %broadcast_in_dim3A_1483], %add3A_1491 : memref<8x8x129xf32, #tpu.memory_space<vmem>>[vector<16xi32>, vector<16xi32>, vector<16xi32>], vector<16xf32>,
        %get3A_1492 = arith.index_cast %add3A_1482 : i32 to index
        %get3A_1493 = arith.constant 32 : index
        %get3A_1494 = tpu.vector_load %arg13[%get3A_1492, %get3A_1493] {strides = array<i32>} : memref<128x64xf32, #tpu.memory_space<vmem>>, vector<16xf32>,
        %add3A_1495 = arith.addf %get3A_1494, %get3A_1364 : vector<16xf32>
        tpu.vector_store_idx %arg17[%select_n3A_96, %select_n3A_203, %broadcast_in_dim3A_1483], %add3A_1495 : memref<8x8x129xf32, #tpu.memory_space<vmem>>[vector<16xi32>, vector<16xi32>, vector<16xi32>], vector<16xf32>,
        %get3A_1496 = arith.index_cast %add3A_1482 : i32 to index
        %get3A_1497 = arith.constant 48 : index
        %get3A_1498 = tpu.vector_load %arg13[%get3A_1496, %get3A_1497] {strides = array<i32>} : memref<128x64xf32, #tpu.memory_space<vmem>>, vector<16xf32>,
        %add3A_1499 = arith.addf %get3A_1498, %get3A_1368 : vector<16xf32>
        tpu.vector_store_idx %arg17[%select_n3A_130, %select_n3A_228, %broadcast_in_dim3A_1483], %add3A_1499 : memref<8x8x129xf32, #tpu.memory_space<vmem>>[vector<16xi32>, vector<16xi32>, vector<16xi32>], vector<16xf32>,
        %mul3A_1500 = arith.constant 4 : i32
        %mul3A_1501 = arith.muli %scan3A_1436, %mul3A_1500 : i32
        %add3A_1502 = arith.constant 3 : i32
        %add3A_1503 = arith.addi %mul3A_1501, %add3A_1502 : i32
        %broadcast_in_dim3A_1504 = vector.broadcast %add3A_1503 : i32 to vector<16xi32>
        %get3A_1505 = arith.index_cast %add3A_1503 : i32 to index
        %get3A_1506 = arith.constant 0 : index
        %get3A_1507 = tpu.vector_load %arg13[%get3A_1505, %get3A_1506] {strides = array<i32>} : memref<128x64xf32, #tpu.memory_space<vmem>>, vector<16xf32>,
        %add3A_1508 = arith.addf %get3A_1507, %get3A_1356 : vector<16xf32>
        tpu.vector_store_idx %arg17[%select_n3A, %select_n3A_153, %broadcast_in_dim3A_1504], %add3A_1508 : memref<8x8x129xf32, #tpu.memory_space<vmem>>[vector<16xi32>, vector<16xi32>, vector<16xi32>], vector<16xf32>,
        %get3A_1509 = arith.index_cast %add3A_1503 : i32 to index
        %get3A_1510 = arith.constant 16 : index
        %get3A_1511 = tpu.vector_load %arg13[%get3A_1509, %get3A_1510] {strides = array<i32>} : memref<128x64xf32, #tpu.memory_space<vmem>>, vector<16xf32>,
        %add3A_1512 = arith.addf %get3A_1511, %get3A_1360 : vector<16xf32>
        tpu.vector_store_idx %arg17[%select_n3A_62, %select_n3A_178, %broadcast_in_dim3A_1504], %add3A_1512 : memref<8x8x129xf32, #tpu.memory_space<vmem>>[vector<16xi32>, vector<16xi32>, vector<16xi32>], vector<16xf32>,
        %get3A_1513 = arith.index_cast %add3A_1503 : i32 to index
        %get3A_1514 = arith.constant 32 : index
        %get3A_1515 = tpu.vector_load %arg13[%get3A_1513, %get3A_1514] {strides = array<i32>} : memref<128x64xf32, #tpu.memory_space<vmem>>, vector<16xf32>,
        %add3A_1516 = arith.addf %get3A_1515, %get3A_1364 : vector<16xf32>
        tpu.vector_store_idx %arg17[%select_n3A_96, %select_n3A_203, %broadcast_in_dim3A_1504], %add3A_1516 : memref<8x8x129xf32, #tpu.memory_space<vmem>>[vector<16xi32>, vector<16xi32>, vector<16xi32>], vector<16xf32>,
        %get3A_1517 = arith.index_cast %add3A_1503 : i32 to index
        %get3A_1518 = arith.constant 48 : index
        %get3A_1519 = tpu.vector_load %arg13[%get3A_1517, %get3A_1518] {strides = array<i32>} : memref<128x64xf32, #tpu.memory_space<vmem>>, vector<16xf32>,
        %add3A_1520 = arith.addf %get3A_1519, %get3A_1368 : vector<16xf32>
        tpu.vector_store_idx %arg17[%select_n3A_130, %select_n3A_228, %broadcast_in_dim3A_1504], %add3A_1520 : memref<8x8x129xf32, #tpu.memory_space<vmem>>[vector<16xi32>, vector<16xi32>, vector<16xi32>], vector<16xf32>,
        %scan3A_1521 = arith.constant 0 : i32
        scf.yield %scan3A_1521 : i32
      }
      %scan3A_1375 = arith.constant 32 : i32
      %add3A_1376 = arith.addi %mul3A_2, %add3A_1285 : i32
      %jit3A_1377 = arith.constant 32 : i32
      %div3A_1378 = arith.divsi %add3A_1376, %jit3A_1377 : i32
      %sign3A_1379 = arith.constant 0 : i32
      %sign3A_1380 = arith.cmpi sgt, %add3A_1376, %sign3A_1379 : i32
      %sign3A_1381 = arith.extui %sign3A_1380 : i1 to i32
      %sign3A_1382 = arith.constant 0 : i32
      %sign3A_1383 = arith.cmpi slt, %add3A_1376, %sign3A_1382 : i32
      %sign3A_1384 = arith.extui %sign3A_1383 : i1 to i32
      %sign3A_1385 = arith.subi %sign3A_1381, %sign3A_1384 : i32
      %sign3A_1386 = arith.constant 0 : i32
      %sign3A_1387 = arith.cmpi sgt, %jit3A_1377, %sign3A_1386 : i32
      %sign3A_1388 = arith.extui %sign3A_1387 : i1 to i32
      %sign3A_1389 = arith.constant 0 : i32
      %sign3A_1390 = arith.cmpi slt, %jit3A_1377, %sign3A_1389 : i32
      %sign3A_1391 = arith.extui %sign3A_1390 : i1 to i32
      %sign3A_1392 = arith.subi %sign3A_1388, %sign3A_1391 : i32
      %ne3A_1393 = arith.cmpi ne, %sign3A_1385, %sign3A_1392 : i32
      %rem3A_1394 = arith.remsi %add3A_1376, %jit3A_1377 : i32
      %ne3A_1395 = arith.constant 0 : i32
      %ne3A_1396 = arith.cmpi ne, %rem3A_1394, %ne3A_1395 : i32
      %and3A_1397 = arith.andi %ne3A_1393, %ne3A_1396 : i1
      %sub3A_1398 = arith.constant 1 : i32
      %sub3A_1399 = arith.subi %div3A_1378, %sub3A_1398 : i32
      %select_n3A_1400 = arith.select %and3A_1397, %sub3A_1399, %div3A_1378 : i32
      %jit3A_1401 = arith.constant 32 : i32
      %eq3A_1402 = arith.constant 0 : i32
      %eq3A_1403 = arith.cmpi eq, %jit3A_1401, %eq3A_1402 : i32
      %jit3A_1404 = arith.constant 1 : i32
      %select_n3A_1405 = arith.select %eq3A_1403, %jit3A_1404, %jit3A_1401 : i32
      %rem3A_1406 = arith.remsi %add3A_1376, %select_n3A_1405 : i32
      %ne3A_1407 = arith.constant 0 : i32
      %ne3A_1408 = arith.cmpi ne, %rem3A_1406, %ne3A_1407 : i32
      %lt3A_1409 = arith.constant 0 : i32
      %lt3A_1410 = arith.cmpi slt, %rem3A_1406, %lt3A_1409 : i32
      %lt3A_1411 = arith.constant 0 : i32
      %lt3A_1412 = arith.cmpi slt, %select_n3A_1405, %lt3A_1411 : i32
      %ne3A_1413 = arith.xori %lt3A_1410, %lt3A_1412 : i1
      %and3A_1414 = arith.andi %ne3A_1413, %ne3A_1408 : i1
      %add3A_1415 = arith.addi %rem3A_1406, %select_n3A_1405 : i32
      %select_n3A_1416 = arith.select %and3A_1414, %add3A_1415, %rem3A_1406 : i32
      %dma_start3A_1417 = arith.constant 0 : i32
      %dma_start3A_1418 = arith.constant 0 : i32
      %dma_start3A_1419 = arith.constant 0 : i32
      %dma_start3A_1420 = tpu.memref_slice %arg17[%dma_start3A_1417, %dma_start3A_1418, %dma_start3A_1419] : memref<8x8x129xf32, #tpu.memory_space<vmem>> -> memref<8x8x128xf32, #tpu.memory_space<vmem>>
      %dma_start3A_1421 = arith.constant 0 : i32
      %dma_start3A_1422 = arith.constant 0 : i32
      %dma_start3A_1423 = arith.constant 0 : i32
      %dma_start3A_1424 = tpu.memref_slice %arg5[%select_n3A_1400, %dma_start3A_1421, %select_n3A_1416, %dma_start3A_1422, %dma_start3A_1423] : memref<200x8x32x8x128xf32, #tpu.memory_space<hbm>> -> memref<1x8x1x8x128xf32, #tpu.memory_space<hbm>>
      %dma_start3A_1425 = tpu.memref_squeeze %dma_start3A_1424 : memref<1x8x1x8x128xf32, #tpu.memory_space<hbm>> -> memref<8x8x128xf32, #tpu.memory_space<hbm>>
      %dma_start3A_1426 = arith.constant 0 : i32
      %dma_start3A_1427 = arith.constant 0 : i32
      %dma_start3A_1428 = arith.constant 0 : i32
      %dma_start3A_1429 = tpu.memref_slice %arg5[%select_n3A_1400, %dma_start3A_1426, %select_n3A_1416, %dma_start3A_1427, %dma_start3A_1428] : memref<200x8x32x8x128xf32, #tpu.memory_space<hbm>> -> memref<1x8x1x8x128xf32, #tpu.memory_space<hbm>>
      %dma_start3A_1430 = tpu.memref_squeeze %dma_start3A_1429 : memref<1x8x1x8x128xf32, #tpu.memory_space<hbm>> -> memref<8x8x128xf32, #tpu.memory_space<hbm>>
      %dma_start3A_1431 = arith.constant 0 : i32
      %dma_start3A_1432 = arith.constant 0 : i32
      %dma_start3A_1433 = arith.constant 0 : i32
      %dma_start3A_1434 = tpu.memref_slice %arg17[%dma_start3A_1431, %dma_start3A_1432, %dma_start3A_1433] : memref<8x8x129xf32, #tpu.memory_space<vmem>> -> memref<8x8x128xf32, #tpu.memory_space<vmem>>
      tpu.enqueue_dma source(%dma_start3A_1434 : memref<8x8x128xf32, #tpu.memory_space<vmem>>) target(%dma_start3A_1430 : memref<8x8x128xf32, #tpu.memory_space<hbm>>) target_semaphore(%arg30 : memref<!tpu.dma_semaphore, #tpu.memory_space<semaphore_mem>>)
      %scan3A_1435 = arith.constant 0 : i32
      scf.yield %scan3A_1435 : i32
    }
    %scan3A_584 = arith.constant 50 : i32
    %add3A_585 = arith.constant 196 : i32
    %add3A_586 = arith.addi %mul3A_2, %add3A_585 : i32
    %jit3A_587 = arith.constant 32 : i32
    %div3A_588 = arith.divsi %add3A_586, %jit3A_587 : i32
    %sign3A_589 = arith.constant 0 : i32
    %sign3A_590 = arith.cmpi sgt, %add3A_586, %sign3A_589 : i32
    %sign3A_591 = arith.extui %sign3A_590 : i1 to i32
    %sign3A_592 = arith.constant 0 : i32
    %sign3A_593 = arith.cmpi slt, %add3A_586, %sign3A_592 : i32
    %sign3A_594 = arith.extui %sign3A_593 : i1 to i32
    %sign3A_595 = arith.subi %sign3A_591, %sign3A_594 : i32
    %sign3A_596 = arith.constant 0 : i32
    %sign3A_597 = arith.cmpi sgt, %jit3A_587, %sign3A_596 : i32
    %sign3A_598 = arith.extui %sign3A_597 : i1 to i32
    %sign3A_599 = arith.constant 0 : i32
    %sign3A_600 = arith.cmpi slt, %jit3A_587, %sign3A_599 : i32
    %sign3A_601 = arith.extui %sign3A_600 : i1 to i32
    %sign3A_602 = arith.subi %sign3A_598, %sign3A_601 : i32
    %ne3A_603 = arith.cmpi ne, %sign3A_595, %sign3A_602 : i32
    %rem3A_604 = arith.remsi %add3A_586, %jit3A_587 : i32
    %ne3A_605 = arith.constant 0 : i32
    %ne3A_606 = arith.cmpi ne, %rem3A_604, %ne3A_605 : i32
    %and3A_607 = arith.andi %ne3A_603, %ne3A_606 : i1
    %sub3A_608 = arith.constant 1 : i32
    %sub3A_609 = arith.subi %div3A_588, %sub3A_608 : i32
    %select_n3A_610 = arith.select %and3A_607, %sub3A_609, %div3A_588 : i32
    %jit3A_611 = arith.constant 32 : i32
    %eq3A_612 = arith.constant 0 : i32
    %eq3A_613 = arith.cmpi eq, %jit3A_611, %eq3A_612 : i32
    %jit3A_614 = arith.constant 1 : i32
    %select_n3A_615 = arith.select %eq3A_613, %jit3A_614, %jit3A_611 : i32
    %rem3A_616 = arith.remsi %add3A_586, %select_n3A_615 : i32
    %ne3A_617 = arith.constant 0 : i32
    %ne3A_618 = arith.cmpi ne, %rem3A_616, %ne3A_617 : i32
    %lt3A_619 = arith.constant 0 : i32
    %lt3A_620 = arith.cmpi slt, %rem3A_616, %lt3A_619 : i32
    %lt3A_621 = arith.constant 0 : i32
    %lt3A_622 = arith.cmpi slt, %select_n3A_615, %lt3A_621 : i32
    %ne3A_623 = arith.xori %lt3A_620, %lt3A_622 : i1
    %and3A_624 = arith.andi %ne3A_623, %ne3A_618 : i1
    %add3A_625 = arith.addi %rem3A_616, %select_n3A_615 : i32
    %select_n3A_626 = arith.select %and3A_624, %add3A_625, %rem3A_616 : i32
    %dma_wait3A_627 = arith.constant 0 : i32
    %dma_wait3A_628 = arith.constant 0 : i32
    %dma_wait3A_629 = arith.constant 0 : i32
    %dma_wait3A_630 = tpu.memref_slice %arg14[%dma_wait3A_627, %dma_wait3A_628, %dma_wait3A_629] : memref<8x8x129xf32, #tpu.memory_space<vmem>> -> memref<8x8x128xf32, #tpu.memory_space<vmem>>
    %dma_wait3A_631 = arith.constant 0 : i32
    %dma_wait3A_632 = arith.constant 0 : i32
    %dma_wait3A_633 = arith.constant 0 : i32
    %dma_wait3A_634 = tpu.memref_slice %arg5[%select_n3A_610, %dma_wait3A_631, %select_n3A_626, %dma_wait3A_632, %dma_wait3A_633] : memref<200x8x32x8x128xf32, #tpu.memory_space<hbm>> -> memref<1x8x1x8x128xf32, #tpu.memory_space<hbm>>
    %dma_wait3A_635 = tpu.memref_squeeze %dma_wait3A_634 : memref<1x8x1x8x128xf32, #tpu.memory_space<hbm>> -> memref<8x8x128xf32, #tpu.memory_space<hbm>>
    %dma_wait3A_636 = arith.constant 0 : i32
    %dma_wait3A_637 = arith.constant 0 : i32
    %dma_wait3A_638 = arith.constant 0 : i32
    %dma_wait3A_639 = tpu.memref_slice %arg5[%select_n3A_610, %dma_wait3A_636, %select_n3A_626, %dma_wait3A_637, %dma_wait3A_638] : memref<200x8x32x8x128xf32, #tpu.memory_space<hbm>> -> memref<1x8x1x8x128xf32, #tpu.memory_space<hbm>>
    %dma_wait3A_640 = tpu.memref_squeeze %dma_wait3A_639 : memref<1x8x1x8x128xf32, #tpu.memory_space<hbm>> -> memref<8x8x128xf32, #tpu.memory_space<hbm>>
    %dma_wait3A_641 = arith.constant 0 : i32
    %dma_wait3A_642 = arith.constant 0 : i32
    %dma_wait3A_643 = arith.constant 0 : i32
    %dma_wait3A_644 = tpu.memref_slice %arg14[%dma_wait3A_641, %dma_wait3A_642, %dma_wait3A_643] : memref<8x8x129xf32, #tpu.memory_space<vmem>> -> memref<8x8x128xf32, #tpu.memory_space<vmem>>
    tpu.wait_dma2 semaphore(%arg27 : memref<!tpu.dma_semaphore, #tpu.memory_space<semaphore_mem>>) src(%dma_wait3A_644 : memref<8x8x128xf32, #tpu.memory_space<vmem>>) dst(%dma_wait3A_640 : memref<8x8x128xf32, #tpu.memory_space<hbm>>)
    %add3A_645 = arith.constant 197 : i32
    %add3A_646 = arith.addi %mul3A_2, %add3A_645 : i32
    %jit3A_647 = arith.constant 32 : i32
    %div3A_648 = arith.divsi %add3A_646, %jit3A_647 : i32
    %sign3A_649 = arith.constant 0 : i32
    %sign3A_650 = arith.cmpi sgt, %add3A_646, %sign3A_649 : i32
    %sign3A_651 = arith.extui %sign3A_650 : i1 to i32
    %sign3A_652 = arith.constant 0 : i32
    %sign3A_653 = arith.cmpi slt, %add3A_646, %sign3A_652 : i32
    %sign3A_654 = arith.extui %sign3A_653 : i1 to i32
    %sign3A_655 = arith.subi %sign3A_651, %sign3A_654 : i32
    %sign3A_656 = arith.constant 0 : i32
    %sign3A_657 = arith.cmpi sgt, %jit3A_647, %sign3A_656 : i32
    %sign3A_658 = arith.extui %sign3A_657 : i1 to i32
    %sign3A_659 = arith.constant 0 : i32
    %sign3A_660 = arith.cmpi slt, %jit3A_647, %sign3A_659 : i32
    %sign3A_661 = arith.extui %sign3A_660 : i1 to i32
    %sign3A_662 = arith.subi %sign3A_658, %sign3A_661 : i32
    %ne3A_663 = arith.cmpi ne, %sign3A_655, %sign3A_662 : i32
    %rem3A_664 = arith.remsi %add3A_646, %jit3A_647 : i32
    %ne3A_665 = arith.constant 0 : i32
    %ne3A_666 = arith.cmpi ne, %rem3A_664, %ne3A_665 : i32
    %and3A_667 = arith.andi %ne3A_663, %ne3A_666 : i1
    %sub3A_668 = arith.constant 1 : i32
    %sub3A_669 = arith.subi %div3A_648, %sub3A_668 : i32
    %select_n3A_670 = arith.select %and3A_667, %sub3A_669, %div3A_648 : i32
    %jit3A_671 = arith.constant 32 : i32
    %eq3A_672 = arith.constant 0 : i32
    %eq3A_673 = arith.cmpi eq, %jit3A_671, %eq3A_672 : i32
    %jit3A_674 = arith.constant 1 : i32
    %select_n3A_675 = arith.select %eq3A_673, %jit3A_674, %jit3A_671 : i32
    %rem3A_676 = arith.remsi %add3A_646, %select_n3A_675 : i32
    %ne3A_677 = arith.constant 0 : i32
    %ne3A_678 = arith.cmpi ne, %rem3A_676, %ne3A_677 : i32
    %lt3A_679 = arith.constant 0 : i32
    %lt3A_680 = arith.cmpi slt, %rem3A_676, %lt3A_679 : i32
    %lt3A_681 = arith.constant 0 : i32
    %lt3A_682 = arith.cmpi slt, %select_n3A_675, %lt3A_681 : i32
    %ne3A_683 = arith.xori %lt3A_680, %lt3A_682 : i1
    %and3A_684 = arith.andi %ne3A_683, %ne3A_678 : i1
    %add3A_685 = arith.addi %rem3A_676, %select_n3A_675 : i32
    %select_n3A_686 = arith.select %and3A_684, %add3A_685, %rem3A_676 : i32
    %dma_wait3A_687 = arith.constant 0 : i32
    %dma_wait3A_688 = arith.constant 0 : i32
    %dma_wait3A_689 = arith.constant 0 : i32
    %dma_wait3A_690 = tpu.memref_slice %arg15[%dma_wait3A_687, %dma_wait3A_688, %dma_wait3A_689] : memref<8x8x129xf32, #tpu.memory_space<vmem>> -> memref<8x8x128xf32, #tpu.memory_space<vmem>>
    %dma_wait3A_691 = arith.constant 0 : i32
    %dma_wait3A_692 = arith.constant 0 : i32
    %dma_wait3A_693 = arith.constant 0 : i32
    %dma_wait3A_694 = tpu.memref_slice %arg5[%select_n3A_670, %dma_wait3A_691, %select_n3A_686, %dma_wait3A_692, %dma_wait3A_693] : memref<200x8x32x8x128xf32, #tpu.memory_space<hbm>> -> memref<1x8x1x8x128xf32, #tpu.memory_space<hbm>>
    %dma_wait3A_695 = tpu.memref_squeeze %dma_wait3A_694 : memref<1x8x1x8x128xf32, #tpu.memory_space<hbm>> -> memref<8x8x128xf32, #tpu.memory_space<hbm>>
    %dma_wait3A_696 = arith.constant 0 : i32
    %dma_wait3A_697 = arith.constant 0 : i32
    %dma_wait3A_698 = arith.constant 0 : i32
    %dma_wait3A_699 = tpu.memref_slice %arg5[%select_n3A_670, %dma_wait3A_696, %select_n3A_686, %dma_wait3A_697, %dma_wait3A_698] : memref<200x8x32x8x128xf32, #tpu.memory_space<hbm>> -> memref<1x8x1x8x128xf32, #tpu.memory_space<hbm>>
    %dma_wait3A_700 = tpu.memref_squeeze %dma_wait3A_699 : memref<1x8x1x8x128xf32, #tpu.memory_space<hbm>> -> memref<8x8x128xf32, #tpu.memory_space<hbm>>
    %dma_wait3A_701 = arith.constant 0 : i32
    %dma_wait3A_702 = arith.constant 0 : i32
    %dma_wait3A_703 = arith.constant 0 : i32
    %dma_wait3A_704 = tpu.memref_slice %arg15[%dma_wait3A_701, %dma_wait3A_702, %dma_wait3A_703] : memref<8x8x129xf32, #tpu.memory_space<vmem>> -> memref<8x8x128xf32, #tpu.memory_space<vmem>>
    tpu.wait_dma2 semaphore(%arg28 : memref<!tpu.dma_semaphore, #tpu.memory_space<semaphore_mem>>) src(%dma_wait3A_704 : memref<8x8x128xf32, #tpu.memory_space<vmem>>) dst(%dma_wait3A_700 : memref<8x8x128xf32, #tpu.memory_space<hbm>>)
    %add3A_705 = arith.constant 198 : i32
    %add3A_706 = arith.addi %mul3A_2, %add3A_705 : i32
    %jit3A_707 = arith.constant 32 : i32
    %div3A_708 = arith.divsi %add3A_706, %jit3A_707 : i32
    %sign3A_709 = arith.constant 0 : i32
    %sign3A_710 = arith.cmpi sgt, %add3A_706, %sign3A_709 : i32
    %sign3A_711 = arith.extui %sign3A_710 : i1 to i32
    %sign3A_712 = arith.constant 0 : i32
    %sign3A_713 = arith.cmpi slt, %add3A_706, %sign3A_712 : i32
    %sign3A_714 = arith.extui %sign3A_713 : i1 to i32
    %sign3A_715 = arith.subi %sign3A_711, %sign3A_714 : i32
    %sign3A_716 = arith.constant 0 : i32
    %sign3A_717 = arith.cmpi sgt, %jit3A_707, %sign3A_716 : i32
    %sign3A_718 = arith.extui %sign3A_717 : i1 to i32
    %sign3A_719 = arith.constant 0 : i32
    %sign3A_720 = arith.cmpi slt, %jit3A_707, %sign3A_719 : i32
    %sign3A_721 = arith.extui %sign3A_720 : i1 to i32
    %sign3A_722 = arith.subi %sign3A_718, %sign3A_721 : i32
    %ne3A_723 = arith.cmpi ne, %sign3A_715, %sign3A_722 : i32
    %rem3A_724 = arith.remsi %add3A_706, %jit3A_707 : i32
    %ne3A_725 = arith.constant 0 : i32
    %ne3A_726 = arith.cmpi ne, %rem3A_724, %ne3A_725 : i32
    %and3A_727 = arith.andi %ne3A_723, %ne3A_726 : i1
    %sub3A_728 = arith.constant 1 : i32
    %sub3A_729 = arith.subi %div3A_708, %sub3A_728 : i32
    %select_n3A_730 = arith.select %and3A_727, %sub3A_729, %div3A_708 : i32
    %jit3A_731 = arith.constant 32 : i32
    %eq3A_732 = arith.constant 0 : i32
    %eq3A_733 = arith.cmpi eq, %jit3A_731, %eq3A_732 : i32
    %jit3A_734 = arith.constant 1 : i32
    %select_n3A_735 = arith.select %eq3A_733, %jit3A_734, %jit3A_731 : i32
    %rem3A_736 = arith.remsi %add3A_706, %select_n3A_735 : i32
    %ne3A_737 = arith.constant 0 : i32
    %ne3A_738 = arith.cmpi ne, %rem3A_736, %ne3A_737 : i32
    %lt3A_739 = arith.constant 0 : i32
    %lt3A_740 = arith.cmpi slt, %rem3A_736, %lt3A_739 : i32
    %lt3A_741 = arith.constant 0 : i32
    %lt3A_742 = arith.cmpi slt, %select_n3A_735, %lt3A_741 : i32
    %ne3A_743 = arith.xori %lt3A_740, %lt3A_742 : i1
    %and3A_744 = arith.andi %ne3A_743, %ne3A_738 : i1
    %add3A_745 = arith.addi %rem3A_736, %select_n3A_735 : i32
    %select_n3A_746 = arith.select %and3A_744, %add3A_745, %rem3A_736 : i32
    %dma_wait3A_747 = arith.constant 0 : i32
    %dma_wait3A_748 = arith.constant 0 : i32
    %dma_wait3A_749 = arith.constant 0 : i32
    %dma_wait3A_750 = tpu.memref_slice %arg16[%dma_wait3A_747, %dma_wait3A_748, %dma_wait3A_749] : memref<8x8x129xf32, #tpu.memory_space<vmem>> -> memref<8x8x128xf32, #tpu.memory_space<vmem>>
    %dma_wait3A_751 = arith.constant 0 : i32
    %dma_wait3A_752 = arith.constant 0 : i32
    %dma_wait3A_753 = arith.constant 0 : i32
    %dma_wait3A_754 = tpu.memref_slice %arg5[%select_n3A_730, %dma_wait3A_751, %select_n3A_746, %dma_wait3A_752, %dma_wait3A_753] : memref<200x8x32x8x128xf32, #tpu.memory_space<hbm>> -> memref<1x8x1x8x128xf32, #tpu.memory_space<hbm>>
    %dma_wait3A_755 = tpu.memref_squeeze %dma_wait3A_754 : memref<1x8x1x8x128xf32, #tpu.memory_space<hbm>> -> memref<8x8x128xf32, #tpu.memory_space<hbm>>
    %dma_wait3A_756 = arith.constant 0 : i32
    %dma_wait3A_757 = arith.constant 0 : i32
    %dma_wait3A_758 = arith.constant 0 : i32
    %dma_wait3A_759 = tpu.memref_slice %arg5[%select_n3A_730, %dma_wait3A_756, %select_n3A_746, %dma_wait3A_757, %dma_wait3A_758] : memref<200x8x32x8x128xf32, #tpu.memory_space<hbm>> -> memref<1x8x1x8x128xf32, #tpu.memory_space<hbm>>
    %dma_wait3A_760 = tpu.memref_squeeze %dma_wait3A_759 : memref<1x8x1x8x128xf32, #tpu.memory_space<hbm>> -> memref<8x8x128xf32, #tpu.memory_space<hbm>>
    %dma_wait3A_761 = arith.constant 0 : i32
    %dma_wait3A_762 = arith.constant 0 : i32
    %dma_wait3A_763 = arith.constant 0 : i32
    %dma_wait3A_764 = tpu.memref_slice %arg16[%dma_wait3A_761, %dma_wait3A_762, %dma_wait3A_763] : memref<8x8x129xf32, #tpu.memory_space<vmem>> -> memref<8x8x128xf32, #tpu.memory_space<vmem>>
    tpu.wait_dma2 semaphore(%arg29 : memref<!tpu.dma_semaphore, #tpu.memory_space<semaphore_mem>>) src(%dma_wait3A_764 : memref<8x8x128xf32, #tpu.memory_space<vmem>>) dst(%dma_wait3A_760 : memref<8x8x128xf32, #tpu.memory_space<hbm>>)
    %add3A_765 = arith.constant 199 : i32
    %add3A_766 = arith.addi %mul3A_2, %add3A_765 : i32
    %jit3A_767 = arith.constant 32 : i32
    %div3A_768 = arith.divsi %add3A_766, %jit3A_767 : i32
    %sign3A_769 = arith.constant 0 : i32
    %sign3A_770 = arith.cmpi sgt, %add3A_766, %sign3A_769 : i32
    %sign3A_771 = arith.extui %sign3A_770 : i1 to i32
    %sign3A_772 = arith.constant 0 : i32
    %sign3A_773 = arith.cmpi slt, %add3A_766, %sign3A_772 : i32
    %sign3A_774 = arith.extui %sign3A_773 : i1 to i32
    %sign3A_775 = arith.subi %sign3A_771, %sign3A_774 : i32
    %sign3A_776 = arith.constant 0 : i32
    %sign3A_777 = arith.cmpi sgt, %jit3A_767, %sign3A_776 : i32
    %sign3A_778 = arith.extui %sign3A_777 : i1 to i32
    %sign3A_779 = arith.constant 0 : i32
    %sign3A_780 = arith.cmpi slt, %jit3A_767, %sign3A_779 : i32
    %sign3A_781 = arith.extui %sign3A_780 : i1 to i32
    %sign3A_782 = arith.subi %sign3A_778, %sign3A_781 : i32
    %ne3A_783 = arith.cmpi ne, %sign3A_775, %sign3A_782 : i32
    %rem3A_784 = arith.remsi %add3A_766, %jit3A_767 : i32
    %ne3A_785 = arith.constant 0 : i32
    %ne3A_786 = arith.cmpi ne, %rem3A_784, %ne3A_785 : i32
    %and3A_787 = arith.andi %ne3A_783, %ne3A_786 : i1
    %sub3A_788 = arith.constant 1 : i32
    %sub3A_789 = arith.subi %div3A_768, %sub3A_788 : i32
    %select_n3A_790 = arith.select %and3A_787, %sub3A_789, %div3A_768 : i32
    %jit3A_791 = arith.constant 32 : i32
    %eq3A_792 = arith.constant 0 : i32
    %eq3A_793 = arith.cmpi eq, %jit3A_791, %eq3A_792 : i32
    %jit3A_794 = arith.constant 1 : i32
    %select_n3A_795 = arith.select %eq3A_793, %jit3A_794, %jit3A_791 : i32
    %rem3A_796 = arith.remsi %add3A_766, %select_n3A_795 : i32
    %ne3A_797 = arith.constant 0 : i32
    %ne3A_798 = arith.cmpi ne, %rem3A_796, %ne3A_797 : i32
    %lt3A_799 = arith.constant 0 : i32
    %lt3A_800 = arith.cmpi slt, %rem3A_796, %lt3A_799 : i32
    %lt3A_801 = arith.constant 0 : i32
    %lt3A_802 = arith.cmpi slt, %select_n3A_795, %lt3A_801 : i32
    %ne3A_803 = arith.xori %lt3A_800, %lt3A_802 : i1
    %and3A_804 = arith.andi %ne3A_803, %ne3A_798 : i1
    %add3A_805 = arith.addi %rem3A_796, %select_n3A_795 : i32
    %select_n3A_806 = arith.select %and3A_804, %add3A_805, %rem3A_796 : i32
    %dma_wait3A_807 = arith.constant 0 : i32
    %dma_wait3A_808 = arith.constant 0 : i32
    %dma_wait3A_809 = arith.constant 0 : i32
    %dma_wait3A_810 = tpu.memref_slice %arg17[%dma_wait3A_807, %dma_wait3A_808, %dma_wait3A_809] : memref<8x8x129xf32, #tpu.memory_space<vmem>> -> memref<8x8x128xf32, #tpu.memory_space<vmem>>
    %dma_wait3A_811 = arith.constant 0 : i32
    %dma_wait3A_812 = arith.constant 0 : i32
    %dma_wait3A_813 = arith.constant 0 : i32
    %dma_wait3A_814 = tpu.memref_slice %arg5[%select_n3A_790, %dma_wait3A_811, %select_n3A_806, %dma_wait3A_812, %dma_wait3A_813] : memref<200x8x32x8x128xf32, #tpu.memory_space<hbm>> -> memref<1x8x1x8x128xf32, #tpu.memory_space<hbm>>
    %dma_wait3A_815 = tpu.memref_squeeze %dma_wait3A_814 : memref<1x8x1x8x128xf32, #tpu.memory_space<hbm>> -> memref<8x8x128xf32, #tpu.memory_space<hbm>>
    %dma_wait3A_816 = arith.constant 0 : i32
    %dma_wait3A_817 = arith.constant 0 : i32
    %dma_wait3A_818 = arith.constant 0 : i32
    %dma_wait3A_819 = tpu.memref_slice %arg5[%select_n3A_790, %dma_wait3A_816, %select_n3A_806, %dma_wait3A_817, %dma_wait3A_818] : memref<200x8x32x8x128xf32, #tpu.memory_space<hbm>> -> memref<1x8x1x8x128xf32, #tpu.memory_space<hbm>>
    %dma_wait3A_820 = tpu.memref_squeeze %dma_wait3A_819 : memref<1x8x1x8x128xf32, #tpu.memory_space<hbm>> -> memref<8x8x128xf32, #tpu.memory_space<hbm>>
    %dma_wait3A_821 = arith.constant 0 : i32
    %dma_wait3A_822 = arith.constant 0 : i32
    %dma_wait3A_823 = arith.constant 0 : i32
    %dma_wait3A_824 = tpu.memref_slice %arg17[%dma_wait3A_821, %dma_wait3A_822, %dma_wait3A_823] : memref<8x8x129xf32, #tpu.memory_space<vmem>> -> memref<8x8x128xf32, #tpu.memory_space<vmem>>
    tpu.wait_dma2 semaphore(%arg30 : memref<!tpu.dma_semaphore, #tpu.memory_space<semaphore_mem>>) src(%dma_wait3A_824 : memref<8x8x128xf32, #tpu.memory_space<vmem>>) dst(%dma_wait3A_820 : memref<8x8x128xf32, #tpu.memory_space<hbm>>)
    return
  }
}

</mosaic_0001>

<sc_bundles>
// kernel: kernel.3.cloned.1.call-start
scs
__scs_entry_jumppad:
0x0: {  	(pc) =	sbr.rel $0x88, $3  }
0x1: {  	(tag) =	ssettag $0x0;
	lr =	simm.s32 $0x1  }
0x2: {  	[smem:$0x3F9E] =	sst lr;
	_ =	strace $0xD0000000  }
0x3: {  	_ = 	snop  }
0x4: {  	_ = 	snop  }
0x5: {  	_ = 	snop  }
0x6: {  	_ = 	snop  }
0x7: {  	_ = 	snop  }
__scs_overlays_trampoline_lowered:
0x8: {  	[smem:$0x3FAD] =	sst s0  }
0x9: {  	[smem:$0x3FAE] =	sst s1  }
0xa: {  	[smem:$0x3FAF] =	sst s2  }
0xb: {  	[smem:$0x3FB0] =	sst s3  }
0xc: {  	[smem:$0x3FB1] =	sst s4  }
0xd: {  	[smem:$0x3FB2] =	sst s5  }
0xe: {  	[smem:$0x3FB3] =	sst s6  }
0xf: {  	[smem:$0x3FB4] =	sst s7  }
0x10: {  	[smem:$0x3FB5] =	sst s8  }
0x11: {  	[smem:$0x3FB6] =	sst s9;
	s0 =	simm.s32 @!p0 $0x0  }
0x12: {  	s1 =	sld [smem:$0x3F9C];
	s0 =	simm.s32 @p0 $0x1  }
0x13: {  	[smem:$0x3FB7] =	sst s0;
	s0 =	simm.s32 @!p1 $0x0  }
0x14: {  	s2 =	sld [smem:$0x3F9B];
	s0 =	simm.s32 @p1 $0x1  }
0x15: {  	[smem:$0x3FB8] =	sst s0;
	s0 =	simm.s32 @!p2 $0x0  }
0x16: {  	s3 =	sld [smem:$0x3FDB];
	s0 =	simm.s32 @p2 $0x1  }
0x17: {  	s4 =	simm.s32 $0x1BF5;
	[smem:$0x3FBA] =	sst s0  }
0x18: {  	s0 =	sld [smem:$0x3F9D];
	_ =	swait.ge [sflag:s4], $0x0  }
0x19: {  	s7 =	sld [smem:$0x3F9E]  }
0x1a: {  	s8 =	sadd.s32 $0xFFFFE003, lr  }
0x1b: {  	s9 =	sadd.s32 $0xFFFFFEF7, lr;
	s5 =	simm.s32 $0xFFFFFFFF;
	p2 =	slt.u32 s8, $0xFFFFF086  }
0x1c: {  	p1 =	slt.u32 s9, $0xF7A;
	s5 =	simm.s32 @!p2 $0x0  }
0x1d: {  	s5 =	simm.s32 @p1 $0x1;
	p0 =	seq.s32 s7, s2  }
0x1e: {  	s7 =	smul.u32 @!p0 $0xF7A, s2;
	p2 =	seq.s32 @!p0 s5, $0x0  }
0x1f: {  	s9 =	smul.u32 $0xF7A, s1;
	s8 =	simm.s32 @!p0 $0x1BF5;
	p2 =	por !p2, p0  }
0x20: {  	[sflag:s8] =	ssyncset.s32 @!p0 $0xFFFFF086;
	s6 =	sadd.s32 @!p0 s3, s7;
	s7 =	simm.s32 @!p0 $0x108  }
0x21: {  	s3 =	sadd.s32 s3, s9;
	s6 =	sadd.s32 @!p0 $0x88, s6;
	s7 =	simm.s32 @p2 $0x1082  }
0x22: {  	[simem:s7], [sflag:s8] =	dma.local @!p0 [hbm:s6], $0xF7A  }
0x23: {  	s9 =	sor.u32 $0xD0000000, s2;
	s6 =	simm.s32 $0x108;
	_ =	swait.ge @!p0 [sflag:s8], $0x0  }
0x24: {  	s3 =	sadd.s32 $0x88, s3;
	s6 =	simm.s32 @!p1 $0x1082;
	[sflag:s4] =	ssyncset.s32 $0xFFFFF086  }
0x25: {  	[simem:s6], [sflag:s4] =	dma.local [hbm:s3], $0xF7A  }
0x26: {  	[smem:$0x3F9E] =	sst s1;
	(tag) =	ssettag s2;
	_ =	strace s9  }
0x27: {  	s1 =	sld [smem:$0x3FAE]  }
0x28: {  	s2 =	sld [smem:$0x3FAF]  }
0x29: {  	s4 =	sld [smem:$0x3FB1]  }
0x2a: {  	p0 =	seq.s32 s5, $0x0;
	s5 =	sld [smem:$0x3FB2]  }
0x2b: {  	s6 =	sld [smem:$0x3FB3]  }
0x2c: {  	s7 =	sld [smem:$0x3FB4]  }
0x2d: {  	s3 =	simm.s32 $0x108;
	s8 =	sld [smem:$0x3FB5]  }
0x2e: {  	s3 =	simm.s32 @!p0 $0x1082;
	s9 =	sld [smem:$0x3FB6]  }
0x2f: {  	lr =	sadd.s32 s0, s3;
	s0 =	sld [smem:$0x3FAD]  }
0x30: {  	s3 =	sld [smem:$0x3FB0]  }
0x31: {  	[smem:$0x3FB9] =	sst s10  }
0x32: {  	s10 =	sld [smem:$0x3FB7];
	_ =	sdelay $0x3  }
0x33: {  	p0 =	seq.s32 s10, $0x1;
	s10 =	sld [smem:$0x3FB9];
	_ =	sdelay $0x3  }
0x34: {  	[smem:$0x3FB9] =	sst s10  }
0x35: {  	s10 =	sld [smem:$0x3FB8];
	_ =	sdelay $0x3  }
0x36: {  	p1 =	seq.s32 s10, $0x1;
	s10 =	sld [smem:$0x3FB9];
	_ =	sdelay $0x3  }
0x37: {  	[smem:$0x3FB9] =	sst s10  }
0x38: {  	s10 =	sld [smem:$0x3FBA]  }
0x39: {  	_ = 	snop;
	(pc) =	sbr.ind lr, $3  }
0x3a: {  	_ = 	snop  }
0x3b: {  	_ = 	snop  }
0x3c: {  	p2 =	seq.s32 s10, $0x1;
	s10 =	sld [smem:$0x3FB9]  }
0x3d: {  	_ =	shalt  }
0x3e: {  	_ =	shalt  }
0x3f: {  	_ =	shalt  }
0x40: {  	_ =	shalt  }
0x41: {  	_ =	shalt  }
0x42: {  	_ =	shalt  }
0x43: {  	_ =	shalt  }
0x44: {  	_ =	shalt  }
0x45: {  	_ =	shalt  }
0x46: {  	_ =	shalt  }
0x47: {  	_ =	shalt  }
0x48: {  	_ =	shalt  }
0x49: {  	_ =	shalt  }
0x4a: {  	_ =	shalt  }
0x4b: {  	_ =	shalt  }
0x4c: {  	_ =	shalt  }
0x4d: {  	_ =	shalt  }
0x4e: {  	_ =	shalt  }
0x4f: {  	_ =	shalt  }
0x50: {  	_ =	shalt  }
0x51: {  	_ =	shalt  }
0x52: {  	_ =	shalt  }
0x53: {  	_ =	shalt  }
0x54: {  	_ =	shalt  }
0x55: {  	_ =	shalt  }
0x56: {  	_ =	shalt  }
0x57: {  	_ =	shalt  }
0x58: {  	_ =	shalt  }
0x59: {  	_ =	shalt  }
0x5a: {  	_ =	shalt  }
0x5b: {  	_ =	shalt  }
0x5c: {  	_ =	shalt  }
0x5d: {  	_ =	shalt  }
0x5e: {  	_ =	shalt  }
0x5f: {  	_ =	shalt  }
0x60: {  	_ =	shalt  }
0x61: {  	_ =	shalt  }
0x62: {  	_ =	shalt  }
0x63: {  	_ =	shalt  }
0x64: {  	_ =	shalt  }
0x65: {  	_ =	shalt  }
0x66: {  	_ =	shalt  }
0x67: {  	_ =	shalt  }
0x68: {  	_ =	shalt  }
0x69: {  	_ =	shalt  }
0x6a: {  	_ =	shalt  }
0x6b: {  	_ =	shalt  }
0x6c: {  	_ =	shalt  }
0x6d: {  	_ =	shalt  }
0x6e: {  	_ =	shalt  }
0x6f: {  	_ =	shalt  }
0x70: {  	_ =	shalt  }
0x71: {  	_ =	shalt  }
0x72: {  	_ =	shalt  }
0x73: {  	_ =	shalt  }
0x74: {  	_ =	shalt  }
0x75: {  	_ =	shalt  }
0x76: {  	_ =	shalt  }
0x77: {  	_ =	shalt  }
0x78: {  	_ =	shalt  }
0x79: {  	_ =	shalt  }
0x7a: {  	_ =	shalt  }
0x7b: {  	_ =	shalt  }
0x7c: {  	_ =	shalt  }
0x7d: {  	_ =	shalt  }
0x7e: {  	_ =	shalt  }
0x7f: {  	_ =	shalt  }
0x80: {  	_ =	shalt  }
0x81: {  	_ =	shalt  }
0x82: {  	_ =	shalt  }
0x83: {  	_ =	shalt  }
0x84: {  	_ =	shalt  }
0x85: {  	_ =	shalt  }
0x86: {  	_ =	shalt  }
0x87: {  	_ =	shalt  }
.Lfunc_end0:
.L_simem_size_0:
called_computation_lowered:
.L_overlay_start_0:
0x88: {  	s2 =	sld [smem:$0x3FD9]  }
0x89: {  	s3 =	sld [smem:$0x3FFE];
	_ =	sdelay $0x1  }
0x8a: {  	s1 =	srdreg.scid  }
0x8b: {  	s0 =	sand.u32 $0x1, s1  }
0x8c: {  	s17 =	sshll.u32 s0, $0xA;
	s2 =	sadd.s32 s3, s2  }
0x8d: {  	s2 =	sadd.s32 s2, s17  }
0x8e: {  	[smem:$0x3FC5] =	sst s2  }
0x8f: {  	_ = 	snop  }
0x90: {  	s2 =	sld [smem:$0x3FD0];
	(tm) =	ssettm $0x1  }
0x91: {  	s18 =	sld [smem:$0x3FFB];
	_ =	sdelay $0x3  }
0x92: {  	_ =	strace s18  }
0x93: {  	s3 =	sld [smem:$0x3FFC];
	_ =	sdelay $0x3  }
0x94: {  	_ =	strace s3  }
0x95: {  	s3 =	sld [smem:$0x3FFD];
	_ =	sdelay $0x3  }
0x96: {  	_ =	strace s3  }
0x97: {  	_ =	strace $0x8FFFFFFF  }
0x98: {  	s19 =	sld [smem:$0x3FDB];
	_ =	sdelay $0x1  }
0x99: {  	s4 =	simm.s32 $_scs_section_size  }
0x9a: {  	s5 =	simm.s32 $_size__tile_overlayer_lowered;
	s6 =	simm.s32 $_tile_overlayer_lowered  }
0x9b: {  	s22 =	simm.s32 $0x1BFF;
	s21 =	sshll.u32 s6, $0x1;
	s3 =	sadd.s32 s4, s19  }
0x9c: {  	s7 =	simm.s32 $0x0;
	s20 =	sshll.u32 s5, $0x1;
	s5 =	sadd.s32 s21, s3  }
0x9d: {  	[timem:s7], [sflag:s22] =	dma.local [hbm:s5], s20  }
0x9e: {  	_ =	swait.ge [sflag:s22], s20  }
0x9f: {  	s4 =	ssub.s32 $0x0, s20;
	[sflag:s22] =	ssyncset.done $0x0  }
0xa0: {  	[sflag:s22] =	ssyncadd.s32 s4;
	_ =	sdelay $0x1  }
0xa1: {  	s23 =	simm.s32 $0x1B8B  }
0xa2: {  	_ =	swait.ge [sflag:s23], $0x1  }
0xa3: {  	[sflag:s23] =	ssyncset.done $0x0  }
0xa4: {  	s25 =	simm.s32 $0x1B8E;
	s24 =	sld [smem:$0x3FFE];
	[sflag:s23] =	ssyncadd.s32 $0xFFFFFFFF  }
0xa5: {  	s26 =	simm.s32 $execute0_lowered;
	[smem:$0x3FD2] =	sst s25  }
0xa6: {  	s5 =	sshll.u32 s26, $0x1;
	_ =	strace $0x80000046;
	[dreg:$0x1] =	wrdreg $0xFFFFFFFF  }
0xa7: {  	s28 =	simm.s32 $_size_execute0_lowered;
	s3 =	sadd.s32 s3, s5;
	[dreg:$0x0] =	wrdreg $0x0  }
0xa8: {  	s5 =	sshll.u32 s28, $0x1;
	[dreg:$0x2] =	wrdreg s3  }
0xa9: {  	[dreg:$0x3] =	wrdreg s5  }
0xaa: {  	[dreg:$0x4] =	wrdreg $0xC0  }
0xab: {  	_ =	task [dreg:s7], $0x5FFFF  }
0xac: {  	[dreg:$0x1] =	wrdreg $0xFFFFFFFF  }
0xad: {  	[dreg:$0x0] =	wrdreg $0x60  }
0xae: {  	[dreg:$0x2] =	wrdreg s24  }
0xaf: {  	[dreg:$0x3] =	wrdreg s2  }
0xb0: {  	[dreg:$0x4] =	wrdreg $0x9  }
0xb1: {  	_ =	task.clear_ibuf [dreg:s7], $0x5FFFF;
	_ =	strace $0x90000046  }
0xb2: {  	s29 =	simm.s32 $0x9;
	_ =	strace $0x80000048  }
0xb3: {  	_ =	swait.ge [sflag:s29], $0x1  }
0xb4: {  	[sflag:s29] =	ssyncadd.s32 $0xFFFFFFFF  }
0xb5: {  	_ =	strace $0x90000048  }
0xb6: {  	_ =	sfence  }
0xb7: {  	s30 =	sld [smem:$0x0];
	_ =	sdelay $0x2  }
0xb8: {  	s31 =	sshll.u32 s1, $0xD;
	s1 =	sshrl.u32 s1, $0x2  }
0xb9: {  	s3 =	sand.u32 $0x4000, s31;
	s1 =	sadd.s32 s1, s30  }
0xba: {  	s0 =	sor.u32 s3, s0;
	s1 =	sshll.u32 s1, $0x11  }
0xbb: {  	s0 =	sor.u32 s1, s0  }
0xbc: {  	s0 =	sadd.s32 $0x8F2B, s0  }
0xbd: {  	[sflag:s0] =	ssyncadd.remote.s32 $0x1  }
0xbe: {  	_ =	sfence.sel $0xFFFF  }
0xbf: {  	[dreg:$0x0] =	wrdreg $0xFFFFFFFF;
	(pc) =	sbr.abs _section_cstart, $3  }
0xc0: {  	[dreg:$0x1] =	wrdreg $0xFFFFFFFF  }
0xc1: {  	_ =	task.clear_ibuf [dreg:s7], $0x2FFFF;
	_ =	strace $0x9FFFFFFF  }
0xc2: {  	(tm) =	ssettm $0x7FFFFFFF  }
0xc3: {  	_ =	shalt  }
tec
execute0_lowered:
.L_overlay_start_1:
0x0: {  	(tag) =	ssettag $0x1  }
0x1: {  	s0 =	srdreg.scid;
	s2 =	stileid.u32  }
0x2: {  	s1 =	rddreg [dreg:$0x0];
	s19 =	simm.s32 $0x80;
	s21 =	simm.s32 $0x180  }
0x3: {  	s29 =	simm.s32 $0x4;
	s30 =	simm.s32 $0x6200;
	s31 =	simm.s32 $0x5  }
0x4: {  	s17 =	simm.s32 $0xC600;
	s9 =	simm.s32 $0x9;
	s10 =	simm.s32 $0x0  }
0x5: {  	s0 =	sand.u32 $0x1, s0;
	s3 =	sshll.u32 s2, $0x1;
	s2 =	rddreg [dreg:$0x1]  }
0x6: {  	s6 =	sor.u32 s0, s3;
	s3 =	simm.s32 $0x0;
	s0 =	ssub.s32 $0x2, s0  }
0x7: {  	s4 =	smul.u32 $0x6400, s6;
	[smem:$0x7FF] =	sst s3;
	s5 =	sshll.u32 s6, $0xA  }
0x8: {  	s24 =	sshrl.u32 s0, $0x1;
	_ =	strace $0x80000047;
	s8 =	sand.u32 $0xC00, s5  }
0x9: {  	s5 =	sadd.s32 $0x19C00, s1;
	s0 =	ssub.s32 s0, s24;
	s7 =	sand.u32 $0xFF000, s4  }
0xa: {  	s4 =	sadd.s32 $0xC00, s1;
	s1 =	sadd.s32 $0x400, s1;
	s7 =	sor.u32 s8, s7  }
0xb: {  	s0 =	smax.u32 s0, $0x1;
	[dreg:$0x3] =	wrdreg s1;
	s23 =	sshrl.u32 s7, $0x3  }
0xc: {  	[dreg:$0x9] =	wrdreg s0;
	s0 =	simm.s32 $0xA400;
	s1 =	sadd.s32 s4, s23  }
0xd: {  	s7 =	smul.u32 $0xC8, s6;
	s25 =	sadd.s32 $0x10, s1;
	[dreg:$0x4] =	wrdreg s1  }
0xe: {  	s6 =	simm.s32 $0xE800;
	s26 =	sadd.s32 $0x20, s1;
	[dreg:$0x5] =	wrdreg s25  }
0xf: {  	v0 =	vlaneseq.u32;
	s23 =	simm.s32 $0x8;
	s1 =	sadd.s32 $0x30, s1;
	[dreg:$0x6] =	wrdreg s26  }
0x10: {  	v0 =	vmul.u32 $0x88, v0;
	s12 =	sor.u32 $0x4, s7;
	s28 =	sor.u32 $0x7, s7;
	[dreg:$0x7] =	wrdreg s1  }
0x11: {  	s13 =	sor.u32 $0x5, s7;
	s14 =	sor.u32 $0x6, s7;
	[dreg:$0x8] =	wrdreg s28  }
0x12: {  	v1 =	vadd.s32 $0x880, v0;
	v2 =	vadd.s32 $0x1100, v0;
	v3 =	vadd.s32 $0x1980, v0;
	s26 =	simm.s32 $0x3;
	s1 =	simm.s32 $0x8200;
	s25 =	simm.s32 $0xC  }
.LBB2_1:
0x13: {  	[dreg:$0xa] =	wrdreg s10  }
0x14: {  	s8 =	rddreg [dreg:$0x3];
	s22 =	simm.s32 $0x10A00;
	s24 =	simm.s32 $0xD  }
0x15: {  	[tilespmem:s22], [sflag:$0xD] =	stream.linear.gather [hbm4b:s8+s3], $0x3200, $0x38;
	[tilespmem:$0x13C00] =	vst v63  }
0x16: {  	_ =	swait.ge [sflag:s24], $0x3200  }
0x17: {  	[sflag:s24] =	ssyncset.done $0x0  }
0x18: {  	s28 =	rddreg [dreg:$0x4];
	[sflag:s24] =	ssyncadd.s32 $0xFFFFCE00  }
0x19: {  	[tilespmem:s3], [sflag:$0x1] =	stream.linear.gather [hbm4b:s28+s3], $0x80, $0x38;
	[tilespmem:$0x13C00] =	vst v63  }
0x1a: {  	s10 =	rddreg [dreg:$0x5]  }
0x1b: {  	[tilespmem:s19], [sflag:$0x2] =	stream.linear.gather [hbm4b:s10+s3], $0x80, $0x38;
	[tilespmem:$0x13C00] =	vst v63  }
0x1c: {  	s15 =	simm.s32 $0x100;
	s11 =	rddreg [dreg:$0x6]  }
0x1d: {  	[tilespmem:s15], [sflag:$0x3] =	stream.linear.gather [hbm4b:s11+s3], $0x80, $0x38;
	[tilespmem:$0x13C00] =	vst v63  }
0x1e: {  	s18 =	simm.s32 $0x1;
	s16 =	rddreg [dreg:$0x7]  }
0x1f: {  	[tilespmem:s21], [sflag:$0x4] =	stream.linear.gather [hbm4b:s16+s3], $0x80, $0x38;
	[tilespmem:$0x13C00] =	vst v63  }
0x20: {  	_ =	swait.ge [sflag:s18], $0x80  }
0x21: {  	[sflag:s18] =	ssyncset.done $0x0  }
0x22: {  	s20 =	simm.s32 $0x200;
	s22 =	simm.s32 $0x2;
	[sflag:s18] =	ssyncadd.s32 $0xFFFFFF80  }
0x23: {  	[tilespmem:s20], [sflag:$0x5] =	stream.indirect.gather [hbm4b:s5+s19], $0x40, s3, s19, $0xb8;
	[tilespmem:$0x13C00] =	vst v63  }
0x24: {  	_ =	swait.ge [sflag:s22], $0x80  }
0x25: {  	[sflag:s22] =	ssyncset.done $0x0  }
0x26: {  	s24 =	simm.s32 $0x2200;
	[sflag:s22] =	ssyncadd.s32 $0xFFFFFF80  }
0x27: {  	[tilespmem:s24], [sflag:$0x6] =	stream.indirect.gather [hbm4b:s5+s19], $0x40, s19, s19, $0xb8;
	[tilespmem:$0x13C00] =	vst v63  }
0x28: {  	_ =	swait.ge [sflag:s26], $0x80  }
0x29: {  	[sflag:s26] =	ssyncset.done $0x0  }
0x2a: {  	s8 =	simm.s32 $0x0;
	s28 =	simm.s32 $0x4200;
	[sflag:s26] =	ssyncadd.s32 $0xFFFFFF80  }
0x2b: {  	[tilespmem:s28], [sflag:$0x7] =	stream.indirect.gather [hbm4b:s5+s19], $0x40, s15, s19, $0xb8;
	[tilespmem:$0x13C00] =	vst v63  }
.LBB2_2:
0x2c: {  	_ =	swait.ge [sflag:s29], $0x80;
	p0 =	seq.s32 s8, $0x31  }
0x2d: {  	[sflag:s29] =	ssyncset.done $0x0;
	p1 =	seq.s32 @!p0 s8, $0x0  }
0x2e: {  	s18 =	sshll.u32 s8, $0x2;
	[sflag:s29] =	ssyncadd.s32 $0xFFFFFF80;
	p1 =	por p0, !p1  }
0x2f: {  	[tilespmem:s30], [sflag:$0x8] =	stream.indirect.gather [hbm4b:s5+s19], $0x40, s21, s19, $0xb8;
	[tilespmem:$0x13C00] =	vst v63  }
.Ltmp0:
0x30: {  	s10 =	sadd.s32 @!p0 s18, s12;
	(pc) =	sbr.rel @!p1 .LBB2_3-.Ltmp0, $4  }
0x31: {  	s10 =	sshll.u32 @!p0 s10, $0x4;
	_ =	swait.ge [sflag:s31], $0x2000  }
0x32: {  	s10 =	sand.u32 @!p0 $0xFFFFFC0, s10;
	[sflag:s31] =	ssyncset.done $0x0  }
0x33: {  	s11 =	simm.s32 @!p0 $0x0;
	s10 =	sadd.s32 @!p0 s4, s10;
	[sflag:s31] =	ssyncadd.s32 $0xFFFFE000  }
0x34: {  	[tilespmem:s11], [sflag:$0x1] =	stream.linear.gather @!p0 [hbm4b:s10+s11], $0x80, $0x38;
	[tilespmem:$0x13C00] =	vst v63  }
.Ltmp1:
0x35: {  	(pc) =	sbr.rel .LBB2_5-.Ltmp1, $4  }
0x36: {  	_ = 	snop  }
0x37: {  	_ =	swait.ge [sflag:s9], $0x2000  }
0x38: {  	[sflag:s9] =	ssyncset.done $0x0  }
0x39: {  	p0 =	por $0x0, $0x0;
	[sflag:s9] =	ssyncadd.s32 $0xFFFFE000  }
.LBB2_3:
0x3a: {  	p0 =	por @!p0 $0x1, $0x1  }
.LBB2_5:
0x3b: {  	s24 =	sadd.s32 s7, s18  }
0x3c: {  	s10 =	sshll.u32 s24, $0x1  }
0x3d: {  	s11 =	sand.u32 $0x3FFFFFC0, s10  }
0x3e: {  	s16 =	simm.s32 $0x0;
	s10 =	simm.s32 $0x280;
	v4 =	vld [tilespmem:s11+$0x10A00]  }
0x3f: {  	v5 =	vmov s16;
	v7 =	vld [tilespmem:s10+$0xFFFFFF80]  }
0x40: {  	v8 =	vand.u32 $0x7C, v5  }
0x41: {  	v9 =	vadd.s32 v0, v8;
	_ =	sdelay $0x2  }
0x42: {  	v5 =	vld [tilespmem:s11+$0x10A10];
	v10 =	vadd.f32 v7, v4  }
0x43: {  	v6 =	vld [tilespmem:s11+$0x10A20]  }
0x44: {  	v7 =	vld [tilespmem:s11+$0x10A30];
	[tilespmem:v9+s1+$0x0] =	vst.idx.msk $0xffff, v10  }
0x45: {  	v9 =	vld [tilespmem:s10+$0xFFFFFF90];
	_ =	sdelay $0x1  }
0x46: {  	v10 =	vadd.s32 v1, v8;
	_ =	sdelay $0x2  }
0x47: {  	v9 =	vadd.f32 v9, v5;
	_ =	sdelay $0x1  }
0x48: {  	[tilespmem:v10+s1+$0x0] =	vst.idx.msk $0xffff, v9  }
0x49: {  	v9 =	vld [tilespmem:s10+$0xFFFFFFA0];
	_ =	sdelay $0x1  }
0x4a: {  	v10 =	vadd.s32 v2, v8;
	_ =	sdelay $0x2  }
0x4b: {  	v9 =	vadd.f32 v9, v6;
	_ =	sdelay $0x1  }
0x4c: {  	[tilespmem:v10+s1+$0x0] =	vst.idx.msk $0xffff, v9  }
0x4d: {  	v9 =	vld [tilespmem:s10+$0xFFFFFFB0];
	_ =	sdelay $0x1  }
0x4e: {  	v8 =	vadd.s32 v3, v8;
	_ =	sdelay $0x2  }
0x4f: {  	v9 =	vadd.f32 v9, v7;
	_ =	sdelay $0x1  }
0x50: {  	s20 =	simm.s32 $0x1;
	[tilespmem:v8+s1+$0x0] =	vst.idx.msk $0xffff, v9  }
0x51: {  	v8 =	vmov s20;
	v9 =	vld [tilespmem:s10+$0xFFFFFFC0]  }
0x52: {  	v8 =	vand.u32 $0x7D, v8  }
0x53: {  	v10 =	vadd.s32 v0, v8;
	_ =	sdelay $0x2  }
0x54: {  	v9 =	vadd.f32 v9, v4;
	_ =	sdelay $0x1  }
0x55: {  	[tilespmem:v10+s1+$0x0] =	vst.idx.msk $0xffff, v9  }
0x56: {  	v9 =	vld [tilespmem:s10+$0xFFFFFFD0];
	_ =	sdelay $0x1  }
0x57: {  	v10 =	vadd.s32 v1, v8;
	_ =	sdelay $0x2  }
0x58: {  	v9 =	vadd.f32 v9, v5;
	_ =	sdelay $0x1  }
0x59: {  	[tilespmem:v10+s1+$0x0] =	vst.idx.msk $0xffff, v9  }
0x5a: {  	v9 =	vld [tilespmem:s10+$0xFFFFFFE0];
	_ =	sdelay $0x1  }
0x5b: {  	v10 =	vadd.s32 v2, v8;
	_ =	sdelay $0x2  }
0x5c: {  	v9 =	vadd.f32 v9, v6;
	_ =	sdelay $0x1  }
0x5d: {  	[tilespmem:v10+s1+$0x0] =	vst.idx.msk $0xffff, v9  }
0x5e: {  	v9 =	vld [tilespmem:s10+$0xFFFFFFF0];
	_ =	sdelay $0x1  }
0x5f: {  	v8 =	vadd.s32 v3, v8;
	_ =	sdelay $0x2  }
0x60: {  	v9 =	vadd.f32 v9, v7;
	_ =	sdelay $0x1  }
0x61: {  	s22 =	simm.s32 $0x2;
	[tilespmem:v8+s1+$0x0] =	vst.idx.msk $0xffff, v9  }
0x62: {  	v8 =	vmov s22;
	v9 =	vld [tilespmem:s10+$0x0]  }
0x63: {  	v8 =	vand.u32 $0x7E, v8  }
0x64: {  	v10 =	vadd.s32 v0, v8;
	_ =	sdelay $0x2  }
0x65: {  	v9 =	vadd.f32 v9, v4;
	_ =	sdelay $0x1  }
0x66: {  	[tilespmem:v10+s1+$0x0] =	vst.idx.msk $0xffff, v9  }
0x67: {  	v9 =	vld [tilespmem:s10+$0x10];
	_ =	sdelay $0x1  }
0x68: {  	v10 =	vadd.s32 v1, v8;
	_ =	sdelay $0x2  }
0x69: {  	v9 =	vadd.f32 v9, v5;
	_ =	sdelay $0x1  }
0x6a: {  	[tilespmem:v10+s1+$0x0] =	vst.idx.msk $0xffff, v9  }
0x6b: {  	v9 =	vld [tilespmem:s10+$0x20];
	_ =	sdelay $0x1  }
0x6c: {  	v10 =	vadd.s32 v2, v8;
	_ =	sdelay $0x2  }
0x6d: {  	v9 =	vadd.f32 v9, v6;
	_ =	sdelay $0x1  }
0x6e: {  	[tilespmem:v10+s1+$0x0] =	vst.idx.msk $0xffff, v9  }
0x6f: {  	v9 =	vld [tilespmem:s10+$0x30];
	_ =	sdelay $0x1  }
0x70: {  	v8 =	vadd.s32 v3, v8;
	_ =	sdelay $0x2  }
0x71: {  	v9 =	vadd.f32 v9, v7;
	_ =	sdelay $0x1  }
0x72: {  	s28 =	simm.s32 $0x3;
	[tilespmem:v8+s1+$0x0] =	vst.idx.msk $0xffff, v9  }
0x73: {  	v8 =	vmov s28;
	v9 =	vld [tilespmem:s10+$0x40]  }
0x74: {  	v8 =	vand.u32 $0x7F, v8  }
0x75: {  	v10 =	vadd.s32 v0, v8;
	_ =	sdelay $0x2  }
0x76: {  	v9 =	vadd.f32 v9, v4;
	_ =	sdelay $0x1  }
0x77: {  	[tilespmem:v10+s1+$0x0] =	vst.idx.msk $0xffff, v9  }
0x78: {  	v9 =	vld [tilespmem:s10+$0x50];
	_ =	sdelay $0x1  }
0x79: {  	v10 =	vadd.s32 v1, v8;
	_ =	sdelay $0x2  }
0x7a: {  	v9 =	vadd.f32 v9, v5;
	_ =	sdelay $0x1  }
0x7b: {  	[tilespmem:v10+s1+$0x0] =	vst.idx.msk $0xffff, v9  }
0x7c: {  	v9 =	vld [tilespmem:s10+$0x60];
	_ =	sdelay $0x1  }
0x7d: {  	v10 =	vadd.s32 v2, v8;
	_ =	sdelay $0x2  }
0x7e: {  	v9 =	vadd.f32 v9, v6;
	_ =	sdelay $0x1  }
0x7f: {  	[tilespmem:v10+s1+$0x0] =	vst.idx.msk $0xffff, v9  }
0x80: {  	v9 =	vld [tilespmem:s10+$0x70];
	_ =	sdelay $0x1  }
0x81: {  	v8 =	vadd.s32 v3, v8;
	_ =	sdelay $0x2  }
0x82: {  	s16 =	simm.s32 $0x4;
	s11 =	sshrl.u32 s24, $0x5;
	s22 =	sshllo.u32 s8, $0x2;
	v9 =	vadd.f32 v9, v7  }
.LBB2_6:
0x83: {  	p1 =	sne.s32 s16, $0x7C  }
0x84: {  	s10 =	sadd.s32 $0x100, s10;
	s28 =	smov.u32 s16;
	s16 =	sadd.s32 $0x4, s16;
	[tilespmem:v8+s1+$0x0] =	vst.idx.msk $0xffff, v9  }
0x85: {  	v8 =	vmov s28;
	v9 =	vld [tilespmem:s10+$0xFFFFFF80]  }
0x86: {  	v8 =	vand.u32 $0x7C, v8  }
0x87: {  	v10 =	vadd.s32 v0, v8;
	_ =	sdelay $0x2  }
0x88: {  	v9 =	vadd.f32 v9, v4;
	_ =	sdelay $0x1  }
0x89: {  	[tilespmem:v10+s1+$0x0] =	vst.idx.msk $0xffff, v9  }
0x8a: {  	v9 =	vld [tilespmem:s10+$0xFFFFFF90];
	_ =	sdelay $0x1  }
0x8b: {  	v10 =	vadd.s32 v1, v8;
	_ =	sdelay $0x2  }
0x8c: {  	v9 =	vadd.f32 v9, v5;
	_ =	sdelay $0x1  }
0x8d: {  	[tilespmem:v10+s1+$0x0] =	vst.idx.msk $0xffff, v9  }
0x8e: {  	v9 =	vld [tilespmem:s10+$0xFFFFFFA0];
	_ =	sdelay $0x1  }
0x8f: {  	v10 =	vadd.s32 v2, v8;
	_ =	sdelay $0x2  }
0x90: {  	v9 =	vadd.f32 v9, v6;
	_ =	sdelay $0x1  }
0x91: {  	[tilespmem:v10+s1+$0x0] =	vst.idx.msk $0xffff, v9  }
0x92: {  	v9 =	vld [tilespmem:s10+$0xFFFFFFB0];
	_ =	sdelay $0x1  }
0x93: {  	v8 =	vadd.s32 v3, v8;
	_ =	sdelay $0x2  }
0x94: {  	v9 =	vadd.f32 v9, v7;
	_ =	sdelay $0x1  }
0x95: {  	s20 =	sadd.s32 $0x1, s28;
	[tilespmem:v8+s1+$0x0] =	vst.idx.msk $0xffff, v9  }
0x96: {  	v8 =	vmov s20;
	v9 =	vld [tilespmem:s10+$0xFFFFFFC0]  }
0x97: {  	v8 =	vand.u32 $0x7D, v8  }
0x98: {  	v10 =	vadd.s32 v0, v8;
	_ =	sdelay $0x2  }
0x99: {  	v9 =	vadd.f32 v9, v4;
	_ =	sdelay $0x1  }
0x9a: {  	[tilespmem:v10+s1+$0x0] =	vst.idx.msk $0xffff, v9  }
0x9b: {  	v9 =	vld [tilespmem:s10+$0xFFFFFFD0];
	_ =	sdelay $0x1  }
0x9c: {  	v10 =	vadd.s32 v1, v8;
	_ =	sdelay $0x2  }
0x9d: {  	v9 =	vadd.f32 v9, v5;
	_ =	sdelay $0x1  }
0x9e: {  	[tilespmem:v10+s1+$0x0] =	vst.idx.msk $0xffff, v9  }
0x9f: {  	v9 =	vld [tilespmem:s10+$0xFFFFFFE0];
	_ =	sdelay $0x1  }
0xa0: {  	v10 =	vadd.s32 v2, v8;
	_ =	sdelay $0x2  }
0xa1: {  	v9 =	vadd.f32 v9, v6;
	_ =	sdelay $0x1  }
0xa2: {  	[tilespmem:v10+s1+$0x0] =	vst.idx.msk $0xffff, v9  }
0xa3: {  	v9 =	vld [tilespmem:s10+$0xFFFFFFF0];
	_ =	sdelay $0x1  }
0xa4: {  	v8 =	vadd.s32 v3, v8;
	_ =	sdelay $0x2  }
0xa5: {  	v9 =	vadd.f32 v9, v7;
	_ =	sdelay $0x1  }
0xa6: {  	s20 =	sadd.s32 $0x2, s28;
	[tilespmem:v8+s1+$0x0] =	vst.idx.msk $0xffff, v9  }
0xa7: {  	v8 =	vmov s20;
	v9 =	vld [tilespmem:s10+$0x0]  }
0xa8: {  	v8 =	vand.u32 $0x7E, v8  }
0xa9: {  	v10 =	vadd.s32 v0, v8;
	_ =	sdelay $0x2  }
0xaa: {  	v9 =	vadd.f32 v9, v4;
	_ =	sdelay $0x1  }
0xab: {  	[tilespmem:v10+s1+$0x0] =	vst.idx.msk $0xffff, v9  }
0xac: {  	v9 =	vld [tilespmem:s10+$0x10];
	_ =	sdelay $0x1  }
0xad: {  	v10 =	vadd.s32 v1, v8;
	_ =	sdelay $0x2  }
0xae: {  	v9 =	vadd.f32 v9, v5;
	_ =	sdelay $0x1  }
0xaf: {  	[tilespmem:v10+s1+$0x0] =	vst.idx.msk $0xffff, v9  }
0xb0: {  	v9 =	vld [tilespmem:s10+$0x20];
	_ =	sdelay $0x1  }
0xb1: {  	v10 =	vadd.s32 v2, v8;
	_ =	sdelay $0x2  }
0xb2: {  	v9 =	vadd.f32 v9, v6;
	_ =	sdelay $0x1  }
0xb3: {  	[tilespmem:v10+s1+$0x0] =	vst.idx.msk $0xffff, v9  }
0xb4: {  	v9 =	vld [tilespmem:s10+$0x30];
	_ =	sdelay $0x1  }
0xb5: {  	v8 =	vadd.s32 v3, v8;
	_ =	sdelay $0x2  }
0xb6: {  	v9 =	vadd.f32 v9, v7;
	_ =	sdelay $0x1  }
0xb7: {  	s20 =	sadd.s32 $0x3, s28;
	[tilespmem:v8+s1+$0x0] =	vst.idx.msk $0xffff, v9  }
0xb8: {  	v8 =	vmov s20;
	v9 =	vld [tilespmem:s10+$0x40]  }
0xb9: {  	v8 =	vand.u32 $0x7F, v8  }
0xba: {  	v10 =	vadd.s32 v0, v8;
	_ =	sdelay $0x2  }
0xbb: {  	v9 =	vadd.f32 v9, v4;
	_ =	sdelay $0x1  }
0xbc: {  	[tilespmem:v10+s1+$0x0] =	vst.idx.msk $0xffff, v9  }
0xbd: {  	v9 =	vld [tilespmem:s10+$0x50];
	_ =	sdelay $0x1  }
0xbe: {  	v10 =	vadd.s32 v1, v8;
	_ =	sdelay $0x2  }
0xbf: {  	v9 =	vadd.f32 v9, v5;
	_ =	sdelay $0x1  }
0xc0: {  	[tilespmem:v10+s1+$0x0] =	vst.idx.msk $0xffff, v9  }
0xc1: {  	v9 =	vld [tilespmem:s10+$0x60];
	_ =	sdelay $0x1  }
0xc2: {  	v10 =	vadd.s32 v2, v8;
	_ =	sdelay $0x2  }
0xc3: {  	v9 =	vadd.f32 v9, v6;
	_ =	sdelay $0x1  }
0xc4: {  	[tilespmem:v10+s1+$0x0] =	vst.idx.msk $0xffff, v9  }
0xc5: {  	v9 =	vld [tilespmem:s10+$0x70]  }
.Ltmp2:
0xc6: {  	(pc) =	sbr.rel @p1 .LBB2_6-.Ltmp2, $2  }
0xc7: {  	v8 =	vadd.s32 v3, v8;
	_ =	sdelay $0x2  }
0xc8: {  	v9 =	vadd.f32 v9, v7  }
0xc9: {  	_ = 	snop  }
0xca: {  	s10 =	sshll.u32 s24, $0x7  }
0xcb: {  	s10 =	sand.u32 $0xE00, s10  }
0xcc: {  	s11 =	sshll.u32 s11, $0xF;
	s10 =	sadd.s32 s2, s10  }
0xcd: {  	s24 =	simm.s32 $0x8200;
	[tilespmem:v8+s1+$0x0] =	vst.idx.msk $0xffff, v9;
	s11 =	sadd.s32 s11, s10  }
0xce: {  	[hbm4b:s11+s3] =	stream.linear.scatter [tilespmem:s24], [sflag:$0x9], $0x80, $0x38;
	[tilespmem:$0x13C00] =	vst v63  }
0xcf: {  	s15 =	simm.s32 $0x8288;
	s16 =	sadd.s32 $0x10, s11  }
0xd0: {  	[hbm4b:s16+s3] =	stream.linear.scatter [tilespmem:s15], [sflag:$0x9], $0x80, $0x38;
	[tilespmem:$0x13C00] =	vst v63  }
0xd1: {  	s20 =	sadd.s32 $0x20, s11;
	s16 =	simm.s32 $0x8310  }
0xd2: {  	[hbm4b:s20+s3] =	stream.linear.scatter [tilespmem:s16], [sflag:$0x9], $0x80, $0x38;
	[tilespmem:$0x13C00] =	vst v63  }
0xd3: {  	s24 =	simm.s32 $0x8398;
	s15 =	sadd.s32 $0x30, s11  }
0xd4: {  	[hbm4b:s15+s3] =	stream.linear.scatter [tilespmem:s24], [sflag:$0x9], $0x80, $0x38;
	[tilespmem:$0x13C00] =	vst v63  }
0xd5: {  	s16 =	simm.s32 $0x8420;
	s20 =	sadd.s32 $0x40, s11  }
0xd6: {  	[hbm4b:s20+s3] =	stream.linear.scatter [tilespmem:s16], [sflag:$0x9], $0x80, $0x38;
	[tilespmem:$0x13C00] =	vst v63  }
0xd7: {  	s10 =	simm.s32 $0x440;
	s24 =	simm.s32 $0x84A8;
	s15 =	sadd.s32 $0x50, s11  }
0xd8: {  	[hbm4b:s15+s3] =	stream.linear.scatter [tilespmem:s24], [sflag:$0x9], $0x80, $0x38;
	[tilespmem:$0x13C00] =	vst v63  }
0xd9: {  	s28 =	sadd.s32 $0x70, s11;
	s20 =	simm.s32 $0x8530;
	s24 =	sadd.s32 $0x60, s11  }
0xda: {  	[hbm4b:s24+s3] =	stream.linear.scatter [tilespmem:s20], [sflag:$0x9], $0x80, $0x38;
	[tilespmem:$0x13C00] =	vst v63  }
0xdb: {  	s16 =	simm.s32 $0x2200;
	s11 =	sadd.s32 $0x1000, s11;
	s24 =	simm.s32 $0x85B8  }
.LBB2_8:
0xdc: {  	[hbm4b:s28+s3] =	stream.linear.scatter [tilespmem:s24], [sflag:$0x9], $0x80, $0x38;
	[tilespmem:$0x13C00] =	vst v63  }
0xdd: {  	s20 =	smov.u32 s10;
	s10 =	smov.u32 s16  }
0xde: {  	s15 =	sadd.s32 $0x1100, s16;
	s10 =	sshra.s32 s10, $0x2;
	s24 =	sadd.s32 $0x8200, s20  }
0xdf: {  	[hbm4b:s11+s3] =	stream.linear.scatter [tilespmem:s24], [sflag:$0x9], $0x80, $0x38;
	[tilespmem:$0x13C00] =	vst v63  }
0xe0: {  	p1 =	sne.s32 s16, $0x7700;
	s16 =	sadd.s32 $0x8288, s20;
	s24 =	sadd.s32 $0x10, s11  }
0xe1: {  	[hbm4b:s24+s3] =	stream.linear.scatter [tilespmem:s16], [sflag:$0x9], $0x80, $0x38;
	[tilespmem:$0x13C00] =	vst v63  }
0xe2: {  	s16 =	sadd.s32 $0x8310, s20;
	s24 =	sadd.s32 $0x20, s11  }
0xe3: {  	[hbm4b:s24+s3] =	stream.linear.scatter [tilespmem:s16], [sflag:$0x9], $0x80, $0x38;
	[tilespmem:$0x13C00] =	vst v63  }
0xe4: {  	s16 =	sadd.s32 $0x8398, s20;
	s24 =	sadd.s32 $0x30, s11  }
0xe5: {  	[hbm4b:s24+s3] =	stream.linear.scatter [tilespmem:s16], [sflag:$0x9], $0x80, $0x38;
	[tilespmem:$0x13C00] =	vst v63  }
0xe6: {  	s16 =	sadd.s32 $0x8420, s20;
	s24 =	sadd.s32 $0x40, s11  }
0xe7: {  	[hbm4b:s24+s3] =	stream.linear.scatter [tilespmem:s16], [sflag:$0x9], $0x80, $0x38;
	[tilespmem:$0x13C00] =	vst v63  }
.Ltmp3:
0xe8: {  	s16 =	sadd.s32 $0x84A8, s20;
	s24 =	sadd.s32 $0x50, s11;
	(pc) =	sbr.rel @p1 .LBB2_8-.Ltmp3, $4  }
0xe9: {  	[hbm4b:s24+s3] =	stream.linear.scatter [tilespmem:s16], [sflag:$0x9], $0x80, $0x38;
	[tilespmem:$0x13C00] =	vst v63  }
0xea: {  	s28 =	sadd.s32 $0x70, s11;
	s16 =	sadd.s32 $0x8530, s20;
	s24 =	sadd.s32 $0x60, s11  }
0xeb: {  	[hbm4b:s24+s3] =	stream.linear.scatter [tilespmem:s16], [sflag:$0x9], $0x80, $0x38;
	[tilespmem:$0x13C00] =	vst v63  }
0xec: {  	s11 =	sadd.s32 $0x1000, s11;
	s24 =	sadd.s32 $0x85B8, s20;
	s16 =	smov.u32 s15  }
0xed: {  	[hbm4b:s28+s3] =	stream.linear.scatter [tilespmem:s24], [sflag:$0x9], $0x80, $0x38;
	[tilespmem:$0x13C00] =	vst v63  }
0xee: {  	s15 =	sadd.s32 $0x8200, s10  }
0xef: {  	[hbm4b:s11+s3] =	stream.linear.scatter [tilespmem:s15], [sflag:$0x9], $0x80, $0x38;
	[tilespmem:$0x13C00] =	vst v63  }
0xf0: {  	s20 =	sadd.s32 $0x8288, s10;
	s16 =	sadd.s32 $0x10, s11  }
0xf1: {  	[hbm4b:s16+s3] =	stream.linear.scatter [tilespmem:s20], [sflag:$0x9], $0x80, $0x38;
	[tilespmem:$0x13C00] =	vst v63  }
0xf2: {  	s24 =	sadd.s32 $0x8310, s10;
	s28 =	sadd.s32 $0x20, s11  }
0xf3: {  	[hbm4b:s28+s3] =	stream.linear.scatter [tilespmem:s24], [sflag:$0x9], $0x80, $0x38;
	[tilespmem:$0x13C00] =	vst v63  }
0xf4: {  	s16 =	sadd.s32 $0x8398, s10;
	s20 =	sadd.s32 $0x30, s11  }
0xf5: {  	[hbm4b:s20+s3] =	stream.linear.scatter [tilespmem:s16], [sflag:$0x9], $0x80, $0x38;
	[tilespmem:$0x13C00] =	vst v63  }
0xf6: {  	s24 =	sadd.s32 $0x8420, s10;
	s28 =	sadd.s32 $0x40, s11  }
0xf7: {  	[hbm4b:s28+s3] =	stream.linear.scatter [tilespmem:s24], [sflag:$0x9], $0x80, $0x38;
	[tilespmem:$0x13C00] =	vst v63  }
0xf8: {  	s16 =	sadd.s32 $0x84A8, s10;
	s20 =	sadd.s32 $0x50, s11  }
0xf9: {  	[hbm4b:s20+s3] =	stream.linear.scatter [tilespmem:s16], [sflag:$0x9], $0x80, $0x38;
	[tilespmem:$0x13C00] =	vst v63  }
0xfa: {  	p1 =	sne.s32 s8, $0x31;
	s24 =	sadd.s32 $0x8530, s10;
	s28 =	sadd.s32 $0x60, s11  }
0xfb: {  	[hbm4b:s28+s3] =	stream.linear.scatter [tilespmem:s24], [sflag:$0x9], $0x80, $0x38;
	[tilespmem:$0x13C00] =	vst v63  }
0xfc: {  	s16 =	sadd.s32 $0x85B8, s10;
	s20 =	sadd.s32 $0x70, s11;
	s10 =	simm.s32 @p1 $0x1  }
0xfd: {  	[hbm4b:s20+s3] =	stream.linear.scatter [tilespmem:s16], [sflag:$0x9], $0x80, $0x38;
	[tilespmem:$0x13C00] =	vst v63  }
0xfe: {  	_ =	swait.ge @p1 [sflag:s10], $0x80  }
0xff: {  	s15 =	simm.s32 @p1 $0x200;
	[sflag:s10] =	ssyncset.done @p1 $0x0  }
0x100: {  	s11 =	simm.s32 @p1 $0x0;
	[sflag:s10] =	ssyncadd.s32 @p1 $0xFFFFFF80;
	s10 =	simm.s32 @p1 $0x80  }
0x101: {  	[tilespmem:s15], [sflag:$0x5] =	stream.indirect.gather @p1 [hbm4b:s5+s10], $0x40, s11, s10, $0xb8;
	[tilespmem:$0x13C00] =	vst v63  }
0x102: {  	s16 =	sadd.s32 @p1 s18, s13;
	s15 =	simm.s32 @p1 $0x6  }
0x103: {  	s16 =	sshll.u32 @p1 s16, $0x4;
	_ =	swait.ge @p1 [sflag:s15], $0x2000  }
0x104: {  	s16 =	sand.u32 @p1 $0xFFFFFD0, s16;
	[sflag:s15] =	ssyncset.done @p1 $0x0  }
0x105: {  	[sflag:s15] =	ssyncadd.s32 @p1 $0xFFFFE000;
	s15 =	sadd.s32 @p1 s4, s16  }
0x106: {  	[tilespmem:s10], [sflag:$0x2] =	stream.linear.gather @p1 [hbm4b:s15+s11], $0x80, $0x38;
	[tilespmem:$0x13C00] =	vst v63  }
0x107: {  	s10 =	simm.s32 @!p1 $0x6  }
0x108: {  	_ =	swait.ge @!p1 [sflag:s10], $0x2000  }
0x109: {  	[sflag:s10] =	ssyncset.done @!p1 $0x0  }
0x10a: {  	s24 =	sor.u32 $0x1, s18;
	[sflag:s10] =	ssyncadd.s32 @!p1 $0xFFFFE000;
	s10 =	simm.s32 @!p0 $0xA  }
0x10b: {  	s24 =	sadd.s32 s7, s24;
	_ =	swait.ge @!p0 [sflag:s10], $0x2000  }
0x10c: {  	s11 =	sshll.u32 s24, $0x1;
	[sflag:s10] =	ssyncset.done @!p0 $0x0  }
0x10d: {  	s11 =	sand.u32 $0x3FFFFFC0, s11;
	[sflag:s10] =	ssyncadd.s32 @!p0 $0xFFFFE000  }
0x10e: {  	s28 =	simm.s32 $0x0;
	s10 =	simm.s32 $0x2280;
	v4 =	vld [tilespmem:s11+$0x10A00]  }
0x10f: {  	v5 =	vmov s28;
	v7 =	vld [tilespmem:s10+$0xFFFFFF80]  }
0x110: {  	v8 =	vand.u32 $0x7C, v5  }
0x111: {  	v9 =	vadd.s32 v0, v8;
	_ =	sdelay $0x2  }
0x112: {  	v5 =	vld [tilespmem:s11+$0x10A10];
	v10 =	vadd.f32 v7, v4  }
0x113: {  	v6 =	vld [tilespmem:s11+$0x10A20]  }
0x114: {  	v7 =	vld [tilespmem:s11+$0x10A30];
	[tilespmem:v9+s0+$0x0] =	vst.idx.msk $0xffff, v10  }
0x115: {  	v9 =	vld [tilespmem:s10+$0xFFFFFF90];
	_ =	sdelay $0x1  }
0x116: {  	v10 =	vadd.s32 v1, v8;
	_ =	sdelay $0x2  }
0x117: {  	v9 =	vadd.f32 v9, v5;
	_ =	sdelay $0x1  }
0x118: {  	[tilespmem:v10+s0+$0x0] =	vst.idx.msk $0xffff, v9  }
0x119: {  	v9 =	vld [tilespmem:s10+$0xFFFFFFA0];
	_ =	sdelay $0x1  }
0x11a: {  	v10 =	vadd.s32 v2, v8;
	_ =	sdelay $0x2  }
0x11b: {  	v9 =	vadd.f32 v9, v6;
	_ =	sdelay $0x1  }
0x11c: {  	[tilespmem:v10+s0+$0x0] =	vst.idx.msk $0xffff, v9  }
0x11d: {  	v9 =	vld [tilespmem:s10+$0xFFFFFFB0];
	_ =	sdelay $0x1  }
0x11e: {  	v8 =	vadd.s32 v3, v8;
	_ =	sdelay $0x2  }
0x11f: {  	v9 =	vadd.f32 v9, v7;
	_ =	sdelay $0x1  }
0x120: {  	s16 =	simm.s32 $0x1;
	[tilespmem:v8+s0+$0x0] =	vst.idx.msk $0xffff, v9  }
0x121: {  	v8 =	vmov s16;
	v9 =	vld [tilespmem:s10+$0xFFFFFFC0]  }
0x122: {  	v8 =	vand.u32 $0x7D, v8  }
0x123: {  	v10 =	vadd.s32 v0, v8;
	_ =	sdelay $0x2  }
0x124: {  	v9 =	vadd.f32 v9, v4;
	_ =	sdelay $0x1  }
0x125: {  	[tilespmem:v10+s0+$0x0] =	vst.idx.msk $0xffff, v9  }
0x126: {  	v9 =	vld [tilespmem:s10+$0xFFFFFFD0];
	_ =	sdelay $0x1  }
0x127: {  	v10 =	vadd.s32 v1, v8;
	_ =	sdelay $0x2  }
0x128: {  	v9 =	vadd.f32 v9, v5;
	_ =	sdelay $0x1  }
0x129: {  	[tilespmem:v10+s0+$0x0] =	vst.idx.msk $0xffff, v9  }
0x12a: {  	v9 =	vld [tilespmem:s10+$0xFFFFFFE0];
	_ =	sdelay $0x1  }
0x12b: {  	v10 =	vadd.s32 v2, v8;
	_ =	sdelay $0x2  }
0x12c: {  	v9 =	vadd.f32 v9, v6;
	_ =	sdelay $0x1  }
0x12d: {  	[tilespmem:v10+s0+$0x0] =	vst.idx.msk $0xffff, v9  }
0x12e: {  	v9 =	vld [tilespmem:s10+$0xFFFFFFF0];
	_ =	sdelay $0x1  }
0x12f: {  	v8 =	vadd.s32 v3, v8;
	_ =	sdelay $0x2  }
0x130: {  	v9 =	vadd.f32 v9, v7;
	_ =	sdelay $0x1  }
0x131: {  	s20 =	simm.s32 $0x2;
	[tilespmem:v8+s0+$0x0] =	vst.idx.msk $0xffff, v9  }
0x132: {  	v8 =	vmov s20;
	v9 =	vld [tilespmem:s10+$0x0]  }
0x133: {  	v8 =	vand.u32 $0x7E, v8  }
0x134: {  	v10 =	vadd.s32 v0, v8;
	_ =	sdelay $0x2  }
0x135: {  	v9 =	vadd.f32 v9, v4;
	_ =	sdelay $0x1  }
0x136: {  	[tilespmem:v10+s0+$0x0] =	vst.idx.msk $0xffff, v9  }
0x137: {  	v9 =	vld [tilespmem:s10+$0x10];
	_ =	sdelay $0x1  }
0x138: {  	v10 =	vadd.s32 v1, v8;
	_ =	sdelay $0x2  }
0x139: {  	v9 =	vadd.f32 v9, v5;
	_ =	sdelay $0x1  }
0x13a: {  	[tilespmem:v10+s0+$0x0] =	vst.idx.msk $0xffff, v9  }
0x13b: {  	v9 =	vld [tilespmem:s10+$0x20];
	_ =	sdelay $0x1  }
0x13c: {  	v10 =	vadd.s32 v2, v8;
	_ =	sdelay $0x2  }
0x13d: {  	v9 =	vadd.f32 v9, v6;
	_ =	sdelay $0x1  }
0x13e: {  	[tilespmem:v10+s0+$0x0] =	vst.idx.msk $0xffff, v9  }
0x13f: {  	v9 =	vld [tilespmem:s10+$0x30];
	_ =	sdelay $0x1  }
0x140: {  	v8 =	vadd.s32 v3, v8;
	_ =	sdelay $0x2  }
0x141: {  	v9 =	vadd.f32 v9, v7;
	_ =	sdelay $0x1  }
0x142: {  	s28 =	simm.s32 $0x3;
	[tilespmem:v8+s0+$0x0] =	vst.idx.msk $0xffff, v9  }
0x143: {  	v8 =	vmov s28;
	v9 =	vld [tilespmem:s10+$0x40]  }
0x144: {  	v8 =	vand.u32 $0x7F, v8  }
0x145: {  	v10 =	vadd.s32 v0, v8;
	_ =	sdelay $0x2  }
0x146: {  	v9 =	vadd.f32 v9, v4;
	_ =	sdelay $0x1  }
0x147: {  	[tilespmem:v10+s0+$0x0] =	vst.idx.msk $0xffff, v9  }
0x148: {  	v9 =	vld [tilespmem:s10+$0x50];
	_ =	sdelay $0x1  }
0x149: {  	v10 =	vadd.s32 v1, v8;
	_ =	sdelay $0x2  }
0x14a: {  	v9 =	vadd.f32 v9, v5;
	_ =	sdelay $0x1  }
0x14b: {  	[tilespmem:v10+s0+$0x0] =	vst.idx.msk $0xffff, v9  }
0x14c: {  	v9 =	vld [tilespmem:s10+$0x60];
	_ =	sdelay $0x1  }
0x14d: {  	v10 =	vadd.s32 v2, v8;
	_ =	sdelay $0x2  }
0x14e: {  	v9 =	vadd.f32 v9, v6;
	_ =	sdelay $0x1  }
0x14f: {  	[tilespmem:v10+s0+$0x0] =	vst.idx.msk $0xffff, v9  }
0x150: {  	v9 =	vld [tilespmem:s10+$0x70];
	_ =	sdelay $0x1  }
0x151: {  	v8 =	vadd.s32 v3, v8;
	_ =	sdelay $0x2  }
0x152: {  	s11 =	sshrl.u32 s24, $0x5;
	s16 =	simm.s32 $0x4;
	v9 =	vadd.f32 v9, v7  }
.LBB2_10:
0x153: {  	p2 =	sne.s32 s16, $0x7C  }
0x154: {  	s10 =	sadd.s32 $0x100, s10;
	s28 =	smov.u32 s16;
	s16 =	sadd.s32 $0x4, s16;
	[tilespmem:v8+s0+$0x0] =	vst.idx.msk $0xffff, v9  }
0x155: {  	v8 =	vmov s28;
	v9 =	vld [tilespmem:s10+$0xFFFFFF80]  }
0x156: {  	v8 =	vand.u32 $0x7C, v8  }
0x157: {  	v10 =	vadd.s32 v0, v8;
	_ =	sdelay $0x2  }
0x158: {  	v9 =	vadd.f32 v9, v4;
	_ =	sdelay $0x1  }
0x159: {  	[tilespmem:v10+s0+$0x0] =	vst.idx.msk $0xffff, v9  }
0x15a: {  	v9 =	vld [tilespmem:s10+$0xFFFFFF90];
	_ =	sdelay $0x1  }
0x15b: {  	v10 =	vadd.s32 v1, v8;
	_ =	sdelay $0x2  }
0x15c: {  	v9 =	vadd.f32 v9, v5;
	_ =	sdelay $0x1  }
0x15d: {  	[tilespmem:v10+s0+$0x0] =	vst.idx.msk $0xffff, v9  }
0x15e: {  	v9 =	vld [tilespmem:s10+$0xFFFFFFA0];
	_ =	sdelay $0x1  }
0x15f: {  	v10 =	vadd.s32 v2, v8;
	_ =	sdelay $0x2  }
0x160: {  	v9 =	vadd.f32 v9, v6;
	_ =	sdelay $0x1  }
0x161: {  	[tilespmem:v10+s0+$0x0] =	vst.idx.msk $0xffff, v9  }
0x162: {  	v9 =	vld [tilespmem:s10+$0xFFFFFFB0];
	_ =	sdelay $0x1  }
0x163: {  	v8 =	vadd.s32 v3, v8;
	_ =	sdelay $0x2  }
0x164: {  	v9 =	vadd.f32 v9, v7;
	_ =	sdelay $0x1  }
0x165: {  	s15 =	sadd.s32 $0x1, s28;
	[tilespmem:v8+s0+$0x0] =	vst.idx.msk $0xffff, v9  }
0x166: {  	v8 =	vmov s15;
	v9 =	vld [tilespmem:s10+$0xFFFFFFC0]  }
0x167: {  	v8 =	vand.u32 $0x7D, v8  }
0x168: {  	v10 =	vadd.s32 v0, v8;
	_ =	sdelay $0x2  }
0x169: {  	v9 =	vadd.f32 v9, v4;
	_ =	sdelay $0x1  }
0x16a: {  	[tilespmem:v10+s0+$0x0] =	vst.idx.msk $0xffff, v9  }
0x16b: {  	v9 =	vld [tilespmem:s10+$0xFFFFFFD0];
	_ =	sdelay $0x1  }
0x16c: {  	v10 =	vadd.s32 v1, v8;
	_ =	sdelay $0x2  }
0x16d: {  	v9 =	vadd.f32 v9, v5;
	_ =	sdelay $0x1  }
0x16e: {  	[tilespmem:v10+s0+$0x0] =	vst.idx.msk $0xffff, v9  }
0x16f: {  	v9 =	vld [tilespmem:s10+$0xFFFFFFE0];
	_ =	sdelay $0x1  }
0x170: {  	v10 =	vadd.s32 v2, v8;
	_ =	sdelay $0x2  }
0x171: {  	v9 =	vadd.f32 v9, v6;
	_ =	sdelay $0x1  }
0x172: {  	[tilespmem:v10+s0+$0x0] =	vst.idx.msk $0xffff, v9  }
0x173: {  	v9 =	vld [tilespmem:s10+$0xFFFFFFF0];
	_ =	sdelay $0x1  }
0x174: {  	v8 =	vadd.s32 v3, v8;
	_ =	sdelay $0x2  }
0x175: {  	v9 =	vadd.f32 v9, v7;
	_ =	sdelay $0x1  }
0x176: {  	s15 =	sadd.s32 $0x2, s28;
	[tilespmem:v8+s0+$0x0] =	vst.idx.msk $0xffff, v9  }
0x177: {  	v8 =	vmov s15;
	v9 =	vld [tilespmem:s10+$0x0]  }
0x178: {  	v8 =	vand.u32 $0x7E, v8  }
0x179: {  	v10 =	vadd.s32 v0, v8;
	_ =	sdelay $0x2  }
0x17a: {  	v9 =	vadd.f32 v9, v4;
	_ =	sdelay $0x1  }
0x17b: {  	[tilespmem:v10+s0+$0x0] =	vst.idx.msk $0xffff, v9  }
0x17c: {  	v9 =	vld [tilespmem:s10+$0x10];
	_ =	sdelay $0x1  }
0x17d: {  	v10 =	vadd.s32 v1, v8;
	_ =	sdelay $0x2  }
0x17e: {  	v9 =	vadd.f32 v9, v5;
	_ =	sdelay $0x1  }
0x17f: {  	[tilespmem:v10+s0+$0x0] =	vst.idx.msk $0xffff, v9  }
0x180: {  	v9 =	vld [tilespmem:s10+$0x20];
	_ =	sdelay $0x1  }
0x181: {  	v10 =	vadd.s32 v2, v8;
	_ =	sdelay $0x2  }
0x182: {  	v9 =	vadd.f32 v9, v6;
	_ =	sdelay $0x1  }
0x183: {  	[tilespmem:v10+s0+$0x0] =	vst.idx.msk $0xffff, v9  }
0x184: {  	v9 =	vld [tilespmem:s10+$0x30];
	_ =	sdelay $0x1  }
0x185: {  	v8 =	vadd.s32 v3, v8;
	_ =	sdelay $0x2  }
0x186: {  	v9 =	vadd.f32 v9, v7;
	_ =	sdelay $0x1  }
0x187: {  	s15 =	sadd.s32 $0x3, s28;
	[tilespmem:v8+s0+$0x0] =	vst.idx.msk $0xffff, v9  }
0x188: {  	v8 =	vmov s15;
	v9 =	vld [tilespmem:s10+$0x40]  }
0x189: {  	v8 =	vand.u32 $0x7F, v8  }
0x18a: {  	v10 =	vadd.s32 v0, v8;
	_ =	sdelay $0x2  }
0x18b: {  	v9 =	vadd.f32 v9, v4;
	_ =	sdelay $0x1  }
0x18c: {  	[tilespmem:v10+s0+$0x0] =	vst.idx.msk $0xffff, v9  }
0x18d: {  	v9 =	vld [tilespmem:s10+$0x50];
	_ =	sdelay $0x1  }
0x18e: {  	v10 =	vadd.s32 v1, v8;
	_ =	sdelay $0x2  }
0x18f: {  	v9 =	vadd.f32 v9, v5;
	_ =	sdelay $0x1  }
0x190: {  	[tilespmem:v10+s0+$0x0] =	vst.idx.msk $0xffff, v9  }
0x191: {  	v9 =	vld [tilespmem:s10+$0x60];
	_ =	sdelay $0x1  }
0x192: {  	v10 =	vadd.s32 v2, v8;
	_ =	sdelay $0x2  }
0x193: {  	v9 =	vadd.f32 v9, v6;
	_ =	sdelay $0x1  }
0x194: {  	[tilespmem:v10+s0+$0x0] =	vst.idx.msk $0xffff, v9  }
0x195: {  	v9 =	vld [tilespmem:s10+$0x70]  }
.Ltmp4:
0x196: {  	(pc) =	sbr.rel @p2 .LBB2_10-.Ltmp4, $2  }
0x197: {  	v8 =	vadd.s32 v3, v8;
	_ =	sdelay $0x2  }
0x198: {  	v9 =	vadd.f32 v9, v7  }
0x199: {  	_ = 	snop  }
0x19a: {  	s10 =	sshll.u32 s24, $0x7  }
0x19b: {  	s10 =	sand.u32 $0xE80, s10  }
0x19c: {  	s11 =	sshll.u32 s11, $0xF;
	s10 =	sadd.s32 s2, s10  }
0x19d: {  	s15 =	simm.s32 $0xA400;
	[tilespmem:v8+s0+$0x0] =	vst.idx.msk $0xffff, v9;
	s11 =	sadd.s32 s11, s10  }
0x19e: {  	[hbm4b:s11+s3] =	stream.linear.scatter [tilespmem:s15], [sflag:$0xA], $0x80, $0x38;
	[tilespmem:$0x13C00] =	vst v63  }
0x19f: {  	s16 =	simm.s32 $0xA488;
	s15 =	sadd.s32 $0x10, s11  }
0x1a0: {  	[hbm4b:s15+s3] =	stream.linear.scatter [tilespmem:s16], [sflag:$0xA], $0x80, $0x38;
	[tilespmem:$0x13C00] =	vst v63  }
0x1a1: {  	s20 =	simm.s32 $0xA510;
	s24 =	sadd.s32 $0x20, s11  }
0x1a2: {  	[hbm4b:s24+s3] =	stream.linear.scatter [tilespmem:s20], [sflag:$0xA], $0x80, $0x38;
	[tilespmem:$0x13C00] =	vst v63  }
0x1a3: {  	s15 =	simm.s32 $0xA598;
	s16 =	sadd.s32 $0x30, s11  }
0x1a4: {  	[hbm4b:s16+s3] =	stream.linear.scatter [tilespmem:s15], [sflag:$0xA], $0x80, $0x38;
	[tilespmem:$0x13C00] =	vst v63  }
0x1a5: {  	s20 =	simm.s32 $0xA620;
	s24 =	sadd.s32 $0x40, s11  }
0x1a6: {  	[hbm4b:s24+s3] =	stream.linear.scatter [tilespmem:s20], [sflag:$0xA], $0x80, $0x38;
	[tilespmem:$0x13C00] =	vst v63  }
0x1a7: {  	s10 =	simm.s32 $0x440;
	s15 =	simm.s32 $0xA6A8;
	s16 =	sadd.s32 $0x50, s11  }
0x1a8: {  	[hbm4b:s16+s3] =	stream.linear.scatter [tilespmem:s15], [sflag:$0xA], $0x80, $0x38;
	[tilespmem:$0x13C00] =	vst v63  }
0x1a9: {  	s28 =	sadd.s32 $0x70, s11;
	s20 =	simm.s32 $0xA730;
	s24 =	sadd.s32 $0x60, s11  }
0x1aa: {  	[hbm4b:s24+s3] =	stream.linear.scatter [tilespmem:s20], [sflag:$0xA], $0x80, $0x38;
	[tilespmem:$0x13C00] =	vst v63  }
0x1ab: {  	s11 =	sadd.s32 $0x1000, s11;
	s16 =	simm.s32 $0x2200;
	s24 =	simm.s32 $0xA7B8  }
.LBB2_12:
0x1ac: {  	[hbm4b:s28+s3] =	stream.linear.scatter [tilespmem:s24], [sflag:$0xA], $0x80, $0x38;
	[tilespmem:$0x13C00] =	vst v63  }
0x1ad: {  	s15 =	smov.u32 s10;
	s10 =	smov.u32 s16  }
0x1ae: {  	s20 =	sadd.s32 $0x1100, s16;
	s10 =	sshra.s32 s10, $0x2;
	s24 =	sadd.s32 $0xA400, s15  }
0x1af: {  	[hbm4b:s11+s3] =	stream.linear.scatter [tilespmem:s24], [sflag:$0xA], $0x80, $0x38;
	[tilespmem:$0x13C00] =	vst v63  }
0x1b0: {  	p2 =	sne.s32 s16, $0x7700;
	s16 =	sadd.s32 $0xA488, s15;
	s24 =	sadd.s32 $0x10, s11  }
0x1b1: {  	[hbm4b:s24+s3] =	stream.linear.scatter [tilespmem:s16], [sflag:$0xA], $0x80, $0x38;
	[tilespmem:$0x13C00] =	vst v63  }
0x1b2: {  	s16 =	sadd.s32 $0xA510, s15;
	s24 =	sadd.s32 $0x20, s11  }
0x1b3: {  	[hbm4b:s24+s3] =	stream.linear.scatter [tilespmem:s16], [sflag:$0xA], $0x80, $0x38;
	[tilespmem:$0x13C00] =	vst v63  }
0x1b4: {  	s16 =	sadd.s32 $0xA598, s15;
	s24 =	sadd.s32 $0x30, s11  }
0x1b5: {  	[hbm4b:s24+s3] =	stream.linear.scatter [tilespmem:s16], [sflag:$0xA], $0x80, $0x38;
	[tilespmem:$0x13C00] =	vst v63  }
0x1b6: {  	s16 =	sadd.s32 $0xA620, s15;
	s24 =	sadd.s32 $0x40, s11  }
0x1b7: {  	[hbm4b:s24+s3] =	stream.linear.scatter [tilespmem:s16], [sflag:$0xA], $0x80, $0x38;
	[tilespmem:$0x13C00] =	vst v63  }
.Ltmp5:
0x1b8: {  	s16 =	sadd.s32 $0xA6A8, s15;
	s24 =	sadd.s32 $0x50, s11;
	(pc) =	sbr.rel @p2 .LBB2_12-.Ltmp5, $4  }
0x1b9: {  	[hbm4b:s24+s3] =	stream.linear.scatter [tilespmem:s16], [sflag:$0xA], $0x80, $0x38;
	[tilespmem:$0x13C00] =	vst v63  }
0x1ba: {  	s28 =	sadd.s32 $0x70, s11;
	s16 =	sadd.s32 $0xA730, s15;
	s24 =	sadd.s32 $0x60, s11  }
0x1bb: {  	[hbm4b:s24+s3] =	stream.linear.scatter [tilespmem:s16], [sflag:$0xA], $0x80, $0x38;
	[tilespmem:$0x13C00] =	vst v63  }
0x1bc: {  	s11 =	sadd.s32 $0x1000, s11;
	s24 =	sadd.s32 $0xA7B8, s15;
	s16 =	smov.u32 s20  }
0x1bd: {  	[hbm4b:s28+s3] =	stream.linear.scatter [tilespmem:s24], [sflag:$0xA], $0x80, $0x38;
	[tilespmem:$0x13C00] =	vst v63  }
0x1be: {  	s15 =	sadd.s32 $0xA400, s10  }
0x1bf: {  	[hbm4b:s11+s3] =	stream.linear.scatter [tilespmem:s15], [sflag:$0xA], $0x80, $0x38;
	[tilespmem:$0x13C00] =	vst v63  }
0x1c0: {  	s20 =	sadd.s32 $0xA488, s10;
	s16 =	sadd.s32 $0x10, s11  }
0x1c1: {  	[hbm4b:s16+s3] =	stream.linear.scatter [tilespmem:s20], [sflag:$0xA], $0x80, $0x38;
	[tilespmem:$0x13C00] =	vst v63  }
0x1c2: {  	s24 =	sadd.s32 $0xA510, s10;
	s28 =	sadd.s32 $0x20, s11  }
0x1c3: {  	[hbm4b:s28+s3] =	stream.linear.scatter [tilespmem:s24], [sflag:$0xA], $0x80, $0x38;
	[tilespmem:$0x13C00] =	vst v63  }
0x1c4: {  	s16 =	sadd.s32 $0xA598, s10;
	s20 =	sadd.s32 $0x30, s11  }
0x1c5: {  	[hbm4b:s20+s3] =	stream.linear.scatter [tilespmem:s16], [sflag:$0xA], $0x80, $0x38;
	[tilespmem:$0x13C00] =	vst v63  }
0x1c6: {  	s24 =	sadd.s32 $0xA620, s10;
	s28 =	sadd.s32 $0x40, s11  }
0x1c7: {  	[hbm4b:s28+s3] =	stream.linear.scatter [tilespmem:s24], [sflag:$0xA], $0x80, $0x38;
	[tilespmem:$0x13C00] =	vst v63  }
0x1c8: {  	s16 =	sadd.s32 $0xA6A8, s10;
	s20 =	sadd.s32 $0x50, s11  }
0x1c9: {  	[hbm4b:s20+s3] =	stream.linear.scatter [tilespmem:s16], [sflag:$0xA], $0x80, $0x38;
	[tilespmem:$0x13C00] =	vst v63  }
0x1ca: {  	s24 =	sadd.s32 $0xA730, s10;
	s28 =	sadd.s32 $0x60, s11  }
0x1cb: {  	[hbm4b:s28+s3] =	stream.linear.scatter [tilespmem:s24], [sflag:$0xA], $0x80, $0x38;
	[tilespmem:$0x13C00] =	vst v63  }
0x1cc: {  	s16 =	sadd.s32 $0xA7B8, s10;
	s20 =	sadd.s32 $0x70, s11;
	s10 =	simm.s32 @p1 $0x2  }
0x1cd: {  	[hbm4b:s20+s3] =	stream.linear.scatter [tilespmem:s16], [sflag:$0xA], $0x80, $0x38;
	[tilespmem:$0x13C00] =	vst v63  }
0x1ce: {  	_ =	swait.ge @p1 [sflag:s10], $0x80  }
0x1cf: {  	[sflag:s10] =	ssyncset.done @p1 $0x0  }
0x1d0: {  	s11 =	simm.s32 @p1 $0x2200;
	[sflag:s10] =	ssyncadd.s32 @p1 $0xFFFFFF80;
	s10 =	simm.s32 @p1 $0x80  }
0x1d1: {  	[tilespmem:s11], [sflag:$0x6] =	stream.indirect.gather @p1 [hbm4b:s5+s10], $0x40, s10, s10, $0xb8;
	[tilespmem:$0x13C00] =	vst v63  }
0x1d2: {  	s10 =	simm.s32 @p1 $0x7  }
0x1d3: {  	s11 =	sadd.s32 @p1 s18, s14;
	_ =	swait.ge @p1 [sflag:s10], $0x2000  }
0x1d4: {  	s11 =	sshll.u32 @p1 s11, $0x4;
	[sflag:s10] =	ssyncset.done @p1 $0x0  }
0x1d5: {  	[sflag:s10] =	ssyncadd.s32 @p1 $0xFFFFE000;
	s10 =	sand.u32 @p1 $0xFFFFFE0, s11  }
0x1d6: {  	s15 =	simm.s32 @p1 $0x100;
	s11 =	simm.s32 @p1 $0x0;
	s10 =	sadd.s32 @p1 s4, s10  }
0x1d7: {  	[tilespmem:s15], [sflag:$0x3] =	stream.linear.gather @p1 [hbm4b:s10+s11], $0x80, $0x38;
	[tilespmem:$0x13C00] =	vst v63  }
0x1d8: {  	s10 =	simm.s32 @!p1 $0x7  }
0x1d9: {  	_ =	swait.ge @!p1 [sflag:s10], $0x2000  }
0x1da: {  	[sflag:s10] =	ssyncset.done @!p1 $0x0  }
0x1db: {  	s24 =	sor.u32 $0x2, s18;
	[sflag:s10] =	ssyncadd.s32 @!p1 $0xFFFFE000;
	s10 =	simm.s32 @!p0 $0xB  }
0x1dc: {  	s24 =	sadd.s32 s7, s24;
	_ =	swait.ge @!p0 [sflag:s10], $0x2000  }
0x1dd: {  	s11 =	sshll.u32 s24, $0x1;
	[sflag:s10] =	ssyncset.done @!p0 $0x0  }
0x1de: {  	s11 =	sand.u32 $0x3FFFFFC0, s11;
	[sflag:s10] =	ssyncadd.s32 @!p0 $0xFFFFE000  }
0x1df: {  	s28 =	simm.s32 $0x0;
	s10 =	simm.s32 $0x4280;
	v4 =	vld [tilespmem:s11+$0x10A00]  }
0x1e0: {  	v5 =	vmov s28;
	v7 =	vld [tilespmem:s10+$0xFFFFFF80]  }
0x1e1: {  	v8 =	vand.u32 $0x7C, v5  }
0x1e2: {  	v9 =	vadd.s32 v0, v8;
	_ =	sdelay $0x2  }
0x1e3: {  	v5 =	vld [tilespmem:s11+$0x10A10];
	v10 =	vadd.f32 v7, v4  }
0x1e4: {  	v6 =	vld [tilespmem:s11+$0x10A20]  }
0x1e5: {  	v7 =	vld [tilespmem:s11+$0x10A30];
	[tilespmem:v9+s17+$0x0] =	vst.idx.msk $0xffff, v10  }
0x1e6: {  	v9 =	vld [tilespmem:s10+$0xFFFFFF90];
	_ =	sdelay $0x1  }
0x1e7: {  	v10 =	vadd.s32 v1, v8;
	_ =	sdelay $0x2  }
0x1e8: {  	v9 =	vadd.f32 v9, v5;
	_ =	sdelay $0x1  }
0x1e9: {  	[tilespmem:v10+s17+$0x0] =	vst.idx.msk $0xffff, v9  }
0x1ea: {  	v9 =	vld [tilespmem:s10+$0xFFFFFFA0];
	_ =	sdelay $0x1  }
0x1eb: {  	v10 =	vadd.s32 v2, v8;
	_ =	sdelay $0x2  }
0x1ec: {  	v9 =	vadd.f32 v9, v6;
	_ =	sdelay $0x1  }
0x1ed: {  	[tilespmem:v10+s17+$0x0] =	vst.idx.msk $0xffff, v9  }
0x1ee: {  	v9 =	vld [tilespmem:s10+$0xFFFFFFB0];
	_ =	sdelay $0x1  }
0x1ef: {  	v8 =	vadd.s32 v3, v8;
	_ =	sdelay $0x2  }
0x1f0: {  	v9 =	vadd.f32 v9, v7;
	_ =	sdelay $0x1  }
0x1f1: {  	s16 =	simm.s32 $0x1;
	[tilespmem:v8+s17+$0x0] =	vst.idx.msk $0xffff, v9  }
0x1f2: {  	v8 =	vmov s16;
	v9 =	vld [tilespmem:s10+$0xFFFFFFC0]  }
0x1f3: {  	v8 =	vand.u32 $0x7D, v8  }
0x1f4: {  	v10 =	vadd.s32 v0, v8;
	_ =	sdelay $0x2  }
0x1f5: {  	v9 =	vadd.f32 v9, v4;
	_ =	sdelay $0x1  }
0x1f6: {  	[tilespmem:v10+s17+$0x0] =	vst.idx.msk $0xffff, v9  }
0x1f7: {  	v9 =	vld [tilespmem:s10+$0xFFFFFFD0];
	_ =	sdelay $0x1  }
0x1f8: {  	v10 =	vadd.s32 v1, v8;
	_ =	sdelay $0x2  }
0x1f9: {  	v9 =	vadd.f32 v9, v5;
	_ =	sdelay $0x1  }
0x1fa: {  	[tilespmem:v10+s17+$0x0] =	vst.idx.msk $0xffff, v9  }
0x1fb: {  	v9 =	vld [tilespmem:s10+$0xFFFFFFE0];
	_ =	sdelay $0x1  }
0x1fc: {  	v10 =	vadd.s32 v2, v8;
	_ =	sdelay $0x2  }
0x1fd: {  	v9 =	vadd.f32 v9, v6;
	_ =	sdelay $0x1  }
0x1fe: {  	[tilespmem:v10+s17+$0x0] =	vst.idx.msk $0xffff, v9  }
0x1ff: {  	v9 =	vld [tilespmem:s10+$0xFFFFFFF0];
	_ =	sdelay $0x1  }
0x200: {  	v8 =	vadd.s32 v3, v8;
	_ =	sdelay $0x2  }
0x201: {  	v9 =	vadd.f32 v9, v7;
	_ =	sdelay $0x1  }
0x202: {  	s20 =	simm.s32 $0x2;
	[tilespmem:v8+s17+$0x0] =	vst.idx.msk $0xffff, v9  }
0x203: {  	v8 =	vmov s20;
	v9 =	vld [tilespmem:s10+$0x0]  }
0x204: {  	v8 =	vand.u32 $0x7E, v8  }
0x205: {  	v10 =	vadd.s32 v0, v8;
	_ =	sdelay $0x2  }
0x206: {  	v9 =	vadd.f32 v9, v4;
	_ =	sdelay $0x1  }
0x207: {  	[tilespmem:v10+s17+$0x0] =	vst.idx.msk $0xffff, v9  }
0x208: {  	v9 =	vld [tilespmem:s10+$0x10];
	_ =	sdelay $0x1  }
0x209: {  	v10 =	vadd.s32 v1, v8;
	_ =	sdelay $0x2  }
0x20a: {  	v9 =	vadd.f32 v9, v5;
	_ =	sdelay $0x1  }
0x20b: {  	[tilespmem:v10+s17+$0x0] =	vst.idx.msk $0xffff, v9  }
0x20c: {  	v9 =	vld [tilespmem:s10+$0x20];
	_ =	sdelay $0x1  }
0x20d: {  	v10 =	vadd.s32 v2, v8;
	_ =	sdelay $0x2  }
0x20e: {  	v9 =	vadd.f32 v9, v6;
	_ =	sdelay $0x1  }
0x20f: {  	[tilespmem:v10+s17+$0x0] =	vst.idx.msk $0xffff, v9  }
0x210: {  	v9 =	vld [tilespmem:s10+$0x30];
	_ =	sdelay $0x1  }
0x211: {  	v8 =	vadd.s32 v3, v8;
	_ =	sdelay $0x2  }
0x212: {  	v9 =	vadd.f32 v9, v7;
	_ =	sdelay $0x1  }
0x213: {  	s28 =	simm.s32 $0x3;
	[tilespmem:v8+s17+$0x0] =	vst.idx.msk $0xffff, v9  }
0x214: {  	v8 =	vmov s28;
	v9 =	vld [tilespmem:s10+$0x40]  }
0x215: {  	v8 =	vand.u32 $0x7F, v8  }
0x216: {  	v10 =	vadd.s32 v0, v8;
	_ =	sdelay $0x2  }
0x217: {  	v9 =	vadd.f32 v9, v4;
	_ =	sdelay $0x1  }
0x218: {  	[tilespmem:v10+s17+$0x0] =	vst.idx.msk $0xffff, v9  }
0x219: {  	v9 =	vld [tilespmem:s10+$0x50];
	_ =	sdelay $0x1  }
0x21a: {  	v10 =	vadd.s32 v1, v8;
	_ =	sdelay $0x2  }
0x21b: {  	v9 =	vadd.f32 v9, v5;
	_ =	sdelay $0x1  }
0x21c: {  	[tilespmem:v10+s17+$0x0] =	vst.idx.msk $0xffff, v9  }
0x21d: {  	v9 =	vld [tilespmem:s10+$0x60];
	_ =	sdelay $0x1  }
0x21e: {  	v10 =	vadd.s32 v2, v8;
	_ =	sdelay $0x2  }
0x21f: {  	v9 =	vadd.f32 v9, v6;
	_ =	sdelay $0x1  }
0x220: {  	[tilespmem:v10+s17+$0x0] =	vst.idx.msk $0xffff, v9  }
0x221: {  	v9 =	vld [tilespmem:s10+$0x70];
	_ =	sdelay $0x1  }
0x222: {  	v8 =	vadd.s32 v3, v8;
	_ =	sdelay $0x2  }
0x223: {  	s11 =	sshrl.u32 s24, $0x5;
	s16 =	simm.s32 $0x4;
	v9 =	vadd.f32 v9, v7  }
.LBB2_14:
0x224: {  	p2 =	sne.s32 s16, $0x7C  }
0x225: {  	s10 =	sadd.s32 $0x100, s10;
	s28 =	smov.u32 s16;
	s16 =	sadd.s32 $0x4, s16;
	[tilespmem:v8+s17+$0x0] =	vst.idx.msk $0xffff, v9  }
0x226: {  	v8 =	vmov s28;
	v9 =	vld [tilespmem:s10+$0xFFFFFF80]  }
0x227: {  	v8 =	vand.u32 $0x7C, v8  }
0x228: {  	v10 =	vadd.s32 v0, v8;
	_ =	sdelay $0x2  }
0x229: {  	v9 =	vadd.f32 v9, v4;
	_ =	sdelay $0x1  }
0x22a: {  	[tilespmem:v10+s17+$0x0] =	vst.idx.msk $0xffff, v9  }
0x22b: {  	v9 =	vld [tilespmem:s10+$0xFFFFFF90];
	_ =	sdelay $0x1  }
0x22c: {  	v10 =	vadd.s32 v1, v8;
	_ =	sdelay $0x2  }
0x22d: {  	v9 =	vadd.f32 v9, v5;
	_ =	sdelay $0x1  }
0x22e: {  	[tilespmem:v10+s17+$0x0] =	vst.idx.msk $0xffff, v9  }
0x22f: {  	v9 =	vld [tilespmem:s10+$0xFFFFFFA0];
	_ =	sdelay $0x1  }
0x230: {  	v10 =	vadd.s32 v2, v8;
	_ =	sdelay $0x2  }
0x231: {  	v9 =	vadd.f32 v9, v6;
	_ =	sdelay $0x1  }
0x232: {  	[tilespmem:v10+s17+$0x0] =	vst.idx.msk $0xffff, v9  }
0x233: {  	v9 =	vld [tilespmem:s10+$0xFFFFFFB0];
	_ =	sdelay $0x1  }
0x234: {  	v8 =	vadd.s32 v3, v8;
	_ =	sdelay $0x2  }
0x235: {  	v9 =	vadd.f32 v9, v7;
	_ =	sdelay $0x1  }
0x236: {  	s15 =	sadd.s32 $0x1, s28;
	[tilespmem:v8+s17+$0x0] =	vst.idx.msk $0xffff, v9  }
0x237: {  	v8 =	vmov s15;
	v9 =	vld [tilespmem:s10+$0xFFFFFFC0]  }
0x238: {  	v8 =	vand.u32 $0x7D, v8  }
0x239: {  	v10 =	vadd.s32 v0, v8;
	_ =	sdelay $0x2  }
0x23a: {  	v9 =	vadd.f32 v9, v4;
	_ =	sdelay $0x1  }
0x23b: {  	[tilespmem:v10+s17+$0x0] =	vst.idx.msk $0xffff, v9  }
0x23c: {  	v9 =	vld [tilespmem:s10+$0xFFFFFFD0];
	_ =	sdelay $0x1  }
0x23d: {  	v10 =	vadd.s32 v1, v8;
	_ =	sdelay $0x2  }
0x23e: {  	v9 =	vadd.f32 v9, v5;
	_ =	sdelay $0x1  }
0x23f: {  	[tilespmem:v10+s17+$0x0] =	vst.idx.msk $0xffff, v9  }
0x240: {  	v9 =	vld [tilespmem:s10+$0xFFFFFFE0];
	_ =	sdelay $0x1  }
0x241: {  	v10 =	vadd.s32 v2, v8;
	_ =	sdelay $0x2  }
0x242: {  	v9 =	vadd.f32 v9, v6;
	_ =	sdelay $0x1  }
0x243: {  	[tilespmem:v10+s17+$0x0] =	vst.idx.msk $0xffff, v9  }
0x244: {  	v9 =	vld [tilespmem:s10+$0xFFFFFFF0];
	_ =	sdelay $0x1  }
0x245: {  	v8 =	vadd.s32 v3, v8;
	_ =	sdelay $0x2  }
0x246: {  	v9 =	vadd.f32 v9, v7;
	_ =	sdelay $0x1  }
0x247: {  	s15 =	sadd.s32 $0x2, s28;
	[tilespmem:v8+s17+$0x0] =	vst.idx.msk $0xffff, v9  }
0x248: {  	v8 =	vmov s15;
	v9 =	vld [tilespmem:s10+$0x0]  }
0x249: {  	v8 =	vand.u32 $0x7E, v8  }
0x24a: {  	v10 =	vadd.s32 v0, v8;
	_ =	sdelay $0x2  }
0x24b: {  	v9 =	vadd.f32 v9, v4;
	_ =	sdelay $0x1  }
0x24c: {  	[tilespmem:v10+s17+$0x0] =	vst.idx.msk $0xffff, v9  }
0x24d: {  	v9 =	vld [tilespmem:s10+$0x10];
	_ =	sdelay $0x1  }
0x24e: {  	v10 =	vadd.s32 v1, v8;
	_ =	sdelay $0x2  }
0x24f: {  	v9 =	vadd.f32 v9, v5;
	_ =	sdelay $0x1  }
0x250: {  	[tilespmem:v10+s17+$0x0] =	vst.idx.msk $0xffff, v9  }
0x251: {  	v9 =	vld [tilespmem:s10+$0x20];
	_ =	sdelay $0x1  }
0x252: {  	v10 =	vadd.s32 v2, v8;
	_ =	sdelay $0x2  }
0x253: {  	v9 =	vadd.f32 v9, v6;
	_ =	sdelay $0x1  }
0x254: {  	[tilespmem:v10+s17+$0x0] =	vst.idx.msk $0xffff, v9  }
0x255: {  	v9 =	vld [tilespmem:s10+$0x30];
	_ =	sdelay $0x1  }
0x256: {  	v8 =	vadd.s32 v3, v8;
	_ =	sdelay $0x2  }
0x257: {  	v9 =	vadd.f32 v9, v7;
	_ =	sdelay $0x1  }
0x258: {  	s15 =	sadd.s32 $0x3, s28;
	[tilespmem:v8+s17+$0x0] =	vst.idx.msk $0xffff, v9  }
0x259: {  	v8 =	vmov s15;
	v9 =	vld [tilespmem:s10+$0x40]  }
0x25a: {  	v8 =	vand.u32 $0x7F, v8  }
0x25b: {  	v10 =	vadd.s32 v0, v8;
	_ =	sdelay $0x2  }
0x25c: {  	v9 =	vadd.f32 v9, v4;
	_ =	sdelay $0x1  }
0x25d: {  	[tilespmem:v10+s17+$0x0] =	vst.idx.msk $0xffff, v9  }
0x25e: {  	v9 =	vld [tilespmem:s10+$0x50];
	_ =	sdelay $0x1  }
0x25f: {  	v10 =	vadd.s32 v1, v8;
	_ =	sdelay $0x2  }
0x260: {  	v9 =	vadd.f32 v9, v5;
	_ =	sdelay $0x1  }
0x261: {  	[tilespmem:v10+s17+$0x0] =	vst.idx.msk $0xffff, v9  }
0x262: {  	v9 =	vld [tilespmem:s10+$0x60];
	_ =	sdelay $0x1  }
0x263: {  	v10 =	vadd.s32 v2, v8;
	_ =	sdelay $0x2  }
0x264: {  	v9 =	vadd.f32 v9, v6;
	_ =	sdelay $0x1  }
0x265: {  	[tilespmem:v10+s17+$0x0] =	vst.idx.msk $0xffff, v9  }
0x266: {  	v9 =	vld [tilespmem:s10+$0x70]  }
.Ltmp6:
0x267: {  	(pc) =	sbr.rel @p2 .LBB2_14-.Ltmp6, $2  }
0x268: {  	v8 =	vadd.s32 v3, v8;
	_ =	sdelay $0x2  }
0x269: {  	v9 =	vadd.f32 v9, v7  }
0x26a: {  	_ = 	snop  }
0x26b: {  	s10 =	sshll.u32 s24, $0x7  }
0x26c: {  	s10 =	sand.u32 $0xF00, s10  }
0x26d: {  	s11 =	sshll.u32 s11, $0xF;
	s10 =	sadd.s32 s2, s10  }
0x26e: {  	s15 =	simm.s32 $0xC600;
	[tilespmem:v8+s17+$0x0] =	vst.idx.msk $0xffff, v9;
	s11 =	sadd.s32 s11, s10  }
0x26f: {  	[hbm4b:s11+s3] =	stream.linear.scatter [tilespmem:s15], [sflag:$0xB], $0x80, $0x38;
	[tilespmem:$0x13C00] =	vst v63  }
0x270: {  	s16 =	simm.s32 $0xC688;
	s15 =	sadd.s32 $0x10, s11  }
0x271: {  	[hbm4b:s15+s3] =	stream.linear.scatter [tilespmem:s16], [sflag:$0xB], $0x80, $0x38;
	[tilespmem:$0x13C00] =	vst v63  }
0x272: {  	s20 =	simm.s32 $0xC710;
	s24 =	sadd.s32 $0x20, s11  }
0x273: {  	[hbm4b:s24+s3] =	stream.linear.scatter [tilespmem:s20], [sflag:$0xB], $0x80, $0x38;
	[tilespmem:$0x13C00] =	vst v63  }
0x274: {  	s15 =	simm.s32 $0xC798;
	s16 =	sadd.s32 $0x30, s11  }
0x275: {  	[hbm4b:s16+s3] =	stream.linear.scatter [tilespmem:s15], [sflag:$0xB], $0x80, $0x38;
	[tilespmem:$0x13C00] =	vst v63  }
0x276: {  	s20 =	simm.s32 $0xC820;
	s24 =	sadd.s32 $0x40, s11  }
0x277: {  	[hbm4b:s24+s3] =	stream.linear.scatter [tilespmem:s20], [sflag:$0xB], $0x80, $0x38;
	[tilespmem:$0x13C00] =	vst v63  }
0x278: {  	s10 =	simm.s32 $0x440;
	s15 =	simm.s32 $0xC8A8;
	s16 =	sadd.s32 $0x50, s11  }
0x279: {  	[hbm4b:s16+s3] =	stream.linear.scatter [tilespmem:s15], [sflag:$0xB], $0x80, $0x38;
	[tilespmem:$0x13C00] =	vst v63  }
0x27a: {  	s28 =	sadd.s32 $0x70, s11;
	s20 =	simm.s32 $0xC930;
	s24 =	sadd.s32 $0x60, s11  }
0x27b: {  	[hbm4b:s24+s3] =	stream.linear.scatter [tilespmem:s20], [sflag:$0xB], $0x80, $0x38;
	[tilespmem:$0x13C00] =	vst v63  }
0x27c: {  	s11 =	sadd.s32 $0x1000, s11;
	s16 =	simm.s32 $0x2200;
	s24 =	simm.s32 $0xC9B8  }
.LBB2_16:
0x27d: {  	[hbm4b:s28+s3] =	stream.linear.scatter [tilespmem:s24], [sflag:$0xB], $0x80, $0x38;
	[tilespmem:$0x13C00] =	vst v63  }
0x27e: {  	s15 =	smov.u32 s10;
	s10 =	smov.u32 s16  }
0x27f: {  	s20 =	sadd.s32 $0x1100, s16;
	s10 =	sshra.s32 s10, $0x2;
	s24 =	sadd.s32 $0xC600, s15  }
0x280: {  	[hbm4b:s11+s3] =	stream.linear.scatter [tilespmem:s24], [sflag:$0xB], $0x80, $0x38;
	[tilespmem:$0x13C00] =	vst v63  }
0x281: {  	p2 =	sne.s32 s16, $0x7700;
	s16 =	sadd.s32 $0xC688, s15;
	s24 =	sadd.s32 $0x10, s11  }
0x282: {  	[hbm4b:s24+s3] =	stream.linear.scatter [tilespmem:s16], [sflag:$0xB], $0x80, $0x38;
	[tilespmem:$0x13C00] =	vst v63  }
0x283: {  	s16 =	sadd.s32 $0xC710, s15;
	s24 =	sadd.s32 $0x20, s11  }
0x284: {  	[hbm4b:s24+s3] =	stream.linear.scatter [tilespmem:s16], [sflag:$0xB], $0x80, $0x38;
	[tilespmem:$0x13C00] =	vst v63  }
0x285: {  	s16 =	sadd.s32 $0xC798, s15;
	s24 =	sadd.s32 $0x30, s11  }
0x286: {  	[hbm4b:s24+s3] =	stream.linear.scatter [tilespmem:s16], [sflag:$0xB], $0x80, $0x38;
	[tilespmem:$0x13C00] =	vst v63  }
0x287: {  	s16 =	sadd.s32 $0xC820, s15;
	s24 =	sadd.s32 $0x40, s11  }
0x288: {  	[hbm4b:s24+s3] =	stream.linear.scatter [tilespmem:s16], [sflag:$0xB], $0x80, $0x38;
	[tilespmem:$0x13C00] =	vst v63  }
.Ltmp7:
0x289: {  	s16 =	sadd.s32 $0xC8A8, s15;
	s24 =	sadd.s32 $0x50, s11;
	(pc) =	sbr.rel @p2 .LBB2_16-.Ltmp7, $4  }
0x28a: {  	[hbm4b:s24+s3] =	stream.linear.scatter [tilespmem:s16], [sflag:$0xB], $0x80, $0x38;
	[tilespmem:$0x13C00] =	vst v63  }
0x28b: {  	s28 =	sadd.s32 $0x70, s11;
	s16 =	sadd.s32 $0xC930, s15;
	s24 =	sadd.s32 $0x60, s11  }
0x28c: {  	[hbm4b:s24+s3] =	stream.linear.scatter [tilespmem:s16], [sflag:$0xB], $0x80, $0x38;
	[tilespmem:$0x13C00] =	vst v63  }
0x28d: {  	s11 =	sadd.s32 $0x1000, s11;
	s24 =	sadd.s32 $0xC9B8, s15;
	s16 =	smov.u32 s20  }
0x28e: {  	[hbm4b:s28+s3] =	stream.linear.scatter [tilespmem:s24], [sflag:$0xB], $0x80, $0x38;
	[tilespmem:$0x13C00] =	vst v63  }
0x28f: {  	s15 =	sadd.s32 $0xC600, s10  }
0x290: {  	[hbm4b:s11+s3] =	stream.linear.scatter [tilespmem:s15], [sflag:$0xB], $0x80, $0x38;
	[tilespmem:$0x13C00] =	vst v63  }
0x291: {  	s28 =	sadd.s32 $0xC688, s10;
	s16 =	sadd.s32 $0x10, s11  }
0x292: {  	[hbm4b:s16+s3] =	stream.linear.scatter [tilespmem:s28], [sflag:$0xB], $0x80, $0x38;
	[tilespmem:$0x13C00] =	vst v63  }
0x293: {  	s20 =	sadd.s32 $0x20, s11;
	s16 =	sadd.s32 $0xC710, s10  }
0x294: {  	[hbm4b:s20+s3] =	stream.linear.scatter [tilespmem:s16], [sflag:$0xB], $0x80, $0x38;
	[tilespmem:$0x13C00] =	vst v63  }
0x295: {  	s24 =	sadd.s32 $0xC798, s10;
	s28 =	sadd.s32 $0x30, s11  }
0x296: {  	[hbm4b:s28+s3] =	stream.linear.scatter [tilespmem:s24], [sflag:$0xB], $0x80, $0x38;
	[tilespmem:$0x13C00] =	vst v63  }
0x297: {  	s16 =	sadd.s32 $0xC820, s10;
	s20 =	sadd.s32 $0x40, s11  }
0x298: {  	[hbm4b:s20+s3] =	stream.linear.scatter [tilespmem:s16], [sflag:$0xB], $0x80, $0x38;
	[tilespmem:$0x13C00] =	vst v63  }
0x299: {  	s24 =	sadd.s32 $0xC8A8, s10;
	s28 =	sadd.s32 $0x50, s11  }
0x29a: {  	[hbm4b:s28+s3] =	stream.linear.scatter [tilespmem:s24], [sflag:$0xB], $0x80, $0x38;
	[tilespmem:$0x13C00] =	vst v63  }
.Ltmp8:
0x29b: {  	_ = 	snop;
	(pc) =	sbr.rel @p1 .LBB2_19-.Ltmp8, $4  }
0x29c: {  	s16 =	sadd.s32 $0xC930, s10;
	s20 =	sadd.s32 $0x60, s11  }
0x29d: {  	[hbm4b:s20+s3] =	stream.linear.scatter [tilespmem:s16], [sflag:$0xB], $0x80, $0x38;
	[tilespmem:$0x13C00] =	vst v63  }
0x29e: {  	s24 =	sadd.s32 $0xC9B8, s10;
	s28 =	sadd.s32 $0x70, s11  }
0x29f: {  	[hbm4b:s28+s3] =	stream.linear.scatter [tilespmem:s24], [sflag:$0xB], $0x80, $0x38;
	[tilespmem:$0x13C00] =	vst v63  }
.Ltmp9:
0x2a0: {  	(pc) =	sbr.rel .LBB2_20-.Ltmp9, $4  }
0x2a1: {  	_ = 	snop  }
0x2a2: {  	_ =	swait.ge [sflag:s23], $0x2000  }
0x2a3: {  	[sflag:s23] =	ssyncset.done $0x0  }
0x2a4: {  	[sflag:s23] =	ssyncadd.s32 $0xFFFFE000  }
.LBB2_19:
0x2a5: {  	_ =	swait.ge [sflag:s26], $0x80  }
0x2a6: {  	s10 =	simm.s32 $0x100;
	[sflag:s26] =	ssyncset.done $0x0  }
0x2a7: {  	s11 =	simm.s32 $0x4200;
	s28 =	rddreg [dreg:$0x8];
	[sflag:s26] =	ssyncadd.s32 $0xFFFFFF80  }
0x2a8: {  	[tilespmem:s11], [sflag:$0x7] =	stream.indirect.gather [hbm4b:s5+s19], $0x40, s10, s19, $0xb8;
	[tilespmem:$0x13C00] =	vst v63  }
.Ltmp10:
0x2a9: {  	s10 =	sadd.s32 s18, s28;
	(pc) =	sbr.rel @p0 .LBB2_21-.Ltmp10, $4  }
0x2aa: {  	_ =	swait.ge [sflag:s23], $0x2000;
	s10 =	sshll.u32 s10, $0x4  }
0x2ab: {  	[sflag:s23] =	ssyncset.done $0x0;
	s10 =	sand.u32 $0xFFFFFF0, s10  }
0x2ac: {  	[sflag:s23] =	ssyncadd.s32 $0xFFFFE000;
	s10 =	sadd.s32 s4, s10  }
0x2ad: {  	[tilespmem:s21], [sflag:$0x4] =	stream.linear.gather [hbm4b:s10+s3], $0x80, $0x38;
	[tilespmem:$0x13C00] =	vst v63  }
.LBB2_20:
0x2ae: {  	_ =	swait.ge [sflag:s25], $0x2000  }
0x2af: {  	[sflag:s25] =	ssyncset.done $0x0  }
0x2b0: {  	[sflag:s25] =	ssyncadd.s32 $0xFFFFE000  }
.LBB2_21:
0x2b1: {  	s18 =	sadd.s32 s7, s22  }
0x2b2: {  	s10 =	sshll.u32 s18, $0x1  }
0x2b3: {  	s11 =	sand.u32 $0x3FFFFFC0, s10  }
0x2b4: {  	s15 =	simm.s32 $0x0;
	s10 =	simm.s32 $0x6280;
	v4 =	vld [tilespmem:s11+$0x10A00]  }
0x2b5: {  	v5 =	vmov s15;
	v7 =	vld [tilespmem:s10+$0xFFFFFF80]  }
0x2b6: {  	v8 =	vand.u32 $0x7C, v5  }
0x2b7: {  	v9 =	vadd.s32 v0, v8;
	_ =	sdelay $0x2  }
0x2b8: {  	v5 =	vld [tilespmem:s11+$0x10A10];
	v10 =	vadd.f32 v7, v4  }
0x2b9: {  	v6 =	vld [tilespmem:s11+$0x10A20]  }
0x2ba: {  	v7 =	vld [tilespmem:s11+$0x10A30];
	[tilespmem:v9+s6+$0x0] =	vst.idx.msk $0xffff, v10  }
0x2bb: {  	v9 =	vld [tilespmem:s10+$0xFFFFFF90];
	_ =	sdelay $0x1  }
0x2bc: {  	v10 =	vadd.s32 v1, v8;
	_ =	sdelay $0x2  }
0x2bd: {  	v9 =	vadd.f32 v9, v5;
	_ =	sdelay $0x1  }
0x2be: {  	[tilespmem:v10+s6+$0x0] =	vst.idx.msk $0xffff, v9  }
0x2bf: {  	v9 =	vld [tilespmem:s10+$0xFFFFFFA0];
	_ =	sdelay $0x1  }
0x2c0: {  	v10 =	vadd.s32 v2, v8;
	_ =	sdelay $0x2  }
0x2c1: {  	v9 =	vadd.f32 v9, v6;
	_ =	sdelay $0x1  }
0x2c2: {  	[tilespmem:v10+s6+$0x0] =	vst.idx.msk $0xffff, v9  }
0x2c3: {  	v9 =	vld [tilespmem:s10+$0xFFFFFFB0];
	_ =	sdelay $0x1  }
0x2c4: {  	v8 =	vadd.s32 v3, v8;
	_ =	sdelay $0x2  }
0x2c5: {  	v9 =	vadd.f32 v9, v7;
	_ =	sdelay $0x1  }
0x2c6: {  	s22 =	simm.s32 $0x1;
	[tilespmem:v8+s6+$0x0] =	vst.idx.msk $0xffff, v9  }
0x2c7: {  	v8 =	vmov s22;
	v9 =	vld [tilespmem:s10+$0xFFFFFFC0]  }
0x2c8: {  	v8 =	vand.u32 $0x7D, v8  }
0x2c9: {  	v10 =	vadd.s32 v0, v8;
	_ =	sdelay $0x2  }
0x2ca: {  	v9 =	vadd.f32 v9, v4;
	_ =	sdelay $0x1  }
0x2cb: {  	[tilespmem:v10+s6+$0x0] =	vst.idx.msk $0xffff, v9  }
0x2cc: {  	v9 =	vld [tilespmem:s10+$0xFFFFFFD0];
	_ =	sdelay $0x1  }
0x2cd: {  	v10 =	vadd.s32 v1, v8;
	_ =	sdelay $0x2  }
0x2ce: {  	v9 =	vadd.f32 v9, v5;
	_ =	sdelay $0x1  }
0x2cf: {  	[tilespmem:v10+s6+$0x0] =	vst.idx.msk $0xffff, v9  }
0x2d0: {  	v9 =	vld [tilespmem:s10+$0xFFFFFFE0];
	_ =	sdelay $0x1  }
0x2d1: {  	v10 =	vadd.s32 v2, v8;
	_ =	sdelay $0x2  }
0x2d2: {  	v9 =	vadd.f32 v9, v6;
	_ =	sdelay $0x1  }
0x2d3: {  	[tilespmem:v10+s6+$0x0] =	vst.idx.msk $0xffff, v9  }
0x2d4: {  	v9 =	vld [tilespmem:s10+$0xFFFFFFF0];
	_ =	sdelay $0x1  }
0x2d5: {  	v8 =	vadd.s32 v3, v8;
	_ =	sdelay $0x2  }
0x2d6: {  	v9 =	vadd.f32 v9, v7;
	_ =	sdelay $0x1  }
0x2d7: {  	s24 =	simm.s32 $0x2;
	[tilespmem:v8+s6+$0x0] =	vst.idx.msk $0xffff, v9  }
0x2d8: {  	v8 =	vmov s24;
	v9 =	vld [tilespmem:s10+$0x0]  }
0x2d9: {  	v8 =	vand.u32 $0x7E, v8  }
0x2da: {  	v10 =	vadd.s32 v0, v8;
	_ =	sdelay $0x2  }
0x2db: {  	v9 =	vadd.f32 v9, v4;
	_ =	sdelay $0x1  }
0x2dc: {  	[tilespmem:v10+s6+$0x0] =	vst.idx.msk $0xffff, v9  }
0x2dd: {  	v9 =	vld [tilespmem:s10+$0x10];
	_ =	sdelay $0x1  }
0x2de: {  	v10 =	vadd.s32 v1, v8;
	_ =	sdelay $0x2  }
0x2df: {  	v9 =	vadd.f32 v9, v5;
	_ =	sdelay $0x1  }
0x2e0: {  	[tilespmem:v10+s6+$0x0] =	vst.idx.msk $0xffff, v9  }
0x2e1: {  	v9 =	vld [tilespmem:s10+$0x20];
	_ =	sdelay $0x1  }
0x2e2: {  	v10 =	vadd.s32 v2, v8;
	_ =	sdelay $0x2  }
0x2e3: {  	v9 =	vadd.f32 v9, v6;
	_ =	sdelay $0x1  }
0x2e4: {  	[tilespmem:v10+s6+$0x0] =	vst.idx.msk $0xffff, v9  }
0x2e5: {  	v9 =	vld [tilespmem:s10+$0x30];
	_ =	sdelay $0x1  }
0x2e6: {  	v8 =	vadd.s32 v3, v8;
	_ =	sdelay $0x2  }
0x2e7: {  	v9 =	vadd.f32 v9, v7;
	_ =	sdelay $0x1  }
0x2e8: {  	s28 =	simm.s32 $0x3;
	[tilespmem:v8+s6+$0x0] =	vst.idx.msk $0xffff, v9  }
0x2e9: {  	v8 =	vmov s28;
	v9 =	vld [tilespmem:s10+$0x40]  }
0x2ea: {  	v8 =	vand.u32 $0x7F, v8  }
0x2eb: {  	v10 =	vadd.s32 v0, v8;
	_ =	sdelay $0x2  }
0x2ec: {  	v9 =	vadd.f32 v9, v4;
	_ =	sdelay $0x1  }
0x2ed: {  	[tilespmem:v10+s6+$0x0] =	vst.idx.msk $0xffff, v9  }
0x2ee: {  	v9 =	vld [tilespmem:s10+$0x50];
	_ =	sdelay $0x1  }
0x2ef: {  	v10 =	vadd.s32 v1, v8;
	_ =	sdelay $0x2  }
0x2f0: {  	v9 =	vadd.f32 v9, v5;
	_ =	sdelay $0x1  }
0x2f1: {  	[tilespmem:v10+s6+$0x0] =	vst.idx.msk $0xffff, v9  }
0x2f2: {  	v9 =	vld [tilespmem:s10+$0x60];
	_ =	sdelay $0x1  }
0x2f3: {  	v10 =	vadd.s32 v2, v8;
	_ =	sdelay $0x2  }
0x2f4: {  	v9 =	vadd.f32 v9, v6;
	_ =	sdelay $0x1  }
0x2f5: {  	[tilespmem:v10+s6+$0x0] =	vst.idx.msk $0xffff, v9  }
0x2f6: {  	v9 =	vld [tilespmem:s10+$0x70];
	_ =	sdelay $0x1  }
0x2f7: {  	v8 =	vadd.s32 v3, v8;
	_ =	sdelay $0x2  }
0x2f8: {  	s16 =	simm.s32 $0x4;
	s11 =	sshrl.u32 s18, $0x5;
	v9 =	vadd.f32 v9, v7  }
.LBB2_22:
0x2f9: {  	p0 =	sne.s32 s16, $0x7C  }
0x2fa: {  	s10 =	sadd.s32 $0x100, s10;
	s22 =	smov.u32 s16;
	s16 =	sadd.s32 $0x4, s16;
	[tilespmem:v8+s6+$0x0] =	vst.idx.msk $0xffff, v9  }
0x2fb: {  	v8 =	vmov s22;
	v9 =	vld [tilespmem:s10+$0xFFFFFF80]  }
0x2fc: {  	v8 =	vand.u32 $0x7C, v8  }
0x2fd: {  	v10 =	vadd.s32 v0, v8;
	_ =	sdelay $0x2  }
0x2fe: {  	v9 =	vadd.f32 v9, v4;
	_ =	sdelay $0x1  }
0x2ff: {  	[tilespmem:v10+s6+$0x0] =	vst.idx.msk $0xffff, v9  }
0x300: {  	v9 =	vld [tilespmem:s10+$0xFFFFFF90];
	_ =	sdelay $0x1  }
0x301: {  	v10 =	vadd.s32 v1, v8;
	_ =	sdelay $0x2  }
0x302: {  	v9 =	vadd.f32 v9, v5;
	_ =	sdelay $0x1  }
0x303: {  	[tilespmem:v10+s6+$0x0] =	vst.idx.msk $0xffff, v9  }
0x304: {  	v9 =	vld [tilespmem:s10+$0xFFFFFFA0];
	_ =	sdelay $0x1  }
0x305: {  	v10 =	vadd.s32 v2, v8;
	_ =	sdelay $0x2  }
0x306: {  	v9 =	vadd.f32 v9, v6;
	_ =	sdelay $0x1  }
0x307: {  	[tilespmem:v10+s6+$0x0] =	vst.idx.msk $0xffff, v9  }
0x308: {  	v9 =	vld [tilespmem:s10+$0xFFFFFFB0];
	_ =	sdelay $0x1  }
0x309: {  	v8 =	vadd.s32 v3, v8;
	_ =	sdelay $0x2  }
0x30a: {  	v9 =	vadd.f32 v9, v7;
	_ =	sdelay $0x1  }
0x30b: {  	s15 =	sadd.s32 $0x1, s22;
	[tilespmem:v8+s6+$0x0] =	vst.idx.msk $0xffff, v9  }
0x30c: {  	v8 =	vmov s15;
	v9 =	vld [tilespmem:s10+$0xFFFFFFC0]  }
0x30d: {  	v8 =	vand.u32 $0x7D, v8  }
0x30e: {  	v10 =	vadd.s32 v0, v8;
	_ =	sdelay $0x2  }
0x30f: {  	v9 =	vadd.f32 v9, v4;
	_ =	sdelay $0x1  }
0x310: {  	[tilespmem:v10+s6+$0x0] =	vst.idx.msk $0xffff, v9  }
0x311: {  	v9 =	vld [tilespmem:s10+$0xFFFFFFD0];
	_ =	sdelay $0x1  }
0x312: {  	v10 =	vadd.s32 v1, v8;
	_ =	sdelay $0x2  }
0x313: {  	v9 =	vadd.f32 v9, v5;
	_ =	sdelay $0x1  }
0x314: {  	[tilespmem:v10+s6+$0x0] =	vst.idx.msk $0xffff, v9  }
0x315: {  	v9 =	vld [tilespmem:s10+$0xFFFFFFE0];
	_ =	sdelay $0x1  }
0x316: {  	v10 =	vadd.s32 v2, v8;
	_ =	sdelay $0x2  }
0x317: {  	v9 =	vadd.f32 v9, v6;
	_ =	sdelay $0x1  }
0x318: {  	[tilespmem:v10+s6+$0x0] =	vst.idx.msk $0xffff, v9  }
0x319: {  	v9 =	vld [tilespmem:s10+$0xFFFFFFF0];
	_ =	sdelay $0x1  }
0x31a: {  	v8 =	vadd.s32 v3, v8;
	_ =	sdelay $0x2  }
0x31b: {  	v9 =	vadd.f32 v9, v7;
	_ =	sdelay $0x1  }
0x31c: {  	s15 =	sadd.s32 $0x2, s22;
	[tilespmem:v8+s6+$0x0] =	vst.idx.msk $0xffff, v9  }
0x31d: {  	v8 =	vmov s15;
	v9 =	vld [tilespmem:s10+$0x0]  }
0x31e: {  	v8 =	vand.u32 $0x7E, v8  }
0x31f: {  	v10 =	vadd.s32 v0, v8;
	_ =	sdelay $0x2  }
0x320: {  	v9 =	vadd.f32 v9, v4;
	_ =	sdelay $0x1  }
0x321: {  	[tilespmem:v10+s6+$0x0] =	vst.idx.msk $0xffff, v9  }
0x322: {  	v9 =	vld [tilespmem:s10+$0x10];
	_ =	sdelay $0x1  }
0x323: {  	v10 =	vadd.s32 v1, v8;
	_ =	sdelay $0x2  }
0x324: {  	v9 =	vadd.f32 v9, v5;
	_ =	sdelay $0x1  }
0x325: {  	[tilespmem:v10+s6+$0x0] =	vst.idx.msk $0xffff, v9  }
0x326: {  	v9 =	vld [tilespmem:s10+$0x20];
	_ =	sdelay $0x1  }
0x327: {  	v10 =	vadd.s32 v2, v8;
	_ =	sdelay $0x2  }
0x328: {  	v9 =	vadd.f32 v9, v6;
	_ =	sdelay $0x1  }
0x329: {  	[tilespmem:v10+s6+$0x0] =	vst.idx.msk $0xffff, v9  }
0x32a: {  	v9 =	vld [tilespmem:s10+$0x30];
	_ =	sdelay $0x1  }
0x32b: {  	v8 =	vadd.s32 v3, v8;
	_ =	sdelay $0x2  }
0x32c: {  	v9 =	vadd.f32 v9, v7;
	_ =	sdelay $0x1  }
0x32d: {  	s15 =	sadd.s32 $0x3, s22;
	[tilespmem:v8+s6+$0x0] =	vst.idx.msk $0xffff, v9  }
0x32e: {  	v8 =	vmov s15;
	v9 =	vld [tilespmem:s10+$0x40]  }
0x32f: {  	v8 =	vand.u32 $0x7F, v8  }
0x330: {  	v10 =	vadd.s32 v0, v8;
	_ =	sdelay $0x2  }
0x331: {  	v9 =	vadd.f32 v9, v4;
	_ =	sdelay $0x1  }
0x332: {  	[tilespmem:v10+s6+$0x0] =	vst.idx.msk $0xffff, v9  }
0x333: {  	v9 =	vld [tilespmem:s10+$0x50];
	_ =	sdelay $0x1  }
0x334: {  	v10 =	vadd.s32 v1, v8;
	_ =	sdelay $0x2  }
0x335: {  	v9 =	vadd.f32 v9, v5;
	_ =	sdelay $0x1  }
0x336: {  	[tilespmem:v10+s6+$0x0] =	vst.idx.msk $0xffff, v9  }
0x337: {  	v9 =	vld [tilespmem:s10+$0x60];
	_ =	sdelay $0x1  }
0x338: {  	v10 =	vadd.s32 v2, v8;
	_ =	sdelay $0x2  }
0x339: {  	v9 =	vadd.f32 v9, v6;
	_ =	sdelay $0x1  }
0x33a: {  	[tilespmem:v10+s6+$0x0] =	vst.idx.msk $0xffff, v9  }
0x33b: {  	v9 =	vld [tilespmem:s10+$0x70]  }
.Ltmp11:
0x33c: {  	(pc) =	sbr.rel @p0 .LBB2_22-.Ltmp11, $2  }
0x33d: {  	v8 =	vadd.s32 v3, v8;
	_ =	sdelay $0x2  }
0x33e: {  	v9 =	vadd.f32 v9, v7  }
0x33f: {  	_ = 	snop  }
0x340: {  	s10 =	sshll.u32 s18, $0x7  }
0x341: {  	s10 =	sand.u32 $0xF80, s10  }
0x342: {  	s11 =	sshll.u32 s11, $0xF;
	s10 =	sadd.s32 s2, s10  }
0x343: {  	s16 =	simm.s32 $0xE800;
	[tilespmem:v8+s6+$0x0] =	vst.idx.msk $0xffff, v9;
	s11 =	sadd.s32 s11, s10  }
0x344: {  	[hbm4b:s11+s3] =	stream.linear.scatter [tilespmem:s16], [sflag:$0xC], $0x80, $0x38;
	[tilespmem:$0x13C00] =	vst v63  }
0x345: {  	s18 =	simm.s32 $0xE888;
	s15 =	sadd.s32 $0x10, s11  }
0x346: {  	[hbm4b:s15+s3] =	stream.linear.scatter [tilespmem:s18], [sflag:$0xC], $0x80, $0x38;
	[tilespmem:$0x13C00] =	vst v63  }
0x347: {  	s20 =	simm.s32 $0xE910;
	s24 =	simm.s32 $0xE998;
	s22 =	sadd.s32 $0x20, s11  }
0x348: {  	[hbm4b:s22+s3] =	stream.linear.scatter [tilespmem:s20], [sflag:$0xC], $0x80, $0x38;
	[tilespmem:$0x13C00] =	vst v63  }
0x349: {  	s10 =	simm.s32 $0x440;
	s28 =	sadd.s32 $0x30, s11;
	s16 =	simm.s32 $0xEA20  }
0x34a: {  	[hbm4b:s28+s3] =	stream.linear.scatter [tilespmem:s24], [sflag:$0xC], $0x80, $0x38;
	[tilespmem:$0x13C00] =	vst v63  }
0x34b: {  	s18 =	sadd.s32 $0x40, s11;
	s20 =	simm.s32 $0xEAA8;
	s22 =	sadd.s32 $0x50, s11  }
0x34c: {  	[hbm4b:s18+s3] =	stream.linear.scatter [tilespmem:s16], [sflag:$0xC], $0x80, $0x38;
	[tilespmem:$0x13C00] =	vst v63  }
0x34d: {  	s24 =	simm.s32 $0xEB30;
	s28 =	sadd.s32 $0x60, s11;
	s16 =	simm.s32 $0x2200  }
0x34e: {  	[hbm4b:s22+s3] =	stream.linear.scatter [tilespmem:s20], [sflag:$0xC], $0x80, $0x38;
	[tilespmem:$0x13C00] =	vst v63  }
0x34f: {  	s18 =	simm.s32 $0xEBB8;
	s22 =	sadd.s32 $0x70, s11;
	s11 =	sadd.s32 $0x1000, s11  }
0x350: {  	[hbm4b:s28+s3] =	stream.linear.scatter [tilespmem:s24], [sflag:$0xC], $0x80, $0x38;
	[tilespmem:$0x13C00] =	vst v63  }
.LBB2_24:
0x351: {  	[hbm4b:s22+s3] =	stream.linear.scatter [tilespmem:s18], [sflag:$0xC], $0x80, $0x38;
	[tilespmem:$0x13C00] =	vst v63  }
0x352: {  	s15 =	smov.u32 s10;
	s10 =	smov.u32 s16  }
0x353: {  	s20 =	sadd.s32 $0x1100, s16;
	s10 =	sshra.s32 s10, $0x2;
	s18 =	sadd.s32 $0xE800, s15  }
0x354: {  	[hbm4b:s11+s3] =	stream.linear.scatter [tilespmem:s18], [sflag:$0xC], $0x80, $0x38;
	[tilespmem:$0x13C00] =	vst v63  }
0x355: {  	p0 =	sne.s32 s16, $0x7700;
	s16 =	sadd.s32 $0xE888, s15;
	s18 =	sadd.s32 $0x10, s11  }
0x356: {  	[hbm4b:s18+s3] =	stream.linear.scatter [tilespmem:s16], [sflag:$0xC], $0x80, $0x38;
	[tilespmem:$0x13C00] =	vst v63  }
0x357: {  	s16 =	sadd.s32 $0xE910, s15;
	s18 =	sadd.s32 $0x20, s11  }
0x358: {  	[hbm4b:s18+s3] =	stream.linear.scatter [tilespmem:s16], [sflag:$0xC], $0x80, $0x38;
	[tilespmem:$0x13C00] =	vst v63  }
0x359: {  	s16 =	sadd.s32 $0xE998, s15;
	s18 =	sadd.s32 $0x30, s11  }
0x35a: {  	[hbm4b:s18+s3] =	stream.linear.scatter [tilespmem:s16], [sflag:$0xC], $0x80, $0x38;
	[tilespmem:$0x13C00] =	vst v63  }
0x35b: {  	s16 =	sadd.s32 $0xEA20, s15;
	s18 =	sadd.s32 $0x40, s11  }
0x35c: {  	[hbm4b:s18+s3] =	stream.linear.scatter [tilespmem:s16], [sflag:$0xC], $0x80, $0x38;
	[tilespmem:$0x13C00] =	vst v63  }
.Ltmp12:
0x35d: {  	s16 =	sadd.s32 $0xEAA8, s15;
	s18 =	sadd.s32 $0x50, s11;
	(pc) =	sbr.rel @p0 .LBB2_24-.Ltmp12, $4  }
0x35e: {  	[hbm4b:s18+s3] =	stream.linear.scatter [tilespmem:s16], [sflag:$0xC], $0x80, $0x38;
	[tilespmem:$0x13C00] =	vst v63  }
0x35f: {  	s22 =	sadd.s32 $0x70, s11;
	s16 =	sadd.s32 $0xEB30, s15;
	s18 =	sadd.s32 $0x60, s11  }
0x360: {  	[hbm4b:s18+s3] =	stream.linear.scatter [tilespmem:s16], [sflag:$0xC], $0x80, $0x38;
	[tilespmem:$0x13C00] =	vst v63  }
0x361: {  	s11 =	sadd.s32 $0x1000, s11;
	s18 =	sadd.s32 $0xEBB8, s15;
	s16 =	smov.u32 s20  }
0x362: {  	[hbm4b:s22+s3] =	stream.linear.scatter [tilespmem:s18], [sflag:$0xC], $0x80, $0x38;
	[tilespmem:$0x13C00] =	vst v63  }
0x363: {  	s15 =	sadd.s32 $0xE800, s10  }
0x364: {  	[hbm4b:s11+s3] =	stream.linear.scatter [tilespmem:s15], [sflag:$0xC], $0x80, $0x38;
	[tilespmem:$0x13C00] =	vst v63  }
0x365: {  	s28 =	sadd.s32 $0xE888, s10;
	s16 =	sadd.s32 $0x10, s11  }
0x366: {  	[hbm4b:s16+s3] =	stream.linear.scatter [tilespmem:s28], [sflag:$0xC], $0x80, $0x38;
	[tilespmem:$0x13C00] =	vst v63  }
0x367: {  	s18 =	sadd.s32 $0x20, s11;
	s16 =	sadd.s32 $0xE910, s10  }
0x368: {  	[hbm4b:s18+s3] =	stream.linear.scatter [tilespmem:s16], [sflag:$0xC], $0x80, $0x38;
	[tilespmem:$0x13C00] =	vst v63  }
0x369: {  	s20 =	sadd.s32 $0xE998, s10;
	s22 =	sadd.s32 $0x30, s11  }
0x36a: {  	[hbm4b:s22+s3] =	stream.linear.scatter [tilespmem:s20], [sflag:$0xC], $0x80, $0x38;
	[tilespmem:$0x13C00] =	vst v63  }
0x36b: {  	s24 =	sadd.s32 $0xEA20, s10;
	s8 =	sadd.s32 $0x1, s8;
	s28 =	sadd.s32 $0x40, s11  }
0x36c: {  	[hbm4b:s28+s3] =	stream.linear.scatter [tilespmem:s24], [sflag:$0xC], $0x80, $0x38;
	[tilespmem:$0x13C00] =	vst v63  }
0x36d: {  	p0 =	sne.s32 s8, $0x32;
	s16 =	sadd.s32 $0xEAA8, s10;
	s18 =	sadd.s32 $0x50, s11  }
0x36e: {  	[hbm4b:s18+s3] =	stream.linear.scatter [tilespmem:s16], [sflag:$0xC], $0x80, $0x38;
	[tilespmem:$0x13C00] =	vst v63  }
.Ltmp13:
0x36f: {  	_ = 	snop;
	(pc) =	sbr.rel @p0 .LBB2_2-.Ltmp13, $4  }
0x370: {  	s20 =	sadd.s32 $0xEB30, s10;
	s22 =	sadd.s32 $0x60, s11  }
0x371: {  	[hbm4b:s22+s3] =	stream.linear.scatter [tilespmem:s20], [sflag:$0xC], $0x80, $0x38;
	[tilespmem:$0x13C00] =	vst v63  }
0x372: {  	s24 =	sadd.s32 $0xEBB8, s10;
	s28 =	sadd.s32 $0x70, s11  }
0x373: {  	[hbm4b:s28+s3] =	stream.linear.scatter [tilespmem:s24], [sflag:$0xC], $0x80, $0x38;
	[tilespmem:$0x13C00] =	vst v63  }
0x374: {  	_ =	swait.ge [sflag:s9], $0x2000  }
0x375: {  	[sflag:s9] =	ssyncset.done $0x0  }
0x376: {  	s8 =	simm.s32 $0xA;
	[sflag:s9] =	ssyncadd.s32 $0xFFFFE000  }
0x377: {  	_ =	swait.ge [sflag:s8], $0x2000  }
0x378: {  	[sflag:s8] =	ssyncset.done $0x0  }
0x379: {  	s24 =	simm.s32 $0xB;
	[sflag:s8] =	ssyncadd.s32 $0xFFFFE000  }
0x37a: {  	_ =	swait.ge [sflag:s24], $0x2000  }
0x37b: {  	[sflag:s24] =	ssyncset.done $0x0  }
0x37c: {  	[sflag:s24] =	ssyncadd.s32 $0xFFFFE000  }
0x37d: {  	_ =	swait.ge [sflag:s25], $0x2000  }
0x37e: {  	s10 =	rddreg [dreg:$0xa]  }
0x37f: {  	s28 =	rddreg [dreg:$0x9];
	s10 =	sadd.s32 $0x1, s10  }
0x380: {  	p0 =	sne.s32 s10, s28  }
.Ltmp14:
0x381: {  	_ = 	snop;
	(pc) =	sbr.rel @p0 .LBB2_1-.Ltmp14, $3  }
0x382: {  	_ =	sdelay $0x1  }
0x383: {  	[sflag:s25] =	ssyncset.done $0x0  }
0x384: {  	[sflag:s25] =	ssyncadd.s32 $0xFFFFE000  }
0x385: {  	_ =	sfence.sel $0x180000  }
0x386: {  	[bflag:$0x0] =	sbarrier.arrive $0xFFFF  }
0x387: {  	_ =	strace $0x90000047  }
0x388: {  	s0 =	stileid.u32;
	[bflag:$0x2] =	sbarrier.arrive $0xFFFF  }
0x389: {  	p0 =	sne.s32 s0, $0x0;
	s0 =	rddreg [dreg:$0x2]  }
0x38a: {  	s0 =	sadd.s32 @!p0 $0x100000, s0  }
0x38b: {  	[sflag:s0] =	ssyncadd.tile.s32 @!p0 $0x1;
	_ =	shalt  }
.Lfunc_end2:
_tile_overlayer_lowered:
.L_overlay_start_2:
0x38c: {  	(tag) =	ssettag $0x2  }
0x38d: {  	s0 =	rddreg [dreg:$0x0];
	s2 =	stileid.u32  }
0x38e: {  	s1 =	rddreg [dreg:$0x1];
	p0 =	sne.s32 s2, $0x0  }
0x38f: {  	s3 =	rddreg [dreg:$0x2];
	[bflag:$0x3] =	sbarrier.arrive $0xFFFF;
	s2 =	simm.s32 @!p0 $0x1C0D  }
0x390: {  	[timem:s3], [sflag:s2] =	dma.local @!p0 [hbm:s0], s1  }
0x391: {  	s0 =	simm.s32 @!p0 $0xD  }
0x392: {  	_ =	swait.ge @!p0 [sflag:s0], s1  }
0x393: {  	s1 =	ssub.s32 @!p0 $0x0, s1;
	[sflag:s0] =	ssyncset.done @!p0 $0x0  }
0x394: {  	[sflag:s0] =	ssyncadd.s32 @!p0 s1  }
0x395: {  	[bflag:$0x3] =	sbarrier.arrive $0xFFFF  }
0x396: {  	_ =	shalt  }

</sc_bundles>
